<compile_context>
chip_gen: v7x
topology: tpu7x:2x2x1
jax: 0.10.2.dev20260603
libtpu: 0.0.44.dev20260713+nightly
codegen_flags: <defaults>
</compile_context>

<pallas_src>
import functools

import jax
import jax.numpy as jnp
from jax import lax
from jax.experimental import pallas as pl
from jax.experimental.pallas import tpu as pltpu
from jax.experimental.pallas import tpu_sc as plsc


@functools.cache
def _make_gather(hist: int, batch: int, d: int):
    info = plsc.get_sparse_core_info()
    nc, ns, nl = info.num_cores, info.num_subcores, info.num_lanes
    nw = nc * ns
    assert batch % nw == 0
    bw = batch // nw
    assert hist % 2 == 0
    mesh = plsc.VectorSubcoreMesh(core_axis_name="c", subcore_axis_name="s")

    @functools.partial(
        pl.kernel,
        mesh=mesh,
        compiler_params=pltpu.CompilerParams(
            use_tc_tiling_on_sc=False,
            needs_layout_passes=False,
            disable_bounds_checks=True,
        ),
        out_type=jax.ShapeDtypeStruct((hist, d, batch), jnp.float32),
        scratch_types=[
            pltpu.VMEM((hist, bw), jnp.float32),
            pltpu.VMEM((hist, bw), jnp.int32),
            pltpu.VMEM((2, bw, d), jnp.float32),
            pltpu.VMEM((2, d, bw), jnp.float32),
            pltpu.SemaphoreType.DMA((2,)),
            pltpu.SemaphoreType.DMA((2,)),
        ],
    )
    def k(table_hbm, xt_hbm, out_hbm, idxf_v, idx_v, g_v, tr_v, gsem, wsem):
        wid = lax.axis_index("s") * nc + lax.axis_index("c")
        b0 = wid * bw
        pltpu.sync_copy(xt_hbm.at[:, pl.ds(b0, bw)], idxf_v)

        def tobits(t, carry):
            for i0 in range(0, bw, nl):
                idx_v[t, pl.ds(i0, nl)] = plsc.bitcast(
                    idxf_v[t, pl.ds(i0, nl)], jnp.int32
                )
            return carry

        lax.fori_loop(0, hist, tobits, 0)

        def gather_copy(t, b):
            return pltpu.make_async_copy(
                table_hbm.at[idx_v.at[t]], g_v.at[b], gsem.at[b]
            )

        def write_copy(t, b):
            return pltpu.make_async_copy(
                tr_v.at[b], out_hbm.at[t, :, pl.ds(b0, bw)], wsem.at[b]
            )

        lanes = lax.iota(jnp.int32, nl)

        def transpose(b):
            def body(i, carry):
                r = lanes + i * nl
                for dd in range(d):
                    c = (lanes + dd) & (d - 1)
                    v = plsc.load_gather(g_v.at[b], [r, c])
                    plsc.store_scatter(tr_v.at[b], [c, r], v)
                return carry

            lax.fori_loop(0, bw // nl, body, 0)

        gather_copy(0, 0).start()

        def outer(o, carry):
            for b in (0, 1):
                t = 2 * o + b

                @pl.when(t < hist - 1)
                def _():
                    gather_copy(t + 1, 1 - b).start()

                gather_copy(t, b).wait()

                @pl.when(t >= 2)
                def _():
                    write_copy(t - 2, b).wait()

                transpose(b)
                write_copy(t, b).start()
            return carry

        lax.fori_loop(0, hist // 2, outer, 0)
        write_copy(hist - 2, 0).wait()
        write_copy(hist - 1, 1).wait()

    return k


def kernel(x, table):
    b, h = x.shape
    v, d = table.shape
    xtf = lax.bitcast_convert_type(x, jnp.float32).T
    o = _make_gather(h, b, d)(table, xtf)
    return o.transpose(2, 0, 1)

# --- scband reference (transcript-rebuilt; emitter-appended) ---
"""Pipeline reference for scband-item-embeddings-76828374990997 (READ-ONLY COPY).

The authoritative reference and input builder live on the scoring server;
editing this copy changes nothing except your own understanding.
"""

import jax, jax.numpy as jnp
import numpy as np

VOCAB = 1000000
EMBED_DIM = 32
BATCH = 16384
HIST = 50

def setup_inputs(seed: int = 0) -> dict:
    key = jax.random.key(seed)
    k_idx, k_tab = jax.random.split(key)
    x = jax.random.randint(k_idx, (BATCH, HIST), 0, VOCAB, dtype=jnp.int64 if jax.config.jax_enable_x64 else jnp.int32)
    table = jax.random.normal(k_tab, (VOCAB, EMBED_DIM), dtype=jnp.float32)
    return {"x": x, "table": table}

def reference(x, table):
    # nn.Embedding lookup: output[b, t, :] = table[x[b, t], :]
    out = jnp.take(table, x, axis=0)
    return out

if __name__ == "__main__":
    import jax
    _d = setup_inputs()
    print(jax.jit(kernel)(*tuple(_d.values())))

</pallas_src>

<mosaic_0001>
#map = affine_map<(d0, d1) -> (0, 0)>
#map1 = affine_map<(d0, d1) -> (0, 0, 0)>
module attributes {stable_mosaic.version = 14 : i64} {
  func.func @k(%arg0: i32, %arg1: i32, %arg2: memref<1000000x32xf32, #tpu.memory_space<hbm>>, %arg3: memref<50x16384xf32, #tpu.memory_space<hbm>>, %arg4: memref<50x32x16384xf32, #tpu.memory_space<hbm>>, %arg5: memref<50x512xf32, #tpu.memory_space<vmem>>, %arg6: memref<50x512xi32, #tpu.memory_space<vmem>>, %arg7: memref<2x512x32xf32, #tpu.memory_space<vmem>>, %arg8: memref<2x32x512xf32, #tpu.memory_space<vmem>>, %arg9: memref<2x!tpu.dma_semaphore, #tpu.memory_space<semaphore_mem>>, %arg10: memref<2x!tpu.dma_semaphore, #tpu.memory_space<semaphore_mem>>) attributes {dimension_semantics = [#tpu.dimension_semantics<core_parallel>, #tpu.dimension_semantics<subcore_parallel>], iteration_bounds = array<i64: 2, 16>, scalar_prefetch = 0 : i64, scratch_operands = 6 : i64, tpu.core_type = #tpu.core_type<sc_vector_subcore>, window_params = [{transform_indices = #map}, {transform_indices = #map}, {transform_indices = #map1}]} {
    %mul3A = arith.constant 2 : i32
    %mul3A_0 = arith.muli %arg1, %mul3A : i32
    %add3A = arith.addi %mul3A_0, %arg0 : i32
    %mul3A_1 = arith.constant 512 : i32
    %mul3A_2 = arith.muli %add3A, %mul3A_1 : i32
    "tpu.region"() ({
      %run_scoped3A = tpu.sem_alloc : memref<!tpu.dma_semaphore, #tpu.memory_space<semaphore_mem>>
      %dma_start3A_65 = arith.constant 0 : i32
      %dma_start3A_66 = tpu.memref_slice %arg3[%dma_start3A_65, %mul3A_2] : memref<50x16384xf32, #tpu.memory_space<hbm>> -> memref<50x512xf32, #tpu.memory_space<hbm>>
      %dma_start3A_67 = arith.constant 0 : i32
      %dma_start3A_68 = tpu.memref_slice %arg3[%dma_start3A_67, %mul3A_2] : memref<50x16384xf32, #tpu.memory_space<hbm>> -> memref<50x512xf32, #tpu.memory_space<hbm>>
      tpu.enqueue_dma source(%dma_start3A_68 : memref<50x512xf32, #tpu.memory_space<hbm>>) target(%arg5 : memref<50x512xf32, #tpu.memory_space<vmem>>) target_semaphore(%run_scoped3A : memref<!tpu.dma_semaphore, #tpu.memory_space<semaphore_mem>>)
      %dma_wait3A_69 = arith.constant 0 : i32
      %dma_wait3A_70 = tpu.memref_slice %arg3[%dma_wait3A_69, %mul3A_2] : memref<50x16384xf32, #tpu.memory_space<hbm>> -> memref<50x512xf32, #tpu.memory_space<hbm>>
      %dma_wait3A_71 = arith.constant 0 : i32
      %dma_wait3A_72 = tpu.memref_slice %arg3[%dma_wait3A_71, %mul3A_2] : memref<50x16384xf32, #tpu.memory_space<hbm>> -> memref<50x512xf32, #tpu.memory_space<hbm>>
      tpu.wait_dma2 semaphore(%run_scoped3A : memref<!tpu.dma_semaphore, #tpu.memory_space<semaphore_mem>>) src(%dma_wait3A_72 : memref<50x512xf32, #tpu.memory_space<hbm>>) dst(%arg5 : memref<50x512xf32, #tpu.memory_space<vmem>>)
      tpu.yield
    }) : () -> ()
    %scan3A = arith.constant 0 : i32
    %scan3A_3 = arith.constant 0 : i32
    %scan3A_4 = arith.constant 50 : i32
    %scan3A_5 = arith.addi %scan3A_3, %scan3A_4 : i32
    %scan3A_6 = arith.constant 1 : i32
    scf.for %scan3A_65 = %scan3A_3 to %scan3A_5 step %scan3A_6  : i32 {
      %get3A = arith.index_cast %scan3A_65 : i32 to index
      %get3A_66 = arith.constant 0 : index
      %get3A_67 = tpu.vector_load %arg5[%get3A, %get3A_66] {strides = array<i32>} : memref<50x512xf32, #tpu.memory_space<vmem>>, vector<16xf32>,
      %bitcast3A = vector.bitcast %get3A_67 : vector<16xf32> to vector<16xi32>
      %swap3A = arith.index_cast %scan3A_65 : i32 to index
      %swap3A_68 = arith.constant 0 : index
      %swap3A_69 = tpu.vector_load %arg6[%swap3A, %swap3A_68] {strides = array<i32>} : memref<50x512xi32, #tpu.memory_space<vmem>>, vector<16xi32>,
      tpu.vector_store %arg6[%swap3A, %swap3A_68], %bitcast3A {strides = array<i32>} : memref<50x512xi32, #tpu.memory_space<vmem>>, vector<16xi32>,
      %get3A_70 = arith.index_cast %scan3A_65 : i32 to index
      %get3A_71 = arith.constant 16 : index
      %get3A_72 = tpu.vector_load %arg5[%get3A_70, %get3A_71] {strides = array<i32>} : memref<50x512xf32, #tpu.memory_space<vmem>>, vector<16xf32>,
      %bitcast3A_73 = vector.bitcast %get3A_72 : vector<16xf32> to vector<16xi32>
      %swap3A_74 = arith.index_cast %scan3A_65 : i32 to index
      %swap3A_75 = arith.constant 16 : index
      %swap3A_76 = tpu.vector_load %arg6[%swap3A_74, %swap3A_75] {strides = array<i32>} : memref<50x512xi32, #tpu.memory_space<vmem>>, vector<16xi32>,
      tpu.vector_store %arg6[%swap3A_74, %swap3A_75], %bitcast3A_73 {strides = array<i32>} : memref<50x512xi32, #tpu.memory_space<vmem>>, vector<16xi32>,
      %get3A_77 = arith.index_cast %scan3A_65 : i32 to index
      %get3A_78 = arith.constant 32 : index
      %get3A_79 = tpu.vector_load %arg5[%get3A_77, %get3A_78] {strides = array<i32>} : memref<50x512xf32, #tpu.memory_space<vmem>>, vector<16xf32>,
      %bitcast3A_80 = vector.bitcast %get3A_79 : vector<16xf32> to vector<16xi32>
      %swap3A_81 = arith.index_cast %scan3A_65 : i32 to index
      %swap3A_82 = arith.constant 32 : index
      %swap3A_83 = tpu.vector_load %arg6[%swap3A_81, %swap3A_82] {strides = array<i32>} : memref<50x512xi32, #tpu.memory_space<vmem>>, vector<16xi32>,
      tpu.vector_store %arg6[%swap3A_81, %swap3A_82], %bitcast3A_80 {strides = array<i32>} : memref<50x512xi32, #tpu.memory_space<vmem>>, vector<16xi32>,
      %get3A_84 = arith.index_cast %scan3A_65 : i32 to index
      %get3A_85 = arith.constant 48 : index
      %get3A_86 = tpu.vector_load %arg5[%get3A_84, %get3A_85] {strides = array<i32>} : memref<50x512xf32, #tpu.memory_space<vmem>>, vector<16xf32>,
      %bitcast3A_87 = vector.bitcast %get3A_86 : vector<16xf32> to vector<16xi32>
      %swap3A_88 = arith.index_cast %scan3A_65 : i32 to index
      %swap3A_89 = arith.constant 48 : index
      %swap3A_90 = tpu.vector_load %arg6[%swap3A_88, %swap3A_89] {strides = array<i32>} : memref<50x512xi32, #tpu.memory_space<vmem>>, vector<16xi32>,
      tpu.vector_store %arg6[%swap3A_88, %swap3A_89], %bitcast3A_87 {strides = array<i32>} : memref<50x512xi32, #tpu.memory_space<vmem>>, vector<16xi32>,
      %get3A_91 = arith.index_cast %scan3A_65 : i32 to index
      %get3A_92 = arith.constant 64 : index
      %get3A_93 = tpu.vector_load %arg5[%get3A_91, %get3A_92] {strides = array<i32>} : memref<50x512xf32, #tpu.memory_space<vmem>>, vector<16xf32>,
      %bitcast3A_94 = vector.bitcast %get3A_93 : vector<16xf32> to vector<16xi32>
      %swap3A_95 = arith.index_cast %scan3A_65 : i32 to index
      %swap3A_96 = arith.constant 64 : index
      %swap3A_97 = tpu.vector_load %arg6[%swap3A_95, %swap3A_96] {strides = array<i32>} : memref<50x512xi32, #tpu.memory_space<vmem>>, vector<16xi32>,
      tpu.vector_store %arg6[%swap3A_95, %swap3A_96], %bitcast3A_94 {strides = array<i32>} : memref<50x512xi32, #tpu.memory_space<vmem>>, vector<16xi32>,
      %get3A_98 = arith.index_cast %scan3A_65 : i32 to index
      %get3A_99 = arith.constant 80 : index
      %get3A_100 = tpu.vector_load %arg5[%get3A_98, %get3A_99] {strides = array<i32>} : memref<50x512xf32, #tpu.memory_space<vmem>>, vector<16xf32>,
      %bitcast3A_101 = vector.bitcast %get3A_100 : vector<16xf32> to vector<16xi32>
      %swap3A_102 = arith.index_cast %scan3A_65 : i32 to index
      %swap3A_103 = arith.constant 80 : index
      %swap3A_104 = tpu.vector_load %arg6[%swap3A_102, %swap3A_103] {strides = array<i32>} : memref<50x512xi32, #tpu.memory_space<vmem>>, vector<16xi32>,
      tpu.vector_store %arg6[%swap3A_102, %swap3A_103], %bitcast3A_101 {strides = array<i32>} : memref<50x512xi32, #tpu.memory_space<vmem>>, vector<16xi32>,
      %get3A_105 = arith.index_cast %scan3A_65 : i32 to index
      %get3A_106 = arith.constant 96 : index
      %get3A_107 = tpu.vector_load %arg5[%get3A_105, %get3A_106] {strides = array<i32>} : memref<50x512xf32, #tpu.memory_space<vmem>>, vector<16xf32>,
      %bitcast3A_108 = vector.bitcast %get3A_107 : vector<16xf32> to vector<16xi32>
      %swap3A_109 = arith.index_cast %scan3A_65 : i32 to index
      %swap3A_110 = arith.constant 96 : index
      %swap3A_111 = tpu.vector_load %arg6[%swap3A_109, %swap3A_110] {strides = array<i32>} : memref<50x512xi32, #tpu.memory_space<vmem>>, vector<16xi32>,
      tpu.vector_store %arg6[%swap3A_109, %swap3A_110], %bitcast3A_108 {strides = array<i32>} : memref<50x512xi32, #tpu.memory_space<vmem>>, vector<16xi32>,
      %get3A_112 = arith.index_cast %scan3A_65 : i32 to index
      %get3A_113 = arith.constant 112 : index
      %get3A_114 = tpu.vector_load %arg5[%get3A_112, %get3A_113] {strides = array<i32>} : memref<50x512xf32, #tpu.memory_space<vmem>>, vector<16xf32>,
      %bitcast3A_115 = vector.bitcast %get3A_114 : vector<16xf32> to vector<16xi32>
      %swap3A_116 = arith.index_cast %scan3A_65 : i32 to index
      %swap3A_117 = arith.constant 112 : index
      %swap3A_118 = tpu.vector_load %arg6[%swap3A_116, %swap3A_117] {strides = array<i32>} : memref<50x512xi32, #tpu.memory_space<vmem>>, vector<16xi32>,
      tpu.vector_store %arg6[%swap3A_116, %swap3A_117], %bitcast3A_115 {strides = array<i32>} : memref<50x512xi32, #tpu.memory_space<vmem>>, vector<16xi32>,
      %get3A_119 = arith.index_cast %scan3A_65 : i32 to index
      %get3A_120 = arith.constant 128 : index
      %get3A_121 = tpu.vector_load %arg5[%get3A_119, %get3A_120] {strides = array<i32>} : memref<50x512xf32, #tpu.memory_space<vmem>>, vector<16xf32>,
      %bitcast3A_122 = vector.bitcast %get3A_121 : vector<16xf32> to vector<16xi32>
      %swap3A_123 = arith.index_cast %scan3A_65 : i32 to index
      %swap3A_124 = arith.constant 128 : index
      %swap3A_125 = tpu.vector_load %arg6[%swap3A_123, %swap3A_124] {strides = array<i32>} : memref<50x512xi32, #tpu.memory_space<vmem>>, vector<16xi32>,
      tpu.vector_store %arg6[%swap3A_123, %swap3A_124], %bitcast3A_122 {strides = array<i32>} : memref<50x512xi32, #tpu.memory_space<vmem>>, vector<16xi32>,
      %get3A_126 = arith.index_cast %scan3A_65 : i32 to index
      %get3A_127 = arith.constant 144 : index
      %get3A_128 = tpu.vector_load %arg5[%get3A_126, %get3A_127] {strides = array<i32>} : memref<50x512xf32, #tpu.memory_space<vmem>>, vector<16xf32>,
      %bitcast3A_129 = vector.bitcast %get3A_128 : vector<16xf32> to vector<16xi32>
      %swap3A_130 = arith.index_cast %scan3A_65 : i32 to index
      %swap3A_131 = arith.constant 144 : index
      %swap3A_132 = tpu.vector_load %arg6[%swap3A_130, %swap3A_131] {strides = array<i32>} : memref<50x512xi32, #tpu.memory_space<vmem>>, vector<16xi32>,
      tpu.vector_store %arg6[%swap3A_130, %swap3A_131], %bitcast3A_129 {strides = array<i32>} : memref<50x512xi32, #tpu.memory_space<vmem>>, vector<16xi32>,
      %get3A_133 = arith.index_cast %scan3A_65 : i32 to index
      %get3A_134 = arith.constant 160 : index
      %get3A_135 = tpu.vector_load %arg5[%get3A_133, %get3A_134] {strides = array<i32>} : memref<50x512xf32, #tpu.memory_space<vmem>>, vector<16xf32>,
      %bitcast3A_136 = vector.bitcast %get3A_135 : vector<16xf32> to vector<16xi32>
      %swap3A_137 = arith.index_cast %scan3A_65 : i32 to index
      %swap3A_138 = arith.constant 160 : index
      %swap3A_139 = tpu.vector_load %arg6[%swap3A_137, %swap3A_138] {strides = array<i32>} : memref<50x512xi32, #tpu.memory_space<vmem>>, vector<16xi32>,
      tpu.vector_store %arg6[%swap3A_137, %swap3A_138], %bitcast3A_136 {strides = array<i32>} : memref<50x512xi32, #tpu.memory_space<vmem>>, vector<16xi32>,
      %get3A_140 = arith.index_cast %scan3A_65 : i32 to index
      %get3A_141 = arith.constant 176 : index
      %get3A_142 = tpu.vector_load %arg5[%get3A_140, %get3A_141] {strides = array<i32>} : memref<50x512xf32, #tpu.memory_space<vmem>>, vector<16xf32>,
      %bitcast3A_143 = vector.bitcast %get3A_142 : vector<16xf32> to vector<16xi32>
      %swap3A_144 = arith.index_cast %scan3A_65 : i32 to index
      %swap3A_145 = arith.constant 176 : index
      %swap3A_146 = tpu.vector_load %arg6[%swap3A_144, %swap3A_145] {strides = array<i32>} : memref<50x512xi32, #tpu.memory_space<vmem>>, vector<16xi32>,
      tpu.vector_store %arg6[%swap3A_144, %swap3A_145], %bitcast3A_143 {strides = array<i32>} : memref<50x512xi32, #tpu.memory_space<vmem>>, vector<16xi32>,
      %get3A_147 = arith.index_cast %scan3A_65 : i32 to index
      %get3A_148 = arith.constant 192 : index
      %get3A_149 = tpu.vector_load %arg5[%get3A_147, %get3A_148] {strides = array<i32>} : memref<50x512xf32, #tpu.memory_space<vmem>>, vector<16xf32>,
      %bitcast3A_150 = vector.bitcast %get3A_149 : vector<16xf32> to vector<16xi32>
      %swap3A_151 = arith.index_cast %scan3A_65 : i32 to index
      %swap3A_152 = arith.constant 192 : index
      %swap3A_153 = tpu.vector_load %arg6[%swap3A_151, %swap3A_152] {strides = array<i32>} : memref<50x512xi32, #tpu.memory_space<vmem>>, vector<16xi32>,
      tpu.vector_store %arg6[%swap3A_151, %swap3A_152], %bitcast3A_150 {strides = array<i32>} : memref<50x512xi32, #tpu.memory_space<vmem>>, vector<16xi32>,
      %get3A_154 = arith.index_cast %scan3A_65 : i32 to index
      %get3A_155 = arith.constant 208 : index
      %get3A_156 = tpu.vector_load %arg5[%get3A_154, %get3A_155] {strides = array<i32>} : memref<50x512xf32, #tpu.memory_space<vmem>>, vector<16xf32>,
      %bitcast3A_157 = vector.bitcast %get3A_156 : vector<16xf32> to vector<16xi32>
      %swap3A_158 = arith.index_cast %scan3A_65 : i32 to index
      %swap3A_159 = arith.constant 208 : index
      %swap3A_160 = tpu.vector_load %arg6[%swap3A_158, %swap3A_159] {strides = array<i32>} : memref<50x512xi32, #tpu.memory_space<vmem>>, vector<16xi32>,
      tpu.vector_store %arg6[%swap3A_158, %swap3A_159], %bitcast3A_157 {strides = array<i32>} : memref<50x512xi32, #tpu.memory_space<vmem>>, vector<16xi32>,
      %get3A_161 = arith.index_cast %scan3A_65 : i32 to index
      %get3A_162 = arith.constant 224 : index
      %get3A_163 = tpu.vector_load %arg5[%get3A_161, %get3A_162] {strides = array<i32>} : memref<50x512xf32, #tpu.memory_space<vmem>>, vector<16xf32>,
      %bitcast3A_164 = vector.bitcast %get3A_163 : vector<16xf32> to vector<16xi32>
      %swap3A_165 = arith.index_cast %scan3A_65 : i32 to index
      %swap3A_166 = arith.constant 224 : index
      %swap3A_167 = tpu.vector_load %arg6[%swap3A_165, %swap3A_166] {strides = array<i32>} : memref<50x512xi32, #tpu.memory_space<vmem>>, vector<16xi32>,
      tpu.vector_store %arg6[%swap3A_165, %swap3A_166], %bitcast3A_164 {strides = array<i32>} : memref<50x512xi32, #tpu.memory_space<vmem>>, vector<16xi32>,
      %get3A_168 = arith.index_cast %scan3A_65 : i32 to index
      %get3A_169 = arith.constant 240 : index
      %get3A_170 = tpu.vector_load %arg5[%get3A_168, %get3A_169] {strides = array<i32>} : memref<50x512xf32, #tpu.memory_space<vmem>>, vector<16xf32>,
      %bitcast3A_171 = vector.bitcast %get3A_170 : vector<16xf32> to vector<16xi32>
      %swap3A_172 = arith.index_cast %scan3A_65 : i32 to index
      %swap3A_173 = arith.constant 240 : index
      %swap3A_174 = tpu.vector_load %arg6[%swap3A_172, %swap3A_173] {strides = array<i32>} : memref<50x512xi32, #tpu.memory_space<vmem>>, vector<16xi32>,
      tpu.vector_store %arg6[%swap3A_172, %swap3A_173], %bitcast3A_171 {strides = array<i32>} : memref<50x512xi32, #tpu.memory_space<vmem>>, vector<16xi32>,
      %get3A_175 = arith.index_cast %scan3A_65 : i32 to index
      %get3A_176 = arith.constant 256 : index
      %get3A_177 = tpu.vector_load %arg5[%get3A_175, %get3A_176] {strides = array<i32>} : memref<50x512xf32, #tpu.memory_space<vmem>>, vector<16xf32>,
      %bitcast3A_178 = vector.bitcast %get3A_177 : vector<16xf32> to vector<16xi32>
      %swap3A_179 = arith.index_cast %scan3A_65 : i32 to index
      %swap3A_180 = arith.constant 256 : index
      %swap3A_181 = tpu.vector_load %arg6[%swap3A_179, %swap3A_180] {strides = array<i32>} : memref<50x512xi32, #tpu.memory_space<vmem>>, vector<16xi32>,
      tpu.vector_store %arg6[%swap3A_179, %swap3A_180], %bitcast3A_178 {strides = array<i32>} : memref<50x512xi32, #tpu.memory_space<vmem>>, vector<16xi32>,
      %get3A_182 = arith.index_cast %scan3A_65 : i32 to index
      %get3A_183 = arith.constant 272 : index
      %get3A_184 = tpu.vector_load %arg5[%get3A_182, %get3A_183] {strides = array<i32>} : memref<50x512xf32, #tpu.memory_space<vmem>>, vector<16xf32>,
      %bitcast3A_185 = vector.bitcast %get3A_184 : vector<16xf32> to vector<16xi32>
      %swap3A_186 = arith.index_cast %scan3A_65 : i32 to index
      %swap3A_187 = arith.constant 272 : index
      %swap3A_188 = tpu.vector_load %arg6[%swap3A_186, %swap3A_187] {strides = array<i32>} : memref<50x512xi32, #tpu.memory_space<vmem>>, vector<16xi32>,
      tpu.vector_store %arg6[%swap3A_186, %swap3A_187], %bitcast3A_185 {strides = array<i32>} : memref<50x512xi32, #tpu.memory_space<vmem>>, vector<16xi32>,
      %get3A_189 = arith.index_cast %scan3A_65 : i32 to index
      %get3A_190 = arith.constant 288 : index
      %get3A_191 = tpu.vector_load %arg5[%get3A_189, %get3A_190] {strides = array<i32>} : memref<50x512xf32, #tpu.memory_space<vmem>>, vector<16xf32>,
      %bitcast3A_192 = vector.bitcast %get3A_191 : vector<16xf32> to vector<16xi32>
      %swap3A_193 = arith.index_cast %scan3A_65 : i32 to index
      %swap3A_194 = arith.constant 288 : index
      %swap3A_195 = tpu.vector_load %arg6[%swap3A_193, %swap3A_194] {strides = array<i32>} : memref<50x512xi32, #tpu.memory_space<vmem>>, vector<16xi32>,
      tpu.vector_store %arg6[%swap3A_193, %swap3A_194], %bitcast3A_192 {strides = array<i32>} : memref<50x512xi32, #tpu.memory_space<vmem>>, vector<16xi32>,
      %get3A_196 = arith.index_cast %scan3A_65 : i32 to index
      %get3A_197 = arith.constant 304 : index
      %get3A_198 = tpu.vector_load %arg5[%get3A_196, %get3A_197] {strides = array<i32>} : memref<50x512xf32, #tpu.memory_space<vmem>>, vector<16xf32>,
      %bitcast3A_199 = vector.bitcast %get3A_198 : vector<16xf32> to vector<16xi32>
      %swap3A_200 = arith.index_cast %scan3A_65 : i32 to index
      %swap3A_201 = arith.constant 304 : index
      %swap3A_202 = tpu.vector_load %arg6[%swap3A_200, %swap3A_201] {strides = array<i32>} : memref<50x512xi32, #tpu.memory_space<vmem>>, vector<16xi32>,
      tpu.vector_store %arg6[%swap3A_200, %swap3A_201], %bitcast3A_199 {strides = array<i32>} : memref<50x512xi32, #tpu.memory_space<vmem>>, vector<16xi32>,
      %get3A_203 = arith.index_cast %scan3A_65 : i32 to index
      %get3A_204 = arith.constant 320 : index
      %get3A_205 = tpu.vector_load %arg5[%get3A_203, %get3A_204] {strides = array<i32>} : memref<50x512xf32, #tpu.memory_space<vmem>>, vector<16xf32>,
      %bitcast3A_206 = vector.bitcast %get3A_205 : vector<16xf32> to vector<16xi32>
      %swap3A_207 = arith.index_cast %scan3A_65 : i32 to index
      %swap3A_208 = arith.constant 320 : index
      %swap3A_209 = tpu.vector_load %arg6[%swap3A_207, %swap3A_208] {strides = array<i32>} : memref<50x512xi32, #tpu.memory_space<vmem>>, vector<16xi32>,
      tpu.vector_store %arg6[%swap3A_207, %swap3A_208], %bitcast3A_206 {strides = array<i32>} : memref<50x512xi32, #tpu.memory_space<vmem>>, vector<16xi32>,
      %get3A_210 = arith.index_cast %scan3A_65 : i32 to index
      %get3A_211 = arith.constant 336 : index
      %get3A_212 = tpu.vector_load %arg5[%get3A_210, %get3A_211] {strides = array<i32>} : memref<50x512xf32, #tpu.memory_space<vmem>>, vector<16xf32>,
      %bitcast3A_213 = vector.bitcast %get3A_212 : vector<16xf32> to vector<16xi32>
      %swap3A_214 = arith.index_cast %scan3A_65 : i32 to index
      %swap3A_215 = arith.constant 336 : index
      %swap3A_216 = tpu.vector_load %arg6[%swap3A_214, %swap3A_215] {strides = array<i32>} : memref<50x512xi32, #tpu.memory_space<vmem>>, vector<16xi32>,
      tpu.vector_store %arg6[%swap3A_214, %swap3A_215], %bitcast3A_213 {strides = array<i32>} : memref<50x512xi32, #tpu.memory_space<vmem>>, vector<16xi32>,
      %get3A_217 = arith.index_cast %scan3A_65 : i32 to index
      %get3A_218 = arith.constant 352 : index
      %get3A_219 = tpu.vector_load %arg5[%get3A_217, %get3A_218] {strides = array<i32>} : memref<50x512xf32, #tpu.memory_space<vmem>>, vector<16xf32>,
      %bitcast3A_220 = vector.bitcast %get3A_219 : vector<16xf32> to vector<16xi32>
      %swap3A_221 = arith.index_cast %scan3A_65 : i32 to index
      %swap3A_222 = arith.constant 352 : index
      %swap3A_223 = tpu.vector_load %arg6[%swap3A_221, %swap3A_222] {strides = array<i32>} : memref<50x512xi32, #tpu.memory_space<vmem>>, vector<16xi32>,
      tpu.vector_store %arg6[%swap3A_221, %swap3A_222], %bitcast3A_220 {strides = array<i32>} : memref<50x512xi32, #tpu.memory_space<vmem>>, vector<16xi32>,
      %get3A_224 = arith.index_cast %scan3A_65 : i32 to index
      %get3A_225 = arith.constant 368 : index
      %get3A_226 = tpu.vector_load %arg5[%get3A_224, %get3A_225] {strides = array<i32>} : memref<50x512xf32, #tpu.memory_space<vmem>>, vector<16xf32>,
      %bitcast3A_227 = vector.bitcast %get3A_226 : vector<16xf32> to vector<16xi32>
      %swap3A_228 = arith.index_cast %scan3A_65 : i32 to index
      %swap3A_229 = arith.constant 368 : index
      %swap3A_230 = tpu.vector_load %arg6[%swap3A_228, %swap3A_229] {strides = array<i32>} : memref<50x512xi32, #tpu.memory_space<vmem>>, vector<16xi32>,
      tpu.vector_store %arg6[%swap3A_228, %swap3A_229], %bitcast3A_227 {strides = array<i32>} : memref<50x512xi32, #tpu.memory_space<vmem>>, vector<16xi32>,
      %get3A_231 = arith.index_cast %scan3A_65 : i32 to index
      %get3A_232 = arith.constant 384 : index
      %get3A_233 = tpu.vector_load %arg5[%get3A_231, %get3A_232] {strides = array<i32>} : memref<50x512xf32, #tpu.memory_space<vmem>>, vector<16xf32>,
      %bitcast3A_234 = vector.bitcast %get3A_233 : vector<16xf32> to vector<16xi32>
      %swap3A_235 = arith.index_cast %scan3A_65 : i32 to index
      %swap3A_236 = arith.constant 384 : index
      %swap3A_237 = tpu.vector_load %arg6[%swap3A_235, %swap3A_236] {strides = array<i32>} : memref<50x512xi32, #tpu.memory_space<vmem>>, vector<16xi32>,
      tpu.vector_store %arg6[%swap3A_235, %swap3A_236], %bitcast3A_234 {strides = array<i32>} : memref<50x512xi32, #tpu.memory_space<vmem>>, vector<16xi32>,
      %get3A_238 = arith.index_cast %scan3A_65 : i32 to index
      %get3A_239 = arith.constant 400 : index
      %get3A_240 = tpu.vector_load %arg5[%get3A_238, %get3A_239] {strides = array<i32>} : memref<50x512xf32, #tpu.memory_space<vmem>>, vector<16xf32>,
      %bitcast3A_241 = vector.bitcast %get3A_240 : vector<16xf32> to vector<16xi32>
      %swap3A_242 = arith.index_cast %scan3A_65 : i32 to index
      %swap3A_243 = arith.constant 400 : index
      %swap3A_244 = tpu.vector_load %arg6[%swap3A_242, %swap3A_243] {strides = array<i32>} : memref<50x512xi32, #tpu.memory_space<vmem>>, vector<16xi32>,
      tpu.vector_store %arg6[%swap3A_242, %swap3A_243], %bitcast3A_241 {strides = array<i32>} : memref<50x512xi32, #tpu.memory_space<vmem>>, vector<16xi32>,
      %get3A_245 = arith.index_cast %scan3A_65 : i32 to index
      %get3A_246 = arith.constant 416 : index
      %get3A_247 = tpu.vector_load %arg5[%get3A_245, %get3A_246] {strides = array<i32>} : memref<50x512xf32, #tpu.memory_space<vmem>>, vector<16xf32>,
      %bitcast3A_248 = vector.bitcast %get3A_247 : vector<16xf32> to vector<16xi32>
      %swap3A_249 = arith.index_cast %scan3A_65 : i32 to index
      %swap3A_250 = arith.constant 416 : index
      %swap3A_251 = tpu.vector_load %arg6[%swap3A_249, %swap3A_250] {strides = array<i32>} : memref<50x512xi32, #tpu.memory_space<vmem>>, vector<16xi32>,
      tpu.vector_store %arg6[%swap3A_249, %swap3A_250], %bitcast3A_248 {strides = array<i32>} : memref<50x512xi32, #tpu.memory_space<vmem>>, vector<16xi32>,
      %get3A_252 = arith.index_cast %scan3A_65 : i32 to index
      %get3A_253 = arith.constant 432 : index
      %get3A_254 = tpu.vector_load %arg5[%get3A_252, %get3A_253] {strides = array<i32>} : memref<50x512xf32, #tpu.memory_space<vmem>>, vector<16xf32>,
      %bitcast3A_255 = vector.bitcast %get3A_254 : vector<16xf32> to vector<16xi32>
      %swap3A_256 = arith.index_cast %scan3A_65 : i32 to index
      %swap3A_257 = arith.constant 432 : index
      %swap3A_258 = tpu.vector_load %arg6[%swap3A_256, %swap3A_257] {strides = array<i32>} : memref<50x512xi32, #tpu.memory_space<vmem>>, vector<16xi32>,
      tpu.vector_store %arg6[%swap3A_256, %swap3A_257], %bitcast3A_255 {strides = array<i32>} : memref<50x512xi32, #tpu.memory_space<vmem>>, vector<16xi32>,
      %get3A_259 = arith.index_cast %scan3A_65 : i32 to index
      %get3A_260 = arith.constant 448 : index
      %get3A_261 = tpu.vector_load %arg5[%get3A_259, %get3A_260] {strides = array<i32>} : memref<50x512xf32, #tpu.memory_space<vmem>>, vector<16xf32>,
      %bitcast3A_262 = vector.bitcast %get3A_261 : vector<16xf32> to vector<16xi32>
      %swap3A_263 = arith.index_cast %scan3A_65 : i32 to index
      %swap3A_264 = arith.constant 448 : index
      %swap3A_265 = tpu.vector_load %arg6[%swap3A_263, %swap3A_264] {strides = array<i32>} : memref<50x512xi32, #tpu.memory_space<vmem>>, vector<16xi32>,
      tpu.vector_store %arg6[%swap3A_263, %swap3A_264], %bitcast3A_262 {strides = array<i32>} : memref<50x512xi32, #tpu.memory_space<vmem>>, vector<16xi32>,
      %get3A_266 = arith.index_cast %scan3A_65 : i32 to index
      %get3A_267 = arith.constant 464 : index
      %get3A_268 = tpu.vector_load %arg5[%get3A_266, %get3A_267] {strides = array<i32>} : memref<50x512xf32, #tpu.memory_space<vmem>>, vector<16xf32>,
      %bitcast3A_269 = vector.bitcast %get3A_268 : vector<16xf32> to vector<16xi32>
      %swap3A_270 = arith.index_cast %scan3A_65 : i32 to index
      %swap3A_271 = arith.constant 464 : index
      %swap3A_272 = tpu.vector_load %arg6[%swap3A_270, %swap3A_271] {strides = array<i32>} : memref<50x512xi32, #tpu.memory_space<vmem>>, vector<16xi32>,
      tpu.vector_store %arg6[%swap3A_270, %swap3A_271], %bitcast3A_269 {strides = array<i32>} : memref<50x512xi32, #tpu.memory_space<vmem>>, vector<16xi32>,
      %get3A_273 = arith.index_cast %scan3A_65 : i32 to index
      %get3A_274 = arith.constant 480 : index
      %get3A_275 = tpu.vector_load %arg5[%get3A_273, %get3A_274] {strides = array<i32>} : memref<50x512xf32, #tpu.memory_space<vmem>>, vector<16xf32>,
      %bitcast3A_276 = vector.bitcast %get3A_275 : vector<16xf32> to vector<16xi32>
      %swap3A_277 = arith.index_cast %scan3A_65 : i32 to index
      %swap3A_278 = arith.constant 480 : index
      %swap3A_279 = tpu.vector_load %arg6[%swap3A_277, %swap3A_278] {strides = array<i32>} : memref<50x512xi32, #tpu.memory_space<vmem>>, vector<16xi32>,
      tpu.vector_store %arg6[%swap3A_277, %swap3A_278], %bitcast3A_276 {strides = array<i32>} : memref<50x512xi32, #tpu.memory_space<vmem>>, vector<16xi32>,
      %get3A_280 = arith.index_cast %scan3A_65 : i32 to index
      %get3A_281 = arith.constant 496 : index
      %get3A_282 = tpu.vector_load %arg5[%get3A_280, %get3A_281] {strides = array<i32>} : memref<50x512xf32, #tpu.memory_space<vmem>>, vector<16xf32>,
      %bitcast3A_283 = vector.bitcast %get3A_282 : vector<16xf32> to vector<16xi32>
      %swap3A_284 = arith.index_cast %scan3A_65 : i32 to index
      %swap3A_285 = arith.constant 496 : index
      %swap3A_286 = tpu.vector_load %arg6[%swap3A_284, %swap3A_285] {strides = array<i32>} : memref<50x512xi32, #tpu.memory_space<vmem>>, vector<16xi32>,
      tpu.vector_store %arg6[%swap3A_284, %swap3A_285], %bitcast3A_283 {strides = array<i32>} : memref<50x512xi32, #tpu.memory_space<vmem>>, vector<16xi32>,
    }
    %scan3A_7 = arith.constant 50 : i32
    %iota3A = tpu.iota {dimensions = array<i32: 0>} : vector<16xi32>
    %dma_start3A = arith.constant 0 : i32
    %dma_start3A_8 = arith.constant 0 : i32
    %dma_start3A_9 = arith.constant 0 : i32
    %dma_start3A_10 = arith.constant 0 : i32
    %dma_start3A_11 = arith.constant 0 : i32
    %dma_start3A_12 = tpu.memref_slice %arg7[%dma_start3A_8, %dma_start3A_10, %dma_start3A_11] : memref<2x512x32xf32, #tpu.memory_space<vmem>> -> memref<1x512x32xf32, #tpu.memory_space<vmem>>
    %dma_start3A_13 = tpu.memref_squeeze %dma_start3A_12 : memref<1x512x32xf32, #tpu.memory_space<vmem>> -> memref<512x32xf32, #tpu.memory_space<vmem>>
    %dma_start3A_14 = arith.constant 0 : i32
    %dma_start3A_15 = tpu.memref_slice %arg6[%dma_start3A, %dma_start3A_14] : memref<50x512xi32, #tpu.memory_space<vmem>> -> memref<1x512xi32, #tpu.memory_space<vmem>>
    %dma_start3A_16 = tpu.memref_squeeze %dma_start3A_15 : memref<1x512xi32, #tpu.memory_space<vmem>> -> memref<512xi32, #tpu.memory_space<vmem>>
    %dma_start3A_17 = arith.constant 0 : i32
    %dma_start3A_18 = arith.constant 0 : i32
    %dma_start3A_19 = tpu.memref_slice %arg2[%dma_start3A_17, %dma_start3A_18] : memref<1000000x32xf32, #tpu.memory_space<hbm>> -> memref<1000000x32xf32, #tpu.memory_space<hbm>>
    %dma_start3A_20 = tpu.memref_slice %arg9[%dma_start3A_9] : memref<2x!tpu.dma_semaphore, #tpu.memory_space<semaphore_mem>> -> memref<1x!tpu.dma_semaphore, #tpu.memory_space<semaphore_mem>>
    %dma_start3A_21 = tpu.memref_squeeze %dma_start3A_20 : memref<1x!tpu.dma_semaphore, #tpu.memory_space<semaphore_mem>> -> memref<!tpu.dma_semaphore, #tpu.memory_space<semaphore_mem>>
    tpu.enqueue_indirect_dma source(%dma_start3A_19 : memref<1000000x32xf32, #tpu.memory_space<hbm>>) target(%dma_start3A_13 : memref<512x32xf32, #tpu.memory_space<vmem>>) offsets(%dma_start3A_16 : memref<512xi32, #tpu.memory_space<vmem>>) semaphore(%dma_start3A_21 : memref<!tpu.dma_semaphore, #tpu.memory_space<semaphore_mem>>)
    %scan3A_22 = arith.constant 0 : i32
    %scan3A_23 = arith.constant 0 : i32
    %scan3A_24 = arith.constant 25 : i32
    %scan3A_25 = arith.addi %scan3A_23, %scan3A_24 : i32
    %scan3A_26 = arith.constant 1 : i32
    scf.for %scan3A_65 = %scan3A_23 to %scan3A_25 step %scan3A_26  : i32 {
      %mul3A_66 = arith.constant 2 : i32
      %mul3A_67 = arith.muli %mul3A_66, %scan3A_65 : i32
      %add3A_68 = arith.constant 0 : i32
      %add3A_69 = arith.addi %mul3A_67, %add3A_68 : i32
      %lt3A = arith.constant 49 : i32
      %lt3A_70 = arith.cmpi slt, %add3A_69, %lt3A : i32
      %convert_element_type3A = arith.extui %lt3A_70 : i1 to i32
      %cond3A = arith.constant 0 : i32
      %cond3A_71 = arith.cmpi ne, %convert_element_type3A, %cond3A : i32
      scf.if %cond3A_71 {
        %add3A_166 = arith.constant 1 : i32
        %add3A_167 = arith.addi %add3A_69, %add3A_166 : i32
        %dma_start3A_168 = arith.constant 1 : i32
        %dma_start3A_169 = arith.constant 1 : i32
        %dma_start3A_170 = arith.constant 0 : i32
        %dma_start3A_171 = arith.constant 0 : i32
        %dma_start3A_172 = tpu.memref_slice %arg7[%dma_start3A_168, %dma_start3A_170, %dma_start3A_171] : memref<2x512x32xf32, #tpu.memory_space<vmem>> -> memref<1x512x32xf32, #tpu.memory_space<vmem>>
        %dma_start3A_173 = tpu.memref_squeeze %dma_start3A_172 : memref<1x512x32xf32, #tpu.memory_space<vmem>> -> memref<512x32xf32, #tpu.memory_space<vmem>>
        %dma_start3A_174 = arith.constant 0 : i32
        %dma_start3A_175 = tpu.memref_slice %arg6[%add3A_167, %dma_start3A_174] : memref<50x512xi32, #tpu.memory_space<vmem>> -> memref<1x512xi32, #tpu.memory_space<vmem>>
        %dma_start3A_176 = tpu.memref_squeeze %dma_start3A_175 : memref<1x512xi32, #tpu.memory_space<vmem>> -> memref<512xi32, #tpu.memory_space<vmem>>
        %dma_start3A_177 = arith.constant 0 : i32
        %dma_start3A_178 = arith.constant 0 : i32
        %dma_start3A_179 = tpu.memref_slice %arg2[%dma_start3A_177, %dma_start3A_178] : memref<1000000x32xf32, #tpu.memory_space<hbm>> -> memref<1000000x32xf32, #tpu.memory_space<hbm>>
        %dma_start3A_180 = tpu.memref_slice %arg9[%dma_start3A_169] : memref<2x!tpu.dma_semaphore, #tpu.memory_space<semaphore_mem>> -> memref<1x!tpu.dma_semaphore, #tpu.memory_space<semaphore_mem>>
        %dma_start3A_181 = tpu.memref_squeeze %dma_start3A_180 : memref<1x!tpu.dma_semaphore, #tpu.memory_space<semaphore_mem>> -> memref<!tpu.dma_semaphore, #tpu.memory_space<semaphore_mem>>
        tpu.enqueue_indirect_dma source(%dma_start3A_179 : memref<1000000x32xf32, #tpu.memory_space<hbm>>) target(%dma_start3A_173 : memref<512x32xf32, #tpu.memory_space<vmem>>) offsets(%dma_start3A_176 : memref<512xi32, #tpu.memory_space<vmem>>) semaphore(%dma_start3A_181 : memref<!tpu.dma_semaphore, #tpu.memory_space<semaphore_mem>>)
      } else {
      }
      %dma_wait3A_72 = arith.constant 0 : i32
      %dma_wait3A_73 = arith.constant 0 : i32
      %dma_wait3A_74 = arith.constant 0 : i32
      %dma_wait3A_75 = arith.constant 0 : i32
      %dma_wait3A_76 = tpu.memref_slice %arg7[%dma_wait3A_72, %dma_wait3A_74, %dma_wait3A_75] : memref<2x512x32xf32, #tpu.memory_space<vmem>> -> memref<1x512x32xf32, #tpu.memory_space<vmem>>
      %dma_wait3A_77 = tpu.memref_squeeze %dma_wait3A_76 : memref<1x512x32xf32, #tpu.memory_space<vmem>> -> memref<512x32xf32, #tpu.memory_space<vmem>>
      %dma_wait3A_78 = arith.constant 0 : i32
      %dma_wait3A_79 = tpu.memref_slice %arg6[%add3A_69, %dma_wait3A_78] : memref<50x512xi32, #tpu.memory_space<vmem>> -> memref<1x512xi32, #tpu.memory_space<vmem>>
      %dma_wait3A_80 = tpu.memref_squeeze %dma_wait3A_79 : memref<1x512xi32, #tpu.memory_space<vmem>> -> memref<512xi32, #tpu.memory_space<vmem>>
      %dma_wait3A_81 = arith.constant 0 : i32
      %dma_wait3A_82 = arith.constant 0 : i32
      %dma_wait3A_83 = tpu.memref_slice %arg2[%dma_wait3A_81, %dma_wait3A_82] : memref<1000000x32xf32, #tpu.memory_space<hbm>> -> memref<1000000x32xf32, #tpu.memory_space<hbm>>
      %dma_wait3A_84 = tpu.memref_slice %arg9[%dma_wait3A_73] : memref<2x!tpu.dma_semaphore, #tpu.memory_space<semaphore_mem>> -> memref<1x!tpu.dma_semaphore, #tpu.memory_space<semaphore_mem>>
      %dma_wait3A_85 = tpu.memref_squeeze %dma_wait3A_84 : memref<1x!tpu.dma_semaphore, #tpu.memory_space<semaphore_mem>> -> memref<!tpu.dma_semaphore, #tpu.memory_space<semaphore_mem>>
      tpu.wait_indirect_dma semaphore(%dma_wait3A_85 : memref<!tpu.dma_semaphore, #tpu.memory_space<semaphore_mem>>) src(%dma_wait3A_83 : memref<1000000x32xf32, #tpu.memory_space<hbm>>) dst(%dma_wait3A_77 : memref<512x32xf32, #tpu.memory_space<vmem>>)
      %ge3A = arith.constant 2 : i32
      %ge3A_86 = arith.cmpi sge, %add3A_69, %ge3A : i32
      %convert_element_type3A_87 = arith.extui %ge3A_86 : i1 to i32
      %cond3A_88 = arith.constant 0 : i32
      %cond3A_89 = arith.cmpi ne, %convert_element_type3A_87, %cond3A_88 : i32
      scf.if %cond3A_89 {
        %sub3A = arith.constant 2 : i32
        %sub3A_166 = arith.subi %add3A_69, %sub3A : i32
        %dma_wait3A_167 = arith.constant 0 : i32
        %dma_wait3A_168 = arith.constant 0 : i32
        %dma_wait3A_169 = arith.constant 0 : i32
        %dma_wait3A_170 = arith.constant 0 : i32
        %dma_wait3A_171 = tpu.memref_slice %arg8[%dma_wait3A_167, %dma_wait3A_169, %dma_wait3A_170] : memref<2x32x512xf32, #tpu.memory_space<vmem>> -> memref<1x32x512xf32, #tpu.memory_space<vmem>>
        %dma_wait3A_172 = tpu.memref_squeeze %dma_wait3A_171 : memref<1x32x512xf32, #tpu.memory_space<vmem>> -> memref<32x512xf32, #tpu.memory_space<vmem>>
        %dma_wait3A_173 = arith.constant 0 : i32
        %dma_wait3A_174 = tpu.memref_slice %arg4[%sub3A_166, %dma_wait3A_173, %mul3A_2] : memref<50x32x16384xf32, #tpu.memory_space<hbm>> -> memref<1x32x512xf32, #tpu.memory_space<hbm>>
        %dma_wait3A_175 = tpu.memref_squeeze %dma_wait3A_174 : memref<1x32x512xf32, #tpu.memory_space<hbm>> -> memref<32x512xf32, #tpu.memory_space<hbm>>
        %dma_wait3A_176 = tpu.memref_slice %arg10[%dma_wait3A_168] : memref<2x!tpu.dma_semaphore, #tpu.memory_space<semaphore_mem>> -> memref<1x!tpu.dma_semaphore, #tpu.memory_space<semaphore_mem>>
        %dma_wait3A_177 = tpu.memref_squeeze %dma_wait3A_176 : memref<1x!tpu.dma_semaphore, #tpu.memory_space<semaphore_mem>> -> memref<!tpu.dma_semaphore, #tpu.memory_space<semaphore_mem>>
        %dma_wait3A_178 = arith.constant 0 : i32
        %dma_wait3A_179 = tpu.memref_slice %arg4[%sub3A_166, %dma_wait3A_178, %mul3A_2] : memref<50x32x16384xf32, #tpu.memory_space<hbm>> -> memref<1x32x512xf32, #tpu.memory_space<hbm>>
        %dma_wait3A_180 = tpu.memref_squeeze %dma_wait3A_179 : memref<1x32x512xf32, #tpu.memory_space<hbm>> -> memref<32x512xf32, #tpu.memory_space<hbm>>
        %dma_wait3A_181 = arith.constant 0 : i32
        %dma_wait3A_182 = arith.constant 0 : i32
        %dma_wait3A_183 = tpu.memref_slice %arg8[%dma_wait3A_167, %dma_wait3A_181, %dma_wait3A_182] : memref<2x32x512xf32, #tpu.memory_space<vmem>> -> memref<1x32x512xf32, #tpu.memory_space<vmem>>
        %dma_wait3A_184 = tpu.memref_squeeze %dma_wait3A_183 : memref<1x32x512xf32, #tpu.memory_space<vmem>> -> memref<32x512xf32, #tpu.memory_space<vmem>>
        tpu.wait_dma2 semaphore(%dma_wait3A_177 : memref<!tpu.dma_semaphore, #tpu.memory_space<semaphore_mem>>) src(%dma_wait3A_184 : memref<32x512xf32, #tpu.memory_space<vmem>>) dst(%dma_wait3A_180 : memref<32x512xf32, #tpu.memory_space<hbm>>)
      } else {
      }
      %scan3A_90 = arith.constant 0 : i32
      %scan3A_91 = arith.constant 0 : i32
      %scan3A_92 = arith.constant 32 : i32
      %scan3A_93 = arith.addi %scan3A_91, %scan3A_92 : i32
      %scan3A_94 = arith.constant 1 : i32
      scf.for %scan3A_166 = %scan3A_91 to %scan3A_93 step %scan3A_94  : i32 {
        %mul3A_167 = arith.constant 16 : i32
        %mul3A_168 = arith.muli %scan3A_166, %mul3A_167 : i32
        %add3A_169 = vector.broadcast %mul3A_168 : i32 to vector<16xi32>
        %add3A_170 = arith.addi %iota3A, %add3A_169 : vector<16xi32>
        %add3A_171 = arith.constant 0 : i32
        %add3A_172 = vector.broadcast %add3A_171 : i32 to vector<16xi32>
        %add3A_173 = arith.addi %iota3A, %add3A_172 : vector<16xi32>
        %and3A = arith.constant 31 : i32
        %and3A_174 = vector.broadcast %and3A : i32 to vector<16xi32>
        %and3A_175 = arith.andi %add3A_173, %and3A_174 : vector<16xi32>
        %gather3A = arith.constant 0 : i32
        %gather3A_176 = arith.constant 0 : i32
        %gather3A_177 = arith.constant 0 : i32
        %gather3A_178 = tpu.memref_slice %arg7[%gather3A, %gather3A_176, %gather3A_177] : memref<2x512x32xf32, #tpu.memory_space<vmem>> -> memref<1x512x32xf32, #tpu.memory_space<vmem>>
        %gather3A_179 = tpu.memref_squeeze %gather3A_178 : memref<1x512x32xf32, #tpu.memory_space<vmem>> -> memref<512x32xf32, #tpu.memory_space<vmem>>
        %gather3A_180 = tpu.vector_load_idx %gather3A_179[%add3A_170, %and3A_175] : memref<512x32xf32, #tpu.memory_space<vmem>>[vector<16xi32>, vector<16xi32>], vector<16xf32>,
        %scatter3A = arith.constant 0 : i32
        %scatter3A_181 = arith.constant 0 : i32
        %scatter3A_182 = arith.constant 0 : i32
        %scatter3A_183 = tpu.memref_slice %arg8[%scatter3A, %scatter3A_181, %scatter3A_182] : memref<2x32x512xf32, #tpu.memory_space<vmem>> -> memref<1x32x512xf32, #tpu.memory_space<vmem>>
        %scatter3A_184 = tpu.memref_squeeze %scatter3A_183 : memref<1x32x512xf32, #tpu.memory_space<vmem>> -> memref<32x512xf32, #tpu.memory_space<vmem>>
        tpu.vector_store_idx %scatter3A_184[%and3A_175, %add3A_170], %gather3A_180 : memref<32x512xf32, #tpu.memory_space<vmem>>[vector<16xi32>, vector<16xi32>], vector<16xf32>,
        %add3A_185 = arith.constant 1 : i32
        %add3A_186 = vector.broadcast %add3A_185 : i32 to vector<16xi32>
        %add3A_187 = arith.addi %iota3A, %add3A_186 : vector<16xi32>
        %and3A_188 = arith.constant 31 : i32
        %and3A_189 = vector.broadcast %and3A_188 : i32 to vector<16xi32>
        %and3A_190 = arith.andi %add3A_187, %and3A_189 : vector<16xi32>
        %gather3A_191 = arith.constant 0 : i32
        %gather3A_192 = arith.constant 0 : i32
        %gather3A_193 = arith.constant 0 : i32
        %gather3A_194 = tpu.memref_slice %arg7[%gather3A_191, %gather3A_192, %gather3A_193] : memref<2x512x32xf32, #tpu.memory_space<vmem>> -> memref<1x512x32xf32, #tpu.memory_space<vmem>>
        %gather3A_195 = tpu.memref_squeeze %gather3A_194 : memref<1x512x32xf32, #tpu.memory_space<vmem>> -> memref<512x32xf32, #tpu.memory_space<vmem>>
        %gather3A_196 = tpu.vector_load_idx %gather3A_195[%add3A_170, %and3A_190] : memref<512x32xf32, #tpu.memory_space<vmem>>[vector<16xi32>, vector<16xi32>], vector<16xf32>,
        %scatter3A_197 = arith.constant 0 : i32
        %scatter3A_198 = arith.constant 0 : i32
        %scatter3A_199 = arith.constant 0 : i32
        %scatter3A_200 = tpu.memref_slice %arg8[%scatter3A_197, %scatter3A_198, %scatter3A_199] : memref<2x32x512xf32, #tpu.memory_space<vmem>> -> memref<1x32x512xf32, #tpu.memory_space<vmem>>
        %scatter3A_201 = tpu.memref_squeeze %scatter3A_200 : memref<1x32x512xf32, #tpu.memory_space<vmem>> -> memref<32x512xf32, #tpu.memory_space<vmem>>
        tpu.vector_store_idx %scatter3A_201[%and3A_190, %add3A_170], %gather3A_196 : memref<32x512xf32, #tpu.memory_space<vmem>>[vector<16xi32>, vector<16xi32>], vector<16xf32>,
        %add3A_202 = arith.constant 2 : i32
        %add3A_203 = vector.broadcast %add3A_202 : i32 to vector<16xi32>
        %add3A_204 = arith.addi %iota3A, %add3A_203 : vector<16xi32>
        %and3A_205 = arith.constant 31 : i32
        %and3A_206 = vector.broadcast %and3A_205 : i32 to vector<16xi32>
        %and3A_207 = arith.andi %add3A_204, %and3A_206 : vector<16xi32>
        %gather3A_208 = arith.constant 0 : i32
        %gather3A_209 = arith.constant 0 : i32
        %gather3A_210 = arith.constant 0 : i32
        %gather3A_211 = tpu.memref_slice %arg7[%gather3A_208, %gather3A_209, %gather3A_210] : memref<2x512x32xf32, #tpu.memory_space<vmem>> -> memref<1x512x32xf32, #tpu.memory_space<vmem>>
        %gather3A_212 = tpu.memref_squeeze %gather3A_211 : memref<1x512x32xf32, #tpu.memory_space<vmem>> -> memref<512x32xf32, #tpu.memory_space<vmem>>
        %gather3A_213 = tpu.vector_load_idx %gather3A_212[%add3A_170, %and3A_207] : memref<512x32xf32, #tpu.memory_space<vmem>>[vector<16xi32>, vector<16xi32>], vector<16xf32>,
        %scatter3A_214 = arith.constant 0 : i32
        %scatter3A_215 = arith.constant 0 : i32
        %scatter3A_216 = arith.constant 0 : i32
        %scatter3A_217 = tpu.memref_slice %arg8[%scatter3A_214, %scatter3A_215, %scatter3A_216] : memref<2x32x512xf32, #tpu.memory_space<vmem>> -> memref<1x32x512xf32, #tpu.memory_space<vmem>>
        %scatter3A_218 = tpu.memref_squeeze %scatter3A_217 : memref<1x32x512xf32, #tpu.memory_space<vmem>> -> memref<32x512xf32, #tpu.memory_space<vmem>>
        tpu.vector_store_idx %scatter3A_218[%and3A_207, %add3A_170], %gather3A_213 : memref<32x512xf32, #tpu.memory_space<vmem>>[vector<16xi32>, vector<16xi32>], vector<16xf32>,
        %add3A_219 = arith.constant 3 : i32
        %add3A_220 = vector.broadcast %add3A_219 : i32 to vector<16xi32>
        %add3A_221 = arith.addi %iota3A, %add3A_220 : vector<16xi32>
        %and3A_222 = arith.constant 31 : i32
        %and3A_223 = vector.broadcast %and3A_222 : i32 to vector<16xi32>
        %and3A_224 = arith.andi %add3A_221, %and3A_223 : vector<16xi32>
        %gather3A_225 = arith.constant 0 : i32
        %gather3A_226 = arith.constant 0 : i32
        %gather3A_227 = arith.constant 0 : i32
        %gather3A_228 = tpu.memref_slice %arg7[%gather3A_225, %gather3A_226, %gather3A_227] : memref<2x512x32xf32, #tpu.memory_space<vmem>> -> memref<1x512x32xf32, #tpu.memory_space<vmem>>
        %gather3A_229 = tpu.memref_squeeze %gather3A_228 : memref<1x512x32xf32, #tpu.memory_space<vmem>> -> memref<512x32xf32, #tpu.memory_space<vmem>>
        %gather3A_230 = tpu.vector_load_idx %gather3A_229[%add3A_170, %and3A_224] : memref<512x32xf32, #tpu.memory_space<vmem>>[vector<16xi32>, vector<16xi32>], vector<16xf32>,
        %scatter3A_231 = arith.constant 0 : i32
        %scatter3A_232 = arith.constant 0 : i32
        %scatter3A_233 = arith.constant 0 : i32
        %scatter3A_234 = tpu.memref_slice %arg8[%scatter3A_231, %scatter3A_232, %scatter3A_233] : memref<2x32x512xf32, #tpu.memory_space<vmem>> -> memref<1x32x512xf32, #tpu.memory_space<vmem>>
        %scatter3A_235 = tpu.memref_squeeze %scatter3A_234 : memref<1x32x512xf32, #tpu.memory_space<vmem>> -> memref<32x512xf32, #tpu.memory_space<vmem>>
        tpu.vector_store_idx %scatter3A_235[%and3A_224, %add3A_170], %gather3A_230 : memref<32x512xf32, #tpu.memory_space<vmem>>[vector<16xi32>, vector<16xi32>], vector<16xf32>,
        %add3A_236 = arith.constant 4 : i32
        %add3A_237 = vector.broadcast %add3A_236 : i32 to vector<16xi32>
        %add3A_238 = arith.addi %iota3A, %add3A_237 : vector<16xi32>
        %and3A_239 = arith.constant 31 : i32
        %and3A_240 = vector.broadcast %and3A_239 : i32 to vector<16xi32>
        %and3A_241 = arith.andi %add3A_238, %and3A_240 : vector<16xi32>
        %gather3A_242 = arith.constant 0 : i32
        %gather3A_243 = arith.constant 0 : i32
        %gather3A_244 = arith.constant 0 : i32
        %gather3A_245 = tpu.memref_slice %arg7[%gather3A_242, %gather3A_243, %gather3A_244] : memref<2x512x32xf32, #tpu.memory_space<vmem>> -> memref<1x512x32xf32, #tpu.memory_space<vmem>>
        %gather3A_246 = tpu.memref_squeeze %gather3A_245 : memref<1x512x32xf32, #tpu.memory_space<vmem>> -> memref<512x32xf32, #tpu.memory_space<vmem>>
        %gather3A_247 = tpu.vector_load_idx %gather3A_246[%add3A_170, %and3A_241] : memref<512x32xf32, #tpu.memory_space<vmem>>[vector<16xi32>, vector<16xi32>], vector<16xf32>,
        %scatter3A_248 = arith.constant 0 : i32
        %scatter3A_249 = arith.constant 0 : i32
        %scatter3A_250 = arith.constant 0 : i32
        %scatter3A_251 = tpu.memref_slice %arg8[%scatter3A_248, %scatter3A_249, %scatter3A_250] : memref<2x32x512xf32, #tpu.memory_space<vmem>> -> memref<1x32x512xf32, #tpu.memory_space<vmem>>
        %scatter3A_252 = tpu.memref_squeeze %scatter3A_251 : memref<1x32x512xf32, #tpu.memory_space<vmem>> -> memref<32x512xf32, #tpu.memory_space<vmem>>
        tpu.vector_store_idx %scatter3A_252[%and3A_241, %add3A_170], %gather3A_247 : memref<32x512xf32, #tpu.memory_space<vmem>>[vector<16xi32>, vector<16xi32>], vector<16xf32>,
        %add3A_253 = arith.constant 5 : i32
        %add3A_254 = vector.broadcast %add3A_253 : i32 to vector<16xi32>
        %add3A_255 = arith.addi %iota3A, %add3A_254 : vector<16xi32>
        %and3A_256 = arith.constant 31 : i32
        %and3A_257 = vector.broadcast %and3A_256 : i32 to vector<16xi32>
        %and3A_258 = arith.andi %add3A_255, %and3A_257 : vector<16xi32>
        %gather3A_259 = arith.constant 0 : i32
        %gather3A_260 = arith.constant 0 : i32
        %gather3A_261 = arith.constant 0 : i32
        %gather3A_262 = tpu.memref_slice %arg7[%gather3A_259, %gather3A_260, %gather3A_261] : memref<2x512x32xf32, #tpu.memory_space<vmem>> -> memref<1x512x32xf32, #tpu.memory_space<vmem>>
        %gather3A_263 = tpu.memref_squeeze %gather3A_262 : memref<1x512x32xf32, #tpu.memory_space<vmem>> -> memref<512x32xf32, #tpu.memory_space<vmem>>
        %gather3A_264 = tpu.vector_load_idx %gather3A_263[%add3A_170, %and3A_258] : memref<512x32xf32, #tpu.memory_space<vmem>>[vector<16xi32>, vector<16xi32>], vector<16xf32>,
        %scatter3A_265 = arith.constant 0 : i32
        %scatter3A_266 = arith.constant 0 : i32
        %scatter3A_267 = arith.constant 0 : i32
        %scatter3A_268 = tpu.memref_slice %arg8[%scatter3A_265, %scatter3A_266, %scatter3A_267] : memref<2x32x512xf32, #tpu.memory_space<vmem>> -> memref<1x32x512xf32, #tpu.memory_space<vmem>>
        %scatter3A_269 = tpu.memref_squeeze %scatter3A_268 : memref<1x32x512xf32, #tpu.memory_space<vmem>> -> memref<32x512xf32, #tpu.memory_space<vmem>>
        tpu.vector_store_idx %scatter3A_269[%and3A_258, %add3A_170], %gather3A_264 : memref<32x512xf32, #tpu.memory_space<vmem>>[vector<16xi32>, vector<16xi32>], vector<16xf32>,
        %add3A_270 = arith.constant 6 : i32
        %add3A_271 = vector.broadcast %add3A_270 : i32 to vector<16xi32>
        %add3A_272 = arith.addi %iota3A, %add3A_271 : vector<16xi32>
        %and3A_273 = arith.constant 31 : i32
        %and3A_274 = vector.broadcast %and3A_273 : i32 to vector<16xi32>
        %and3A_275 = arith.andi %add3A_272, %and3A_274 : vector<16xi32>
        %gather3A_276 = arith.constant 0 : i32
        %gather3A_277 = arith.constant 0 : i32
        %gather3A_278 = arith.constant 0 : i32
        %gather3A_279 = tpu.memref_slice %arg7[%gather3A_276, %gather3A_277, %gather3A_278] : memref<2x512x32xf32, #tpu.memory_space<vmem>> -> memref<1x512x32xf32, #tpu.memory_space<vmem>>
        %gather3A_280 = tpu.memref_squeeze %gather3A_279 : memref<1x512x32xf32, #tpu.memory_space<vmem>> -> memref<512x32xf32, #tpu.memory_space<vmem>>
        %gather3A_281 = tpu.vector_load_idx %gather3A_280[%add3A_170, %and3A_275] : memref<512x32xf32, #tpu.memory_space<vmem>>[vector<16xi32>, vector<16xi32>], vector<16xf32>,
        %scatter3A_282 = arith.constant 0 : i32
        %scatter3A_283 = arith.constant 0 : i32
        %scatter3A_284 = arith.constant 0 : i32
        %scatter3A_285 = tpu.memref_slice %arg8[%scatter3A_282, %scatter3A_283, %scatter3A_284] : memref<2x32x512xf32, #tpu.memory_space<vmem>> -> memref<1x32x512xf32, #tpu.memory_space<vmem>>
        %scatter3A_286 = tpu.memref_squeeze %scatter3A_285 : memref<1x32x512xf32, #tpu.memory_space<vmem>> -> memref<32x512xf32, #tpu.memory_space<vmem>>
        tpu.vector_store_idx %scatter3A_286[%and3A_275, %add3A_170], %gather3A_281 : memref<32x512xf32, #tpu.memory_space<vmem>>[vector<16xi32>, vector<16xi32>], vector<16xf32>,
        %add3A_287 = arith.constant 7 : i32
        %add3A_288 = vector.broadcast %add3A_287 : i32 to vector<16xi32>
        %add3A_289 = arith.addi %iota3A, %add3A_288 : vector<16xi32>
        %and3A_290 = arith.constant 31 : i32
        %and3A_291 = vector.broadcast %and3A_290 : i32 to vector<16xi32>
        %and3A_292 = arith.andi %add3A_289, %and3A_291 : vector<16xi32>
        %gather3A_293 = arith.constant 0 : i32
        %gather3A_294 = arith.constant 0 : i32
        %gather3A_295 = arith.constant 0 : i32
        %gather3A_296 = tpu.memref_slice %arg7[%gather3A_293, %gather3A_294, %gather3A_295] : memref<2x512x32xf32, #tpu.memory_space<vmem>> -> memref<1x512x32xf32, #tpu.memory_space<vmem>>
        %gather3A_297 = tpu.memref_squeeze %gather3A_296 : memref<1x512x32xf32, #tpu.memory_space<vmem>> -> memref<512x32xf32, #tpu.memory_space<vmem>>
        %gather3A_298 = tpu.vector_load_idx %gather3A_297[%add3A_170, %and3A_292] : memref<512x32xf32, #tpu.memory_space<vmem>>[vector<16xi32>, vector<16xi32>], vector<16xf32>,
        %scatter3A_299 = arith.constant 0 : i32
        %scatter3A_300 = arith.constant 0 : i32
        %scatter3A_301 = arith.constant 0 : i32
        %scatter3A_302 = tpu.memref_slice %arg8[%scatter3A_299, %scatter3A_300, %scatter3A_301] : memref<2x32x512xf32, #tpu.memory_space<vmem>> -> memref<1x32x512xf32, #tpu.memory_space<vmem>>
        %scatter3A_303 = tpu.memref_squeeze %scatter3A_302 : memref<1x32x512xf32, #tpu.memory_space<vmem>> -> memref<32x512xf32, #tpu.memory_space<vmem>>
        tpu.vector_store_idx %scatter3A_303[%and3A_292, %add3A_170], %gather3A_298 : memref<32x512xf32, #tpu.memory_space<vmem>>[vector<16xi32>, vector<16xi32>], vector<16xf32>,
        %add3A_304 = arith.constant 8 : i32
        %add3A_305 = vector.broadcast %add3A_304 : i32 to vector<16xi32>
        %add3A_306 = arith.addi %iota3A, %add3A_305 : vector<16xi32>
        %and3A_307 = arith.constant 31 : i32
        %and3A_308 = vector.broadcast %and3A_307 : i32 to vector<16xi32>
        %and3A_309 = arith.andi %add3A_306, %and3A_308 : vector<16xi32>
        %gather3A_310 = arith.constant 0 : i32
        %gather3A_311 = arith.constant 0 : i32
        %gather3A_312 = arith.constant 0 : i32
        %gather3A_313 = tpu.memref_slice %arg7[%gather3A_310, %gather3A_311, %gather3A_312] : memref<2x512x32xf32, #tpu.memory_space<vmem>> -> memref<1x512x32xf32, #tpu.memory_space<vmem>>
        %gather3A_314 = tpu.memref_squeeze %gather3A_313 : memref<1x512x32xf32, #tpu.memory_space<vmem>> -> memref<512x32xf32, #tpu.memory_space<vmem>>
        %gather3A_315 = tpu.vector_load_idx %gather3A_314[%add3A_170, %and3A_309] : memref<512x32xf32, #tpu.memory_space<vmem>>[vector<16xi32>, vector<16xi32>], vector<16xf32>,
        %scatter3A_316 = arith.constant 0 : i32
        %scatter3A_317 = arith.constant 0 : i32
        %scatter3A_318 = arith.constant 0 : i32
        %scatter3A_319 = tpu.memref_slice %arg8[%scatter3A_316, %scatter3A_317, %scatter3A_318] : memref<2x32x512xf32, #tpu.memory_space<vmem>> -> memref<1x32x512xf32, #tpu.memory_space<vmem>>
        %scatter3A_320 = tpu.memref_squeeze %scatter3A_319 : memref<1x32x512xf32, #tpu.memory_space<vmem>> -> memref<32x512xf32, #tpu.memory_space<vmem>>
        tpu.vector_store_idx %scatter3A_320[%and3A_309, %add3A_170], %gather3A_315 : memref<32x512xf32, #tpu.memory_space<vmem>>[vector<16xi32>, vector<16xi32>], vector<16xf32>,
        %add3A_321 = arith.constant 9 : i32
        %add3A_322 = vector.broadcast %add3A_321 : i32 to vector<16xi32>
        %add3A_323 = arith.addi %iota3A, %add3A_322 : vector<16xi32>
        %and3A_324 = arith.constant 31 : i32
        %and3A_325 = vector.broadcast %and3A_324 : i32 to vector<16xi32>
        %and3A_326 = arith.andi %add3A_323, %and3A_325 : vector<16xi32>
        %gather3A_327 = arith.constant 0 : i32
        %gather3A_328 = arith.constant 0 : i32
        %gather3A_329 = arith.constant 0 : i32
        %gather3A_330 = tpu.memref_slice %arg7[%gather3A_327, %gather3A_328, %gather3A_329] : memref<2x512x32xf32, #tpu.memory_space<vmem>> -> memref<1x512x32xf32, #tpu.memory_space<vmem>>
        %gather3A_331 = tpu.memref_squeeze %gather3A_330 : memref<1x512x32xf32, #tpu.memory_space<vmem>> -> memref<512x32xf32, #tpu.memory_space<vmem>>
        %gather3A_332 = tpu.vector_load_idx %gather3A_331[%add3A_170, %and3A_326] : memref<512x32xf32, #tpu.memory_space<vmem>>[vector<16xi32>, vector<16xi32>], vector<16xf32>,
        %scatter3A_333 = arith.constant 0 : i32
        %scatter3A_334 = arith.constant 0 : i32
        %scatter3A_335 = arith.constant 0 : i32
        %scatter3A_336 = tpu.memref_slice %arg8[%scatter3A_333, %scatter3A_334, %scatter3A_335] : memref<2x32x512xf32, #tpu.memory_space<vmem>> -> memref<1x32x512xf32, #tpu.memory_space<vmem>>
        %scatter3A_337 = tpu.memref_squeeze %scatter3A_336 : memref<1x32x512xf32, #tpu.memory_space<vmem>> -> memref<32x512xf32, #tpu.memory_space<vmem>>
        tpu.vector_store_idx %scatter3A_337[%and3A_326, %add3A_170], %gather3A_332 : memref<32x512xf32, #tpu.memory_space<vmem>>[vector<16xi32>, vector<16xi32>], vector<16xf32>,
        %add3A_338 = arith.constant 10 : i32
        %add3A_339 = vector.broadcast %add3A_338 : i32 to vector<16xi32>
        %add3A_340 = arith.addi %iota3A, %add3A_339 : vector<16xi32>
        %and3A_341 = arith.constant 31 : i32
        %and3A_342 = vector.broadcast %and3A_341 : i32 to vector<16xi32>
        %and3A_343 = arith.andi %add3A_340, %and3A_342 : vector<16xi32>
        %gather3A_344 = arith.constant 0 : i32
        %gather3A_345 = arith.constant 0 : i32
        %gather3A_346 = arith.constant 0 : i32
        %gather3A_347 = tpu.memref_slice %arg7[%gather3A_344, %gather3A_345, %gather3A_346] : memref<2x512x32xf32, #tpu.memory_space<vmem>> -> memref<1x512x32xf32, #tpu.memory_space<vmem>>
        %gather3A_348 = tpu.memref_squeeze %gather3A_347 : memref<1x512x32xf32, #tpu.memory_space<vmem>> -> memref<512x32xf32, #tpu.memory_space<vmem>>
        %gather3A_349 = tpu.vector_load_idx %gather3A_348[%add3A_170, %and3A_343] : memref<512x32xf32, #tpu.memory_space<vmem>>[vector<16xi32>, vector<16xi32>], vector<16xf32>,
        %scatter3A_350 = arith.constant 0 : i32
        %scatter3A_351 = arith.constant 0 : i32
        %scatter3A_352 = arith.constant 0 : i32
        %scatter3A_353 = tpu.memref_slice %arg8[%scatter3A_350, %scatter3A_351, %scatter3A_352] : memref<2x32x512xf32, #tpu.memory_space<vmem>> -> memref<1x32x512xf32, #tpu.memory_space<vmem>>
        %scatter3A_354 = tpu.memref_squeeze %scatter3A_353 : memref<1x32x512xf32, #tpu.memory_space<vmem>> -> memref<32x512xf32, #tpu.memory_space<vmem>>
        tpu.vector_store_idx %scatter3A_354[%and3A_343, %add3A_170], %gather3A_349 : memref<32x512xf32, #tpu.memory_space<vmem>>[vector<16xi32>, vector<16xi32>], vector<16xf32>,
        %add3A_355 = arith.constant 11 : i32
        %add3A_356 = vector.broadcast %add3A_355 : i32 to vector<16xi32>
        %add3A_357 = arith.addi %iota3A, %add3A_356 : vector<16xi32>
        %and3A_358 = arith.constant 31 : i32
        %and3A_359 = vector.broadcast %and3A_358 : i32 to vector<16xi32>
        %and3A_360 = arith.andi %add3A_357, %and3A_359 : vector<16xi32>
        %gather3A_361 = arith.constant 0 : i32
        %gather3A_362 = arith.constant 0 : i32
        %gather3A_363 = arith.constant 0 : i32
        %gather3A_364 = tpu.memref_slice %arg7[%gather3A_361, %gather3A_362, %gather3A_363] : memref<2x512x32xf32, #tpu.memory_space<vmem>> -> memref<1x512x32xf32, #tpu.memory_space<vmem>>
        %gather3A_365 = tpu.memref_squeeze %gather3A_364 : memref<1x512x32xf32, #tpu.memory_space<vmem>> -> memref<512x32xf32, #tpu.memory_space<vmem>>
        %gather3A_366 = tpu.vector_load_idx %gather3A_365[%add3A_170, %and3A_360] : memref<512x32xf32, #tpu.memory_space<vmem>>[vector<16xi32>, vector<16xi32>], vector<16xf32>,
        %scatter3A_367 = arith.constant 0 : i32
        %scatter3A_368 = arith.constant 0 : i32
        %scatter3A_369 = arith.constant 0 : i32
        %scatter3A_370 = tpu.memref_slice %arg8[%scatter3A_367, %scatter3A_368, %scatter3A_369] : memref<2x32x512xf32, #tpu.memory_space<vmem>> -> memref<1x32x512xf32, #tpu.memory_space<vmem>>
        %scatter3A_371 = tpu.memref_squeeze %scatter3A_370 : memref<1x32x512xf32, #tpu.memory_space<vmem>> -> memref<32x512xf32, #tpu.memory_space<vmem>>
        tpu.vector_store_idx %scatter3A_371[%and3A_360, %add3A_170], %gather3A_366 : memref<32x512xf32, #tpu.memory_space<vmem>>[vector<16xi32>, vector<16xi32>], vector<16xf32>,
        %add3A_372 = arith.constant 12 : i32
        %add3A_373 = vector.broadcast %add3A_372 : i32 to vector<16xi32>
        %add3A_374 = arith.addi %iota3A, %add3A_373 : vector<16xi32>
        %and3A_375 = arith.constant 31 : i32
        %and3A_376 = vector.broadcast %and3A_375 : i32 to vector<16xi32>
        %and3A_377 = arith.andi %add3A_374, %and3A_376 : vector<16xi32>
        %gather3A_378 = arith.constant 0 : i32
        %gather3A_379 = arith.constant 0 : i32
        %gather3A_380 = arith.constant 0 : i32
        %gather3A_381 = tpu.memref_slice %arg7[%gather3A_378, %gather3A_379, %gather3A_380] : memref<2x512x32xf32, #tpu.memory_space<vmem>> -> memref<1x512x32xf32, #tpu.memory_space<vmem>>
        %gather3A_382 = tpu.memref_squeeze %gather3A_381 : memref<1x512x32xf32, #tpu.memory_space<vmem>> -> memref<512x32xf32, #tpu.memory_space<vmem>>
        %gather3A_383 = tpu.vector_load_idx %gather3A_382[%add3A_170, %and3A_377] : memref<512x32xf32, #tpu.memory_space<vmem>>[vector<16xi32>, vector<16xi32>], vector<16xf32>,
        %scatter3A_384 = arith.constant 0 : i32
        %scatter3A_385 = arith.constant 0 : i32
        %scatter3A_386 = arith.constant 0 : i32
        %scatter3A_387 = tpu.memref_slice %arg8[%scatter3A_384, %scatter3A_385, %scatter3A_386] : memref<2x32x512xf32, #tpu.memory_space<vmem>> -> memref<1x32x512xf32, #tpu.memory_space<vmem>>
        %scatter3A_388 = tpu.memref_squeeze %scatter3A_387 : memref<1x32x512xf32, #tpu.memory_space<vmem>> -> memref<32x512xf32, #tpu.memory_space<vmem>>
        tpu.vector_store_idx %scatter3A_388[%and3A_377, %add3A_170], %gather3A_383 : memref<32x512xf32, #tpu.memory_space<vmem>>[vector<16xi32>, vector<16xi32>], vector<16xf32>,
        %add3A_389 = arith.constant 13 : i32
        %add3A_390 = vector.broadcast %add3A_389 : i32 to vector<16xi32>
        %add3A_391 = arith.addi %iota3A, %add3A_390 : vector<16xi32>
        %and3A_392 = arith.constant 31 : i32
        %and3A_393 = vector.broadcast %and3A_392 : i32 to vector<16xi32>
        %and3A_394 = arith.andi %add3A_391, %and3A_393 : vector<16xi32>
        %gather3A_395 = arith.constant 0 : i32
        %gather3A_396 = arith.constant 0 : i32
        %gather3A_397 = arith.constant 0 : i32
        %gather3A_398 = tpu.memref_slice %arg7[%gather3A_395, %gather3A_396, %gather3A_397] : memref<2x512x32xf32, #tpu.memory_space<vmem>> -> memref<1x512x32xf32, #tpu.memory_space<vmem>>
        %gather3A_399 = tpu.memref_squeeze %gather3A_398 : memref<1x512x32xf32, #tpu.memory_space<vmem>> -> memref<512x32xf32, #tpu.memory_space<vmem>>
        %gather3A_400 = tpu.vector_load_idx %gather3A_399[%add3A_170, %and3A_394] : memref<512x32xf32, #tpu.memory_space<vmem>>[vector<16xi32>, vector<16xi32>], vector<16xf32>,
        %scatter3A_401 = arith.constant 0 : i32
        %scatter3A_402 = arith.constant 0 : i32
        %scatter3A_403 = arith.constant 0 : i32
        %scatter3A_404 = tpu.memref_slice %arg8[%scatter3A_401, %scatter3A_402, %scatter3A_403] : memref<2x32x512xf32, #tpu.memory_space<vmem>> -> memref<1x32x512xf32, #tpu.memory_space<vmem>>
        %scatter3A_405 = tpu.memref_squeeze %scatter3A_404 : memref<1x32x512xf32, #tpu.memory_space<vmem>> -> memref<32x512xf32, #tpu.memory_space<vmem>>
        tpu.vector_store_idx %scatter3A_405[%and3A_394, %add3A_170], %gather3A_400 : memref<32x512xf32, #tpu.memory_space<vmem>>[vector<16xi32>, vector<16xi32>], vector<16xf32>,
        %add3A_406 = arith.constant 14 : i32
        %add3A_407 = vector.broadcast %add3A_406 : i32 to vector<16xi32>
        %add3A_408 = arith.addi %iota3A, %add3A_407 : vector<16xi32>
        %and3A_409 = arith.constant 31 : i32
        %and3A_410 = vector.broadcast %and3A_409 : i32 to vector<16xi32>
        %and3A_411 = arith.andi %add3A_408, %and3A_410 : vector<16xi32>
        %gather3A_412 = arith.constant 0 : i32
        %gather3A_413 = arith.constant 0 : i32
        %gather3A_414 = arith.constant 0 : i32
        %gather3A_415 = tpu.memref_slice %arg7[%gather3A_412, %gather3A_413, %gather3A_414] : memref<2x512x32xf32, #tpu.memory_space<vmem>> -> memref<1x512x32xf32, #tpu.memory_space<vmem>>
        %gather3A_416 = tpu.memref_squeeze %gather3A_415 : memref<1x512x32xf32, #tpu.memory_space<vmem>> -> memref<512x32xf32, #tpu.memory_space<vmem>>
        %gather3A_417 = tpu.vector_load_idx %gather3A_416[%add3A_170, %and3A_411] : memref<512x32xf32, #tpu.memory_space<vmem>>[vector<16xi32>, vector<16xi32>], vector<16xf32>,
        %scatter3A_418 = arith.constant 0 : i32
        %scatter3A_419 = arith.constant 0 : i32
        %scatter3A_420 = arith.constant 0 : i32
        %scatter3A_421 = tpu.memref_slice %arg8[%scatter3A_418, %scatter3A_419, %scatter3A_420] : memref<2x32x512xf32, #tpu.memory_space<vmem>> -> memref<1x32x512xf32, #tpu.memory_space<vmem>>
        %scatter3A_422 = tpu.memref_squeeze %scatter3A_421 : memref<1x32x512xf32, #tpu.memory_space<vmem>> -> memref<32x512xf32, #tpu.memory_space<vmem>>
        tpu.vector_store_idx %scatter3A_422[%and3A_411, %add3A_170], %gather3A_417 : memref<32x512xf32, #tpu.memory_space<vmem>>[vector<16xi32>, vector<16xi32>], vector<16xf32>,
        %add3A_423 = arith.constant 15 : i32
        %add3A_424 = vector.broadcast %add3A_423 : i32 to vector<16xi32>
        %add3A_425 = arith.addi %iota3A, %add3A_424 : vector<16xi32>
        %and3A_426 = arith.constant 31 : i32
        %and3A_427 = vector.broadcast %and3A_426 : i32 to vector<16xi32>
        %and3A_428 = arith.andi %add3A_425, %and3A_427 : vector<16xi32>
        %gather3A_429 = arith.constant 0 : i32
        %gather3A_430 = arith.constant 0 : i32
        %gather3A_431 = arith.constant 0 : i32
        %gather3A_432 = tpu.memref_slice %arg7[%gather3A_429, %gather3A_430, %gather3A_431] : memref<2x512x32xf32, #tpu.memory_space<vmem>> -> memref<1x512x32xf32, #tpu.memory_space<vmem>>
        %gather3A_433 = tpu.memref_squeeze %gather3A_432 : memref<1x512x32xf32, #tpu.memory_space<vmem>> -> memref<512x32xf32, #tpu.memory_space<vmem>>
        %gather3A_434 = tpu.vector_load_idx %gather3A_433[%add3A_170, %and3A_428] : memref<512x32xf32, #tpu.memory_space<vmem>>[vector<16xi32>, vector<16xi32>], vector<16xf32>,
        %scatter3A_435 = arith.constant 0 : i32
        %scatter3A_436 = arith.constant 0 : i32
        %scatter3A_437 = arith.constant 0 : i32
        %scatter3A_438 = tpu.memref_slice %arg8[%scatter3A_435, %scatter3A_436, %scatter3A_437] : memref<2x32x512xf32, #tpu.memory_space<vmem>> -> memref<1x32x512xf32, #tpu.memory_space<vmem>>
        %scatter3A_439 = tpu.memref_squeeze %scatter3A_438 : memref<1x32x512xf32, #tpu.memory_space<vmem>> -> memref<32x512xf32, #tpu.memory_space<vmem>>
        tpu.vector_store_idx %scatter3A_439[%and3A_428, %add3A_170], %gather3A_434 : memref<32x512xf32, #tpu.memory_space<vmem>>[vector<16xi32>, vector<16xi32>], vector<16xf32>,
        %add3A_440 = arith.constant 16 : i32
        %add3A_441 = vector.broadcast %add3A_440 : i32 to vector<16xi32>
        %add3A_442 = arith.addi %iota3A, %add3A_441 : vector<16xi32>
        %and3A_443 = arith.constant 31 : i32
        %and3A_444 = vector.broadcast %and3A_443 : i32 to vector<16xi32>
        %and3A_445 = arith.andi %add3A_442, %and3A_444 : vector<16xi32>
        %gather3A_446 = arith.constant 0 : i32
        %gather3A_447 = arith.constant 0 : i32
        %gather3A_448 = arith.constant 0 : i32
        %gather3A_449 = tpu.memref_slice %arg7[%gather3A_446, %gather3A_447, %gather3A_448] : memref<2x512x32xf32, #tpu.memory_space<vmem>> -> memref<1x512x32xf32, #tpu.memory_space<vmem>>
        %gather3A_450 = tpu.memref_squeeze %gather3A_449 : memref<1x512x32xf32, #tpu.memory_space<vmem>> -> memref<512x32xf32, #tpu.memory_space<vmem>>
        %gather3A_451 = tpu.vector_load_idx %gather3A_450[%add3A_170, %and3A_445] : memref<512x32xf32, #tpu.memory_space<vmem>>[vector<16xi32>, vector<16xi32>], vector<16xf32>,
        %scatter3A_452 = arith.constant 0 : i32
        %scatter3A_453 = arith.constant 0 : i32
        %scatter3A_454 = arith.constant 0 : i32
        %scatter3A_455 = tpu.memref_slice %arg8[%scatter3A_452, %scatter3A_453, %scatter3A_454] : memref<2x32x512xf32, #tpu.memory_space<vmem>> -> memref<1x32x512xf32, #tpu.memory_space<vmem>>
        %scatter3A_456 = tpu.memref_squeeze %scatter3A_455 : memref<1x32x512xf32, #tpu.memory_space<vmem>> -> memref<32x512xf32, #tpu.memory_space<vmem>>
        tpu.vector_store_idx %scatter3A_456[%and3A_445, %add3A_170], %gather3A_451 : memref<32x512xf32, #tpu.memory_space<vmem>>[vector<16xi32>, vector<16xi32>], vector<16xf32>,
        %add3A_457 = arith.constant 17 : i32
        %add3A_458 = vector.broadcast %add3A_457 : i32 to vector<16xi32>
        %add3A_459 = arith.addi %iota3A, %add3A_458 : vector<16xi32>
        %and3A_460 = arith.constant 31 : i32
        %and3A_461 = vector.broadcast %and3A_460 : i32 to vector<16xi32>
        %and3A_462 = arith.andi %add3A_459, %and3A_461 : vector<16xi32>
        %gather3A_463 = arith.constant 0 : i32
        %gather3A_464 = arith.constant 0 : i32
        %gather3A_465 = arith.constant 0 : i32
        %gather3A_466 = tpu.memref_slice %arg7[%gather3A_463, %gather3A_464, %gather3A_465] : memref<2x512x32xf32, #tpu.memory_space<vmem>> -> memref<1x512x32xf32, #tpu.memory_space<vmem>>
        %gather3A_467 = tpu.memref_squeeze %gather3A_466 : memref<1x512x32xf32, #tpu.memory_space<vmem>> -> memref<512x32xf32, #tpu.memory_space<vmem>>
        %gather3A_468 = tpu.vector_load_idx %gather3A_467[%add3A_170, %and3A_462] : memref<512x32xf32, #tpu.memory_space<vmem>>[vector<16xi32>, vector<16xi32>], vector<16xf32>,
        %scatter3A_469 = arith.constant 0 : i32
        %scatter3A_470 = arith.constant 0 : i32
        %scatter3A_471 = arith.constant 0 : i32
        %scatter3A_472 = tpu.memref_slice %arg8[%scatter3A_469, %scatter3A_470, %scatter3A_471] : memref<2x32x512xf32, #tpu.memory_space<vmem>> -> memref<1x32x512xf32, #tpu.memory_space<vmem>>
        %scatter3A_473 = tpu.memref_squeeze %scatter3A_472 : memref<1x32x512xf32, #tpu.memory_space<vmem>> -> memref<32x512xf32, #tpu.memory_space<vmem>>
        tpu.vector_store_idx %scatter3A_473[%and3A_462, %add3A_170], %gather3A_468 : memref<32x512xf32, #tpu.memory_space<vmem>>[vector<16xi32>, vector<16xi32>], vector<16xf32>,
        %add3A_474 = arith.constant 18 : i32
        %add3A_475 = vector.broadcast %add3A_474 : i32 to vector<16xi32>
        %add3A_476 = arith.addi %iota3A, %add3A_475 : vector<16xi32>
        %and3A_477 = arith.constant 31 : i32
        %and3A_478 = vector.broadcast %and3A_477 : i32 to vector<16xi32>
        %and3A_479 = arith.andi %add3A_476, %and3A_478 : vector<16xi32>
        %gather3A_480 = arith.constant 0 : i32
        %gather3A_481 = arith.constant 0 : i32
        %gather3A_482 = arith.constant 0 : i32
        %gather3A_483 = tpu.memref_slice %arg7[%gather3A_480, %gather3A_481, %gather3A_482] : memref<2x512x32xf32, #tpu.memory_space<vmem>> -> memref<1x512x32xf32, #tpu.memory_space<vmem>>
        %gather3A_484 = tpu.memref_squeeze %gather3A_483 : memref<1x512x32xf32, #tpu.memory_space<vmem>> -> memref<512x32xf32, #tpu.memory_space<vmem>>
        %gather3A_485 = tpu.vector_load_idx %gather3A_484[%add3A_170, %and3A_479] : memref<512x32xf32, #tpu.memory_space<vmem>>[vector<16xi32>, vector<16xi32>], vector<16xf32>,
        %scatter3A_486 = arith.constant 0 : i32
        %scatter3A_487 = arith.constant 0 : i32
        %scatter3A_488 = arith.constant 0 : i32
        %scatter3A_489 = tpu.memref_slice %arg8[%scatter3A_486, %scatter3A_487, %scatter3A_488] : memref<2x32x512xf32, #tpu.memory_space<vmem>> -> memref<1x32x512xf32, #tpu.memory_space<vmem>>
        %scatter3A_490 = tpu.memref_squeeze %scatter3A_489 : memref<1x32x512xf32, #tpu.memory_space<vmem>> -> memref<32x512xf32, #tpu.memory_space<vmem>>
        tpu.vector_store_idx %scatter3A_490[%and3A_479, %add3A_170], %gather3A_485 : memref<32x512xf32, #tpu.memory_space<vmem>>[vector<16xi32>, vector<16xi32>], vector<16xf32>,
        %add3A_491 = arith.constant 19 : i32
        %add3A_492 = vector.broadcast %add3A_491 : i32 to vector<16xi32>
        %add3A_493 = arith.addi %iota3A, %add3A_492 : vector<16xi32>
        %and3A_494 = arith.constant 31 : i32
        %and3A_495 = vector.broadcast %and3A_494 : i32 to vector<16xi32>
        %and3A_496 = arith.andi %add3A_493, %and3A_495 : vector<16xi32>
        %gather3A_497 = arith.constant 0 : i32
        %gather3A_498 = arith.constant 0 : i32
        %gather3A_499 = arith.constant 0 : i32
        %gather3A_500 = tpu.memref_slice %arg7[%gather3A_497, %gather3A_498, %gather3A_499] : memref<2x512x32xf32, #tpu.memory_space<vmem>> -> memref<1x512x32xf32, #tpu.memory_space<vmem>>
        %gather3A_501 = tpu.memref_squeeze %gather3A_500 : memref<1x512x32xf32, #tpu.memory_space<vmem>> -> memref<512x32xf32, #tpu.memory_space<vmem>>
        %gather3A_502 = tpu.vector_load_idx %gather3A_501[%add3A_170, %and3A_496] : memref<512x32xf32, #tpu.memory_space<vmem>>[vector<16xi32>, vector<16xi32>], vector<16xf32>,
        %scatter3A_503 = arith.constant 0 : i32
        %scatter3A_504 = arith.constant 0 : i32
        %scatter3A_505 = arith.constant 0 : i32
        %scatter3A_506 = tpu.memref_slice %arg8[%scatter3A_503, %scatter3A_504, %scatter3A_505] : memref<2x32x512xf32, #tpu.memory_space<vmem>> -> memref<1x32x512xf32, #tpu.memory_space<vmem>>
        %scatter3A_507 = tpu.memref_squeeze %scatter3A_506 : memref<1x32x512xf32, #tpu.memory_space<vmem>> -> memref<32x512xf32, #tpu.memory_space<vmem>>
        tpu.vector_store_idx %scatter3A_507[%and3A_496, %add3A_170], %gather3A_502 : memref<32x512xf32, #tpu.memory_space<vmem>>[vector<16xi32>, vector<16xi32>], vector<16xf32>,
        %add3A_508 = arith.constant 20 : i32
        %add3A_509 = vector.broadcast %add3A_508 : i32 to vector<16xi32>
        %add3A_510 = arith.addi %iota3A, %add3A_509 : vector<16xi32>
        %and3A_511 = arith.constant 31 : i32
        %and3A_512 = vector.broadcast %and3A_511 : i32 to vector<16xi32>
        %and3A_513 = arith.andi %add3A_510, %and3A_512 : vector<16xi32>
        %gather3A_514 = arith.constant 0 : i32
        %gather3A_515 = arith.constant 0 : i32
        %gather3A_516 = arith.constant 0 : i32
        %gather3A_517 = tpu.memref_slice %arg7[%gather3A_514, %gather3A_515, %gather3A_516] : memref<2x512x32xf32, #tpu.memory_space<vmem>> -> memref<1x512x32xf32, #tpu.memory_space<vmem>>
        %gather3A_518 = tpu.memref_squeeze %gather3A_517 : memref<1x512x32xf32, #tpu.memory_space<vmem>> -> memref<512x32xf32, #tpu.memory_space<vmem>>
        %gather3A_519 = tpu.vector_load_idx %gather3A_518[%add3A_170, %and3A_513] : memref<512x32xf32, #tpu.memory_space<vmem>>[vector<16xi32>, vector<16xi32>], vector<16xf32>,
        %scatter3A_520 = arith.constant 0 : i32
        %scatter3A_521 = arith.constant 0 : i32
        %scatter3A_522 = arith.constant 0 : i32
        %scatter3A_523 = tpu.memref_slice %arg8[%scatter3A_520, %scatter3A_521, %scatter3A_522] : memref<2x32x512xf32, #tpu.memory_space<vmem>> -> memref<1x32x512xf32, #tpu.memory_space<vmem>>
        %scatter3A_524 = tpu.memref_squeeze %scatter3A_523 : memref<1x32x512xf32, #tpu.memory_space<vmem>> -> memref<32x512xf32, #tpu.memory_space<vmem>>
        tpu.vector_store_idx %scatter3A_524[%and3A_513, %add3A_170], %gather3A_519 : memref<32x512xf32, #tpu.memory_space<vmem>>[vector<16xi32>, vector<16xi32>], vector<16xf32>,
        %add3A_525 = arith.constant 21 : i32
        %add3A_526 = vector.broadcast %add3A_525 : i32 to vector<16xi32>
        %add3A_527 = arith.addi %iota3A, %add3A_526 : vector<16xi32>
        %and3A_528 = arith.constant 31 : i32
        %and3A_529 = vector.broadcast %and3A_528 : i32 to vector<16xi32>
        %and3A_530 = arith.andi %add3A_527, %and3A_529 : vector<16xi32>
        %gather3A_531 = arith.constant 0 : i32
        %gather3A_532 = arith.constant 0 : i32
        %gather3A_533 = arith.constant 0 : i32
        %gather3A_534 = tpu.memref_slice %arg7[%gather3A_531, %gather3A_532, %gather3A_533] : memref<2x512x32xf32, #tpu.memory_space<vmem>> -> memref<1x512x32xf32, #tpu.memory_space<vmem>>
        %gather3A_535 = tpu.memref_squeeze %gather3A_534 : memref<1x512x32xf32, #tpu.memory_space<vmem>> -> memref<512x32xf32, #tpu.memory_space<vmem>>
        %gather3A_536 = tpu.vector_load_idx %gather3A_535[%add3A_170, %and3A_530] : memref<512x32xf32, #tpu.memory_space<vmem>>[vector<16xi32>, vector<16xi32>], vector<16xf32>,
        %scatter3A_537 = arith.constant 0 : i32
        %scatter3A_538 = arith.constant 0 : i32
        %scatter3A_539 = arith.constant 0 : i32
        %scatter3A_540 = tpu.memref_slice %arg8[%scatter3A_537, %scatter3A_538, %scatter3A_539] : memref<2x32x512xf32, #tpu.memory_space<vmem>> -> memref<1x32x512xf32, #tpu.memory_space<vmem>>
        %scatter3A_541 = tpu.memref_squeeze %scatter3A_540 : memref<1x32x512xf32, #tpu.memory_space<vmem>> -> memref<32x512xf32, #tpu.memory_space<vmem>>
        tpu.vector_store_idx %scatter3A_541[%and3A_530, %add3A_170], %gather3A_536 : memref<32x512xf32, #tpu.memory_space<vmem>>[vector<16xi32>, vector<16xi32>], vector<16xf32>,
        %add3A_542 = arith.constant 22 : i32
        %add3A_543 = vector.broadcast %add3A_542 : i32 to vector<16xi32>
        %add3A_544 = arith.addi %iota3A, %add3A_543 : vector<16xi32>
        %and3A_545 = arith.constant 31 : i32
        %and3A_546 = vector.broadcast %and3A_545 : i32 to vector<16xi32>
        %and3A_547 = arith.andi %add3A_544, %and3A_546 : vector<16xi32>
        %gather3A_548 = arith.constant 0 : i32
        %gather3A_549 = arith.constant 0 : i32
        %gather3A_550 = arith.constant 0 : i32
        %gather3A_551 = tpu.memref_slice %arg7[%gather3A_548, %gather3A_549, %gather3A_550] : memref<2x512x32xf32, #tpu.memory_space<vmem>> -> memref<1x512x32xf32, #tpu.memory_space<vmem>>
        %gather3A_552 = tpu.memref_squeeze %gather3A_551 : memref<1x512x32xf32, #tpu.memory_space<vmem>> -> memref<512x32xf32, #tpu.memory_space<vmem>>
        %gather3A_553 = tpu.vector_load_idx %gather3A_552[%add3A_170, %and3A_547] : memref<512x32xf32, #tpu.memory_space<vmem>>[vector<16xi32>, vector<16xi32>], vector<16xf32>,
        %scatter3A_554 = arith.constant 0 : i32
        %scatter3A_555 = arith.constant 0 : i32
        %scatter3A_556 = arith.constant 0 : i32
        %scatter3A_557 = tpu.memref_slice %arg8[%scatter3A_554, %scatter3A_555, %scatter3A_556] : memref<2x32x512xf32, #tpu.memory_space<vmem>> -> memref<1x32x512xf32, #tpu.memory_space<vmem>>
        %scatter3A_558 = tpu.memref_squeeze %scatter3A_557 : memref<1x32x512xf32, #tpu.memory_space<vmem>> -> memref<32x512xf32, #tpu.memory_space<vmem>>
        tpu.vector_store_idx %scatter3A_558[%and3A_547, %add3A_170], %gather3A_553 : memref<32x512xf32, #tpu.memory_space<vmem>>[vector<16xi32>, vector<16xi32>], vector<16xf32>,
        %add3A_559 = arith.constant 23 : i32
        %add3A_560 = vector.broadcast %add3A_559 : i32 to vector<16xi32>
        %add3A_561 = arith.addi %iota3A, %add3A_560 : vector<16xi32>
        %and3A_562 = arith.constant 31 : i32
        %and3A_563 = vector.broadcast %and3A_562 : i32 to vector<16xi32>
        %and3A_564 = arith.andi %add3A_561, %and3A_563 : vector<16xi32>
        %gather3A_565 = arith.constant 0 : i32
        %gather3A_566 = arith.constant 0 : i32
        %gather3A_567 = arith.constant 0 : i32
        %gather3A_568 = tpu.memref_slice %arg7[%gather3A_565, %gather3A_566, %gather3A_567] : memref<2x512x32xf32, #tpu.memory_space<vmem>> -> memref<1x512x32xf32, #tpu.memory_space<vmem>>
        %gather3A_569 = tpu.memref_squeeze %gather3A_568 : memref<1x512x32xf32, #tpu.memory_space<vmem>> -> memref<512x32xf32, #tpu.memory_space<vmem>>
        %gather3A_570 = tpu.vector_load_idx %gather3A_569[%add3A_170, %and3A_564] : memref<512x32xf32, #tpu.memory_space<vmem>>[vector<16xi32>, vector<16xi32>], vector<16xf32>,
        %scatter3A_571 = arith.constant 0 : i32
        %scatter3A_572 = arith.constant 0 : i32
        %scatter3A_573 = arith.constant 0 : i32
        %scatter3A_574 = tpu.memref_slice %arg8[%scatter3A_571, %scatter3A_572, %scatter3A_573] : memref<2x32x512xf32, #tpu.memory_space<vmem>> -> memref<1x32x512xf32, #tpu.memory_space<vmem>>
        %scatter3A_575 = tpu.memref_squeeze %scatter3A_574 : memref<1x32x512xf32, #tpu.memory_space<vmem>> -> memref<32x512xf32, #tpu.memory_space<vmem>>
        tpu.vector_store_idx %scatter3A_575[%and3A_564, %add3A_170], %gather3A_570 : memref<32x512xf32, #tpu.memory_space<vmem>>[vector<16xi32>, vector<16xi32>], vector<16xf32>,
        %add3A_576 = arith.constant 24 : i32
        %add3A_577 = vector.broadcast %add3A_576 : i32 to vector<16xi32>
        %add3A_578 = arith.addi %iota3A, %add3A_577 : vector<16xi32>
        %and3A_579 = arith.constant 31 : i32
        %and3A_580 = vector.broadcast %and3A_579 : i32 to vector<16xi32>
        %and3A_581 = arith.andi %add3A_578, %and3A_580 : vector<16xi32>
        %gather3A_582 = arith.constant 0 : i32
        %gather3A_583 = arith.constant 0 : i32
        %gather3A_584 = arith.constant 0 : i32
        %gather3A_585 = tpu.memref_slice %arg7[%gather3A_582, %gather3A_583, %gather3A_584] : memref<2x512x32xf32, #tpu.memory_space<vmem>> -> memref<1x512x32xf32, #tpu.memory_space<vmem>>
        %gather3A_586 = tpu.memref_squeeze %gather3A_585 : memref<1x512x32xf32, #tpu.memory_space<vmem>> -> memref<512x32xf32, #tpu.memory_space<vmem>>
        %gather3A_587 = tpu.vector_load_idx %gather3A_586[%add3A_170, %and3A_581] : memref<512x32xf32, #tpu.memory_space<vmem>>[vector<16xi32>, vector<16xi32>], vector<16xf32>,
        %scatter3A_588 = arith.constant 0 : i32
        %scatter3A_589 = arith.constant 0 : i32
        %scatter3A_590 = arith.constant 0 : i32
        %scatter3A_591 = tpu.memref_slice %arg8[%scatter3A_588, %scatter3A_589, %scatter3A_590] : memref<2x32x512xf32, #tpu.memory_space<vmem>> -> memref<1x32x512xf32, #tpu.memory_space<vmem>>
        %scatter3A_592 = tpu.memref_squeeze %scatter3A_591 : memref<1x32x512xf32, #tpu.memory_space<vmem>> -> memref<32x512xf32, #tpu.memory_space<vmem>>
        tpu.vector_store_idx %scatter3A_592[%and3A_581, %add3A_170], %gather3A_587 : memref<32x512xf32, #tpu.memory_space<vmem>>[vector<16xi32>, vector<16xi32>], vector<16xf32>,
        %add3A_593 = arith.constant 25 : i32
        %add3A_594 = vector.broadcast %add3A_593 : i32 to vector<16xi32>
        %add3A_595 = arith.addi %iota3A, %add3A_594 : vector<16xi32>
        %and3A_596 = arith.constant 31 : i32
        %and3A_597 = vector.broadcast %and3A_596 : i32 to vector<16xi32>
        %and3A_598 = arith.andi %add3A_595, %and3A_597 : vector<16xi32>
        %gather3A_599 = arith.constant 0 : i32
        %gather3A_600 = arith.constant 0 : i32
        %gather3A_601 = arith.constant 0 : i32
        %gather3A_602 = tpu.memref_slice %arg7[%gather3A_599, %gather3A_600, %gather3A_601] : memref<2x512x32xf32, #tpu.memory_space<vmem>> -> memref<1x512x32xf32, #tpu.memory_space<vmem>>
        %gather3A_603 = tpu.memref_squeeze %gather3A_602 : memref<1x512x32xf32, #tpu.memory_space<vmem>> -> memref<512x32xf32, #tpu.memory_space<vmem>>
        %gather3A_604 = tpu.vector_load_idx %gather3A_603[%add3A_170, %and3A_598] : memref<512x32xf32, #tpu.memory_space<vmem>>[vector<16xi32>, vector<16xi32>], vector<16xf32>,
        %scatter3A_605 = arith.constant 0 : i32
        %scatter3A_606 = arith.constant 0 : i32
        %scatter3A_607 = arith.constant 0 : i32
        %scatter3A_608 = tpu.memref_slice %arg8[%scatter3A_605, %scatter3A_606, %scatter3A_607] : memref<2x32x512xf32, #tpu.memory_space<vmem>> -> memref<1x32x512xf32, #tpu.memory_space<vmem>>
        %scatter3A_609 = tpu.memref_squeeze %scatter3A_608 : memref<1x32x512xf32, #tpu.memory_space<vmem>> -> memref<32x512xf32, #tpu.memory_space<vmem>>
        tpu.vector_store_idx %scatter3A_609[%and3A_598, %add3A_170], %gather3A_604 : memref<32x512xf32, #tpu.memory_space<vmem>>[vector<16xi32>, vector<16xi32>], vector<16xf32>,
        %add3A_610 = arith.constant 26 : i32
        %add3A_611 = vector.broadcast %add3A_610 : i32 to vector<16xi32>
        %add3A_612 = arith.addi %iota3A, %add3A_611 : vector<16xi32>
        %and3A_613 = arith.constant 31 : i32
        %and3A_614 = vector.broadcast %and3A_613 : i32 to vector<16xi32>
        %and3A_615 = arith.andi %add3A_612, %and3A_614 : vector<16xi32>
        %gather3A_616 = arith.constant 0 : i32
        %gather3A_617 = arith.constant 0 : i32
        %gather3A_618 = arith.constant 0 : i32
        %gather3A_619 = tpu.memref_slice %arg7[%gather3A_616, %gather3A_617, %gather3A_618] : memref<2x512x32xf32, #tpu.memory_space<vmem>> -> memref<1x512x32xf32, #tpu.memory_space<vmem>>
        %gather3A_620 = tpu.memref_squeeze %gather3A_619 : memref<1x512x32xf32, #tpu.memory_space<vmem>> -> memref<512x32xf32, #tpu.memory_space<vmem>>
        %gather3A_621 = tpu.vector_load_idx %gather3A_620[%add3A_170, %and3A_615] : memref<512x32xf32, #tpu.memory_space<vmem>>[vector<16xi32>, vector<16xi32>], vector<16xf32>,
        %scatter3A_622 = arith.constant 0 : i32
        %scatter3A_623 = arith.constant 0 : i32
        %scatter3A_624 = arith.constant 0 : i32
        %scatter3A_625 = tpu.memref_slice %arg8[%scatter3A_622, %scatter3A_623, %scatter3A_624] : memref<2x32x512xf32, #tpu.memory_space<vmem>> -> memref<1x32x512xf32, #tpu.memory_space<vmem>>
        %scatter3A_626 = tpu.memref_squeeze %scatter3A_625 : memref<1x32x512xf32, #tpu.memory_space<vmem>> -> memref<32x512xf32, #tpu.memory_space<vmem>>
        tpu.vector_store_idx %scatter3A_626[%and3A_615, %add3A_170], %gather3A_621 : memref<32x512xf32, #tpu.memory_space<vmem>>[vector<16xi32>, vector<16xi32>], vector<16xf32>,
        %add3A_627 = arith.constant 27 : i32
        %add3A_628 = vector.broadcast %add3A_627 : i32 to vector<16xi32>
        %add3A_629 = arith.addi %iota3A, %add3A_628 : vector<16xi32>
        %and3A_630 = arith.constant 31 : i32
        %and3A_631 = vector.broadcast %and3A_630 : i32 to vector<16xi32>
        %and3A_632 = arith.andi %add3A_629, %and3A_631 : vector<16xi32>
        %gather3A_633 = arith.constant 0 : i32
        %gather3A_634 = arith.constant 0 : i32
        %gather3A_635 = arith.constant 0 : i32
        %gather3A_636 = tpu.memref_slice %arg7[%gather3A_633, %gather3A_634, %gather3A_635] : memref<2x512x32xf32, #tpu.memory_space<vmem>> -> memref<1x512x32xf32, #tpu.memory_space<vmem>>
        %gather3A_637 = tpu.memref_squeeze %gather3A_636 : memref<1x512x32xf32, #tpu.memory_space<vmem>> -> memref<512x32xf32, #tpu.memory_space<vmem>>
        %gather3A_638 = tpu.vector_load_idx %gather3A_637[%add3A_170, %and3A_632] : memref<512x32xf32, #tpu.memory_space<vmem>>[vector<16xi32>, vector<16xi32>], vector<16xf32>,
        %scatter3A_639 = arith.constant 0 : i32
        %scatter3A_640 = arith.constant 0 : i32
        %scatter3A_641 = arith.constant 0 : i32
        %scatter3A_642 = tpu.memref_slice %arg8[%scatter3A_639, %scatter3A_640, %scatter3A_641] : memref<2x32x512xf32, #tpu.memory_space<vmem>> -> memref<1x32x512xf32, #tpu.memory_space<vmem>>
        %scatter3A_643 = tpu.memref_squeeze %scatter3A_642 : memref<1x32x512xf32, #tpu.memory_space<vmem>> -> memref<32x512xf32, #tpu.memory_space<vmem>>
        tpu.vector_store_idx %scatter3A_643[%and3A_632, %add3A_170], %gather3A_638 : memref<32x512xf32, #tpu.memory_space<vmem>>[vector<16xi32>, vector<16xi32>], vector<16xf32>,
        %add3A_644 = arith.constant 28 : i32
        %add3A_645 = vector.broadcast %add3A_644 : i32 to vector<16xi32>
        %add3A_646 = arith.addi %iota3A, %add3A_645 : vector<16xi32>
        %and3A_647 = arith.constant 31 : i32
        %and3A_648 = vector.broadcast %and3A_647 : i32 to vector<16xi32>
        %and3A_649 = arith.andi %add3A_646, %and3A_648 : vector<16xi32>
        %gather3A_650 = arith.constant 0 : i32
        %gather3A_651 = arith.constant 0 : i32
        %gather3A_652 = arith.constant 0 : i32
        %gather3A_653 = tpu.memref_slice %arg7[%gather3A_650, %gather3A_651, %gather3A_652] : memref<2x512x32xf32, #tpu.memory_space<vmem>> -> memref<1x512x32xf32, #tpu.memory_space<vmem>>
        %gather3A_654 = tpu.memref_squeeze %gather3A_653 : memref<1x512x32xf32, #tpu.memory_space<vmem>> -> memref<512x32xf32, #tpu.memory_space<vmem>>
        %gather3A_655 = tpu.vector_load_idx %gather3A_654[%add3A_170, %and3A_649] : memref<512x32xf32, #tpu.memory_space<vmem>>[vector<16xi32>, vector<16xi32>], vector<16xf32>,
        %scatter3A_656 = arith.constant 0 : i32
        %scatter3A_657 = arith.constant 0 : i32
        %scatter3A_658 = arith.constant 0 : i32
        %scatter3A_659 = tpu.memref_slice %arg8[%scatter3A_656, %scatter3A_657, %scatter3A_658] : memref<2x32x512xf32, #tpu.memory_space<vmem>> -> memref<1x32x512xf32, #tpu.memory_space<vmem>>
        %scatter3A_660 = tpu.memref_squeeze %scatter3A_659 : memref<1x32x512xf32, #tpu.memory_space<vmem>> -> memref<32x512xf32, #tpu.memory_space<vmem>>
        tpu.vector_store_idx %scatter3A_660[%and3A_649, %add3A_170], %gather3A_655 : memref<32x512xf32, #tpu.memory_space<vmem>>[vector<16xi32>, vector<16xi32>], vector<16xf32>,
        %add3A_661 = arith.constant 29 : i32
        %add3A_662 = vector.broadcast %add3A_661 : i32 to vector<16xi32>
        %add3A_663 = arith.addi %iota3A, %add3A_662 : vector<16xi32>
        %and3A_664 = arith.constant 31 : i32
        %and3A_665 = vector.broadcast %and3A_664 : i32 to vector<16xi32>
        %and3A_666 = arith.andi %add3A_663, %and3A_665 : vector<16xi32>
        %gather3A_667 = arith.constant 0 : i32
        %gather3A_668 = arith.constant 0 : i32
        %gather3A_669 = arith.constant 0 : i32
        %gather3A_670 = tpu.memref_slice %arg7[%gather3A_667, %gather3A_668, %gather3A_669] : memref<2x512x32xf32, #tpu.memory_space<vmem>> -> memref<1x512x32xf32, #tpu.memory_space<vmem>>
        %gather3A_671 = tpu.memref_squeeze %gather3A_670 : memref<1x512x32xf32, #tpu.memory_space<vmem>> -> memref<512x32xf32, #tpu.memory_space<vmem>>
        %gather3A_672 = tpu.vector_load_idx %gather3A_671[%add3A_170, %and3A_666] : memref<512x32xf32, #tpu.memory_space<vmem>>[vector<16xi32>, vector<16xi32>], vector<16xf32>,
        %scatter3A_673 = arith.constant 0 : i32
        %scatter3A_674 = arith.constant 0 : i32
        %scatter3A_675 = arith.constant 0 : i32
        %scatter3A_676 = tpu.memref_slice %arg8[%scatter3A_673, %scatter3A_674, %scatter3A_675] : memref<2x32x512xf32, #tpu.memory_space<vmem>> -> memref<1x32x512xf32, #tpu.memory_space<vmem>>
        %scatter3A_677 = tpu.memref_squeeze %scatter3A_676 : memref<1x32x512xf32, #tpu.memory_space<vmem>> -> memref<32x512xf32, #tpu.memory_space<vmem>>
        tpu.vector_store_idx %scatter3A_677[%and3A_666, %add3A_170], %gather3A_672 : memref<32x512xf32, #tpu.memory_space<vmem>>[vector<16xi32>, vector<16xi32>], vector<16xf32>,
        %add3A_678 = arith.constant 30 : i32
        %add3A_679 = vector.broadcast %add3A_678 : i32 to vector<16xi32>
        %add3A_680 = arith.addi %iota3A, %add3A_679 : vector<16xi32>
        %and3A_681 = arith.constant 31 : i32
        %and3A_682 = vector.broadcast %and3A_681 : i32 to vector<16xi32>
        %and3A_683 = arith.andi %add3A_680, %and3A_682 : vector<16xi32>
        %gather3A_684 = arith.constant 0 : i32
        %gather3A_685 = arith.constant 0 : i32
        %gather3A_686 = arith.constant 0 : i32
        %gather3A_687 = tpu.memref_slice %arg7[%gather3A_684, %gather3A_685, %gather3A_686] : memref<2x512x32xf32, #tpu.memory_space<vmem>> -> memref<1x512x32xf32, #tpu.memory_space<vmem>>
        %gather3A_688 = tpu.memref_squeeze %gather3A_687 : memref<1x512x32xf32, #tpu.memory_space<vmem>> -> memref<512x32xf32, #tpu.memory_space<vmem>>
        %gather3A_689 = tpu.vector_load_idx %gather3A_688[%add3A_170, %and3A_683] : memref<512x32xf32, #tpu.memory_space<vmem>>[vector<16xi32>, vector<16xi32>], vector<16xf32>,
        %scatter3A_690 = arith.constant 0 : i32
        %scatter3A_691 = arith.constant 0 : i32
        %scatter3A_692 = arith.constant 0 : i32
        %scatter3A_693 = tpu.memref_slice %arg8[%scatter3A_690, %scatter3A_691, %scatter3A_692] : memref<2x32x512xf32, #tpu.memory_space<vmem>> -> memref<1x32x512xf32, #tpu.memory_space<vmem>>
        %scatter3A_694 = tpu.memref_squeeze %scatter3A_693 : memref<1x32x512xf32, #tpu.memory_space<vmem>> -> memref<32x512xf32, #tpu.memory_space<vmem>>
        tpu.vector_store_idx %scatter3A_694[%and3A_683, %add3A_170], %gather3A_689 : memref<32x512xf32, #tpu.memory_space<vmem>>[vector<16xi32>, vector<16xi32>], vector<16xf32>,
        %add3A_695 = arith.constant 31 : i32
        %add3A_696 = vector.broadcast %add3A_695 : i32 to vector<16xi32>
        %add3A_697 = arith.addi %iota3A, %add3A_696 : vector<16xi32>
        %and3A_698 = arith.constant 31 : i32
        %and3A_699 = vector.broadcast %and3A_698 : i32 to vector<16xi32>
        %and3A_700 = arith.andi %add3A_697, %and3A_699 : vector<16xi32>
        %gather3A_701 = arith.constant 0 : i32
        %gather3A_702 = arith.constant 0 : i32
        %gather3A_703 = arith.constant 0 : i32
        %gather3A_704 = tpu.memref_slice %arg7[%gather3A_701, %gather3A_702, %gather3A_703] : memref<2x512x32xf32, #tpu.memory_space<vmem>> -> memref<1x512x32xf32, #tpu.memory_space<vmem>>
        %gather3A_705 = tpu.memref_squeeze %gather3A_704 : memref<1x512x32xf32, #tpu.memory_space<vmem>> -> memref<512x32xf32, #tpu.memory_space<vmem>>
        %gather3A_706 = tpu.vector_load_idx %gather3A_705[%add3A_170, %and3A_700] : memref<512x32xf32, #tpu.memory_space<vmem>>[vector<16xi32>, vector<16xi32>], vector<16xf32>,
        %scatter3A_707 = arith.constant 0 : i32
        %scatter3A_708 = arith.constant 0 : i32
        %scatter3A_709 = arith.constant 0 : i32
        %scatter3A_710 = tpu.memref_slice %arg8[%scatter3A_707, %scatter3A_708, %scatter3A_709] : memref<2x32x512xf32, #tpu.memory_space<vmem>> -> memref<1x32x512xf32, #tpu.memory_space<vmem>>
        %scatter3A_711 = tpu.memref_squeeze %scatter3A_710 : memref<1x32x512xf32, #tpu.memory_space<vmem>> -> memref<32x512xf32, #tpu.memory_space<vmem>>
        tpu.vector_store_idx %scatter3A_711[%and3A_700, %add3A_170], %gather3A_706 : memref<32x512xf32, #tpu.memory_space<vmem>>[vector<16xi32>, vector<16xi32>], vector<16xf32>,
      }
      %scan3A_95 = arith.constant 32 : i32
      %dma_start3A_96 = arith.constant 0 : i32
      %dma_start3A_97 = arith.constant 0 : i32
      %dma_start3A_98 = arith.constant 0 : i32
      %dma_start3A_99 = arith.constant 0 : i32
      %dma_start3A_100 = tpu.memref_slice %arg8[%dma_start3A_96, %dma_start3A_98, %dma_start3A_99] : memref<2x32x512xf32, #tpu.memory_space<vmem>> -> memref<1x32x512xf32, #tpu.memory_space<vmem>>
      %dma_start3A_101 = tpu.memref_squeeze %dma_start3A_100 : memref<1x32x512xf32, #tpu.memory_space<vmem>> -> memref<32x512xf32, #tpu.memory_space<vmem>>
      %dma_start3A_102 = arith.constant 0 : i32
      %dma_start3A_103 = tpu.memref_slice %arg4[%add3A_69, %dma_start3A_102, %mul3A_2] : memref<50x32x16384xf32, #tpu.memory_space<hbm>> -> memref<1x32x512xf32, #tpu.memory_space<hbm>>
      %dma_start3A_104 = tpu.memref_squeeze %dma_start3A_103 : memref<1x32x512xf32, #tpu.memory_space<hbm>> -> memref<32x512xf32, #tpu.memory_space<hbm>>
      %dma_start3A_105 = tpu.memref_slice %arg10[%dma_start3A_97] : memref<2x!tpu.dma_semaphore, #tpu.memory_space<semaphore_mem>> -> memref<1x!tpu.dma_semaphore, #tpu.memory_space<semaphore_mem>>
      %dma_start3A_106 = tpu.memref_squeeze %dma_start3A_105 : memref<1x!tpu.dma_semaphore, #tpu.memory_space<semaphore_mem>> -> memref<!tpu.dma_semaphore, #tpu.memory_space<semaphore_mem>>
      %dma_start3A_107 = arith.constant 0 : i32
      %dma_start3A_108 = tpu.memref_slice %arg4[%add3A_69, %dma_start3A_107, %mul3A_2] : memref<50x32x16384xf32, #tpu.memory_space<hbm>> -> memref<1x32x512xf32, #tpu.memory_space<hbm>>
      %dma_start3A_109 = tpu.memref_squeeze %dma_start3A_108 : memref<1x32x512xf32, #tpu.memory_space<hbm>> -> memref<32x512xf32, #tpu.memory_space<hbm>>
      %dma_start3A_110 = arith.constant 0 : i32
      %dma_start3A_111 = arith.constant 0 : i32
      %dma_start3A_112 = tpu.memref_slice %arg8[%dma_start3A_96, %dma_start3A_110, %dma_start3A_111] : memref<2x32x512xf32, #tpu.memory_space<vmem>> -> memref<1x32x512xf32, #tpu.memory_space<vmem>>
      %dma_start3A_113 = tpu.memref_squeeze %dma_start3A_112 : memref<1x32x512xf32, #tpu.memory_space<vmem>> -> memref<32x512xf32, #tpu.memory_space<vmem>>
      tpu.enqueue_dma source(%dma_start3A_113 : memref<32x512xf32, #tpu.memory_space<vmem>>) target(%dma_start3A_109 : memref<32x512xf32, #tpu.memory_space<hbm>>) target_semaphore(%dma_start3A_106 : memref<!tpu.dma_semaphore, #tpu.memory_space<semaphore_mem>>)
      %mul3A_114 = arith.constant 2 : i32
      %mul3A_115 = arith.muli %mul3A_114, %scan3A_65 : i32
      %add3A_116 = arith.constant 1 : i32
      %add3A_117 = arith.addi %mul3A_115, %add3A_116 : i32
      %lt3A_118 = arith.constant 49 : i32
      %lt3A_119 = arith.cmpi slt, %add3A_117, %lt3A_118 : i32
      %convert_element_type3A_120 = arith.extui %lt3A_119 : i1 to i32
      %cond3A_121 = arith.constant 0 : i32
      %cond3A_122 = arith.cmpi ne, %convert_element_type3A_120, %cond3A_121 : i32
      scf.if %cond3A_122 {
        %add3A_166 = arith.constant 1 : i32
        %add3A_167 = arith.addi %add3A_117, %add3A_166 : i32
        %dma_start3A_168 = arith.constant 0 : i32
        %dma_start3A_169 = arith.constant 0 : i32
        %dma_start3A_170 = arith.constant 0 : i32
        %dma_start3A_171 = arith.constant 0 : i32
        %dma_start3A_172 = tpu.memref_slice %arg7[%dma_start3A_168, %dma_start3A_170, %dma_start3A_171] : memref<2x512x32xf32, #tpu.memory_space<vmem>> -> memref<1x512x32xf32, #tpu.memory_space<vmem>>
        %dma_start3A_173 = tpu.memref_squeeze %dma_start3A_172 : memref<1x512x32xf32, #tpu.memory_space<vmem>> -> memref<512x32xf32, #tpu.memory_space<vmem>>
        %dma_start3A_174 = arith.constant 0 : i32
        %dma_start3A_175 = tpu.memref_slice %arg6[%add3A_167, %dma_start3A_174] : memref<50x512xi32, #tpu.memory_space<vmem>> -> memref<1x512xi32, #tpu.memory_space<vmem>>
        %dma_start3A_176 = tpu.memref_squeeze %dma_start3A_175 : memref<1x512xi32, #tpu.memory_space<vmem>> -> memref<512xi32, #tpu.memory_space<vmem>>
        %dma_start3A_177 = arith.constant 0 : i32
        %dma_start3A_178 = arith.constant 0 : i32
        %dma_start3A_179 = tpu.memref_slice %arg2[%dma_start3A_177, %dma_start3A_178] : memref<1000000x32xf32, #tpu.memory_space<hbm>> -> memref<1000000x32xf32, #tpu.memory_space<hbm>>
        %dma_start3A_180 = tpu.memref_slice %arg9[%dma_start3A_169] : memref<2x!tpu.dma_semaphore, #tpu.memory_space<semaphore_mem>> -> memref<1x!tpu.dma_semaphore, #tpu.memory_space<semaphore_mem>>
        %dma_start3A_181 = tpu.memref_squeeze %dma_start3A_180 : memref<1x!tpu.dma_semaphore, #tpu.memory_space<semaphore_mem>> -> memref<!tpu.dma_semaphore, #tpu.memory_space<semaphore_mem>>
        tpu.enqueue_indirect_dma source(%dma_start3A_179 : memref<1000000x32xf32, #tpu.memory_space<hbm>>) target(%dma_start3A_173 : memref<512x32xf32, #tpu.memory_space<vmem>>) offsets(%dma_start3A_176 : memref<512xi32, #tpu.memory_space<vmem>>) semaphore(%dma_start3A_181 : memref<!tpu.dma_semaphore, #tpu.memory_space<semaphore_mem>>)
      } else {
      }
      %dma_wait3A_123 = arith.constant 1 : i32
      %dma_wait3A_124 = arith.constant 1 : i32
      %dma_wait3A_125 = arith.constant 0 : i32
      %dma_wait3A_126 = arith.constant 0 : i32
      %dma_wait3A_127 = tpu.memref_slice %arg7[%dma_wait3A_123, %dma_wait3A_125, %dma_wait3A_126] : memref<2x512x32xf32, #tpu.memory_space<vmem>> -> memref<1x512x32xf32, #tpu.memory_space<vmem>>
      %dma_wait3A_128 = tpu.memref_squeeze %dma_wait3A_127 : memref<1x512x32xf32, #tpu.memory_space<vmem>> -> memref<512x32xf32, #tpu.memory_space<vmem>>
      %dma_wait3A_129 = arith.constant 0 : i32
      %dma_wait3A_130 = tpu.memref_slice %arg6[%add3A_117, %dma_wait3A_129] : memref<50x512xi32, #tpu.memory_space<vmem>> -> memref<1x512xi32, #tpu.memory_space<vmem>>
      %dma_wait3A_131 = tpu.memref_squeeze %dma_wait3A_130 : memref<1x512xi32, #tpu.memory_space<vmem>> -> memref<512xi32, #tpu.memory_space<vmem>>
      %dma_wait3A_132 = arith.constant 0 : i32
      %dma_wait3A_133 = arith.constant 0 : i32
      %dma_wait3A_134 = tpu.memref_slice %arg2[%dma_wait3A_132, %dma_wait3A_133] : memref<1000000x32xf32, #tpu.memory_space<hbm>> -> memref<1000000x32xf32, #tpu.memory_space<hbm>>
      %dma_wait3A_135 = tpu.memref_slice %arg9[%dma_wait3A_124] : memref<2x!tpu.dma_semaphore, #tpu.memory_space<semaphore_mem>> -> memref<1x!tpu.dma_semaphore, #tpu.memory_space<semaphore_mem>>
      %dma_wait3A_136 = tpu.memref_squeeze %dma_wait3A_135 : memref<1x!tpu.dma_semaphore, #tpu.memory_space<semaphore_mem>> -> memref<!tpu.dma_semaphore, #tpu.memory_space<semaphore_mem>>
      tpu.wait_indirect_dma semaphore(%dma_wait3A_136 : memref<!tpu.dma_semaphore, #tpu.memory_space<semaphore_mem>>) src(%dma_wait3A_134 : memref<1000000x32xf32, #tpu.memory_space<hbm>>) dst(%dma_wait3A_128 : memref<512x32xf32, #tpu.memory_space<vmem>>)
      %ge3A_137 = arith.constant 2 : i32
      %ge3A_138 = arith.cmpi sge, %add3A_117, %ge3A_137 : i32
      %convert_element_type3A_139 = arith.extui %ge3A_138 : i1 to i32
      %cond3A_140 = arith.constant 0 : i32
      %cond3A_141 = arith.cmpi ne, %convert_element_type3A_139, %cond3A_140 : i32
      scf.if %cond3A_141 {
        %sub3A = arith.constant 2 : i32
        %sub3A_166 = arith.subi %add3A_117, %sub3A : i32
        %dma_wait3A_167 = arith.constant 1 : i32
        %dma_wait3A_168 = arith.constant 1 : i32
        %dma_wait3A_169 = arith.constant 0 : i32
        %dma_wait3A_170 = arith.constant 0 : i32
        %dma_wait3A_171 = tpu.memref_slice %arg8[%dma_wait3A_167, %dma_wait3A_169, %dma_wait3A_170] : memref<2x32x512xf32, #tpu.memory_space<vmem>> -> memref<1x32x512xf32, #tpu.memory_space<vmem>>
        %dma_wait3A_172 = tpu.memref_squeeze %dma_wait3A_171 : memref<1x32x512xf32, #tpu.memory_space<vmem>> -> memref<32x512xf32, #tpu.memory_space<vmem>>
        %dma_wait3A_173 = arith.constant 0 : i32
        %dma_wait3A_174 = tpu.memref_slice %arg4[%sub3A_166, %dma_wait3A_173, %mul3A_2] : memref<50x32x16384xf32, #tpu.memory_space<hbm>> -> memref<1x32x512xf32, #tpu.memory_space<hbm>>
        %dma_wait3A_175 = tpu.memref_squeeze %dma_wait3A_174 : memref<1x32x512xf32, #tpu.memory_space<hbm>> -> memref<32x512xf32, #tpu.memory_space<hbm>>
        %dma_wait3A_176 = tpu.memref_slice %arg10[%dma_wait3A_168] : memref<2x!tpu.dma_semaphore, #tpu.memory_space<semaphore_mem>> -> memref<1x!tpu.dma_semaphore, #tpu.memory_space<semaphore_mem>>
        %dma_wait3A_177 = tpu.memref_squeeze %dma_wait3A_176 : memref<1x!tpu.dma_semaphore, #tpu.memory_space<semaphore_mem>> -> memref<!tpu.dma_semaphore, #tpu.memory_space<semaphore_mem>>
        %dma_wait3A_178 = arith.constant 0 : i32
        %dma_wait3A_179 = tpu.memref_slice %arg4[%sub3A_166, %dma_wait3A_178, %mul3A_2] : memref<50x32x16384xf32, #tpu.memory_space<hbm>> -> memref<1x32x512xf32, #tpu.memory_space<hbm>>
        %dma_wait3A_180 = tpu.memref_squeeze %dma_wait3A_179 : memref<1x32x512xf32, #tpu.memory_space<hbm>> -> memref<32x512xf32, #tpu.memory_space<hbm>>
        %dma_wait3A_181 = arith.constant 0 : i32
        %dma_wait3A_182 = arith.constant 0 : i32
        %dma_wait3A_183 = tpu.memref_slice %arg8[%dma_wait3A_167, %dma_wait3A_181, %dma_wait3A_182] : memref<2x32x512xf32, #tpu.memory_space<vmem>> -> memref<1x32x512xf32, #tpu.memory_space<vmem>>
        %dma_wait3A_184 = tpu.memref_squeeze %dma_wait3A_183 : memref<1x32x512xf32, #tpu.memory_space<vmem>> -> memref<32x512xf32, #tpu.memory_space<vmem>>
        tpu.wait_dma2 semaphore(%dma_wait3A_177 : memref<!tpu.dma_semaphore, #tpu.memory_space<semaphore_mem>>) src(%dma_wait3A_184 : memref<32x512xf32, #tpu.memory_space<vmem>>) dst(%dma_wait3A_180 : memref<32x512xf32, #tpu.memory_space<hbm>>)
      } else {
      }
      %scan3A_142 = arith.constant 0 : i32
      %scan3A_143 = arith.constant 0 : i32
      %scan3A_144 = arith.constant 32 : i32
      %scan3A_145 = arith.addi %scan3A_143, %scan3A_144 : i32
      %scan3A_146 = arith.constant 1 : i32
      scf.for %scan3A_166 = %scan3A_143 to %scan3A_145 step %scan3A_146  : i32 {
        %mul3A_167 = arith.constant 16 : i32
        %mul3A_168 = arith.muli %scan3A_166, %mul3A_167 : i32
        %add3A_169 = vector.broadcast %mul3A_168 : i32 to vector<16xi32>
        %add3A_170 = arith.addi %iota3A, %add3A_169 : vector<16xi32>
        %add3A_171 = arith.constant 0 : i32
        %add3A_172 = vector.broadcast %add3A_171 : i32 to vector<16xi32>
        %add3A_173 = arith.addi %iota3A, %add3A_172 : vector<16xi32>
        %and3A = arith.constant 31 : i32
        %and3A_174 = vector.broadcast %and3A : i32 to vector<16xi32>
        %and3A_175 = arith.andi %add3A_173, %and3A_174 : vector<16xi32>
        %gather3A = arith.constant 1 : i32
        %gather3A_176 = arith.constant 0 : i32
        %gather3A_177 = arith.constant 0 : i32
        %gather3A_178 = tpu.memref_slice %arg7[%gather3A, %gather3A_176, %gather3A_177] : memref<2x512x32xf32, #tpu.memory_space<vmem>> -> memref<1x512x32xf32, #tpu.memory_space<vmem>>
        %gather3A_179 = tpu.memref_squeeze %gather3A_178 : memref<1x512x32xf32, #tpu.memory_space<vmem>> -> memref<512x32xf32, #tpu.memory_space<vmem>>
        %gather3A_180 = tpu.vector_load_idx %gather3A_179[%add3A_170, %and3A_175] : memref<512x32xf32, #tpu.memory_space<vmem>>[vector<16xi32>, vector<16xi32>], vector<16xf32>,
        %scatter3A = arith.constant 1 : i32
        %scatter3A_181 = arith.constant 0 : i32
        %scatter3A_182 = arith.constant 0 : i32
        %scatter3A_183 = tpu.memref_slice %arg8[%scatter3A, %scatter3A_181, %scatter3A_182] : memref<2x32x512xf32, #tpu.memory_space<vmem>> -> memref<1x32x512xf32, #tpu.memory_space<vmem>>
        %scatter3A_184 = tpu.memref_squeeze %scatter3A_183 : memref<1x32x512xf32, #tpu.memory_space<vmem>> -> memref<32x512xf32, #tpu.memory_space<vmem>>
        tpu.vector_store_idx %scatter3A_184[%and3A_175, %add3A_170], %gather3A_180 : memref<32x512xf32, #tpu.memory_space<vmem>>[vector<16xi32>, vector<16xi32>], vector<16xf32>,
        %add3A_185 = arith.constant 1 : i32
        %add3A_186 = vector.broadcast %add3A_185 : i32 to vector<16xi32>
        %add3A_187 = arith.addi %iota3A, %add3A_186 : vector<16xi32>
        %and3A_188 = arith.constant 31 : i32
        %and3A_189 = vector.broadcast %and3A_188 : i32 to vector<16xi32>
        %and3A_190 = arith.andi %add3A_187, %and3A_189 : vector<16xi32>
        %gather3A_191 = arith.constant 1 : i32
        %gather3A_192 = arith.constant 0 : i32
        %gather3A_193 = arith.constant 0 : i32
        %gather3A_194 = tpu.memref_slice %arg7[%gather3A_191, %gather3A_192, %gather3A_193] : memref<2x512x32xf32, #tpu.memory_space<vmem>> -> memref<1x512x32xf32, #tpu.memory_space<vmem>>
        %gather3A_195 = tpu.memref_squeeze %gather3A_194 : memref<1x512x32xf32, #tpu.memory_space<vmem>> -> memref<512x32xf32, #tpu.memory_space<vmem>>
        %gather3A_196 = tpu.vector_load_idx %gather3A_195[%add3A_170, %and3A_190] : memref<512x32xf32, #tpu.memory_space<vmem>>[vector<16xi32>, vector<16xi32>], vector<16xf32>,
        %scatter3A_197 = arith.constant 1 : i32
        %scatter3A_198 = arith.constant 0 : i32
        %scatter3A_199 = arith.constant 0 : i32
        %scatter3A_200 = tpu.memref_slice %arg8[%scatter3A_197, %scatter3A_198, %scatter3A_199] : memref<2x32x512xf32, #tpu.memory_space<vmem>> -> memref<1x32x512xf32, #tpu.memory_space<vmem>>
        %scatter3A_201 = tpu.memref_squeeze %scatter3A_200 : memref<1x32x512xf32, #tpu.memory_space<vmem>> -> memref<32x512xf32, #tpu.memory_space<vmem>>
        tpu.vector_store_idx %scatter3A_201[%and3A_190, %add3A_170], %gather3A_196 : memref<32x512xf32, #tpu.memory_space<vmem>>[vector<16xi32>, vector<16xi32>], vector<16xf32>,
        %add3A_202 = arith.constant 2 : i32
        %add3A_203 = vector.broadcast %add3A_202 : i32 to vector<16xi32>
        %add3A_204 = arith.addi %iota3A, %add3A_203 : vector<16xi32>
        %and3A_205 = arith.constant 31 : i32
        %and3A_206 = vector.broadcast %and3A_205 : i32 to vector<16xi32>
        %and3A_207 = arith.andi %add3A_204, %and3A_206 : vector<16xi32>
        %gather3A_208 = arith.constant 1 : i32
        %gather3A_209 = arith.constant 0 : i32
        %gather3A_210 = arith.constant 0 : i32
        %gather3A_211 = tpu.memref_slice %arg7[%gather3A_208, %gather3A_209, %gather3A_210] : memref<2x512x32xf32, #tpu.memory_space<vmem>> -> memref<1x512x32xf32, #tpu.memory_space<vmem>>
        %gather3A_212 = tpu.memref_squeeze %gather3A_211 : memref<1x512x32xf32, #tpu.memory_space<vmem>> -> memref<512x32xf32, #tpu.memory_space<vmem>>
        %gather3A_213 = tpu.vector_load_idx %gather3A_212[%add3A_170, %and3A_207] : memref<512x32xf32, #tpu.memory_space<vmem>>[vector<16xi32>, vector<16xi32>], vector<16xf32>,
        %scatter3A_214 = arith.constant 1 : i32
        %scatter3A_215 = arith.constant 0 : i32
        %scatter3A_216 = arith.constant 0 : i32
        %scatter3A_217 = tpu.memref_slice %arg8[%scatter3A_214, %scatter3A_215, %scatter3A_216] : memref<2x32x512xf32, #tpu.memory_space<vmem>> -> memref<1x32x512xf32, #tpu.memory_space<vmem>>
        %scatter3A_218 = tpu.memref_squeeze %scatter3A_217 : memref<1x32x512xf32, #tpu.memory_space<vmem>> -> memref<32x512xf32, #tpu.memory_space<vmem>>
        tpu.vector_store_idx %scatter3A_218[%and3A_207, %add3A_170], %gather3A_213 : memref<32x512xf32, #tpu.memory_space<vmem>>[vector<16xi32>, vector<16xi32>], vector<16xf32>,
        %add3A_219 = arith.constant 3 : i32
        %add3A_220 = vector.broadcast %add3A_219 : i32 to vector<16xi32>
        %add3A_221 = arith.addi %iota3A, %add3A_220 : vector<16xi32>
        %and3A_222 = arith.constant 31 : i32
        %and3A_223 = vector.broadcast %and3A_222 : i32 to vector<16xi32>
        %and3A_224 = arith.andi %add3A_221, %and3A_223 : vector<16xi32>
        %gather3A_225 = arith.constant 1 : i32
        %gather3A_226 = arith.constant 0 : i32
        %gather3A_227 = arith.constant 0 : i32
        %gather3A_228 = tpu.memref_slice %arg7[%gather3A_225, %gather3A_226, %gather3A_227] : memref<2x512x32xf32, #tpu.memory_space<vmem>> -> memref<1x512x32xf32, #tpu.memory_space<vmem>>
        %gather3A_229 = tpu.memref_squeeze %gather3A_228 : memref<1x512x32xf32, #tpu.memory_space<vmem>> -> memref<512x32xf32, #tpu.memory_space<vmem>>
        %gather3A_230 = tpu.vector_load_idx %gather3A_229[%add3A_170, %and3A_224] : memref<512x32xf32, #tpu.memory_space<vmem>>[vector<16xi32>, vector<16xi32>], vector<16xf32>,
        %scatter3A_231 = arith.constant 1 : i32
        %scatter3A_232 = arith.constant 0 : i32
        %scatter3A_233 = arith.constant 0 : i32
        %scatter3A_234 = tpu.memref_slice %arg8[%scatter3A_231, %scatter3A_232, %scatter3A_233] : memref<2x32x512xf32, #tpu.memory_space<vmem>> -> memref<1x32x512xf32, #tpu.memory_space<vmem>>
        %scatter3A_235 = tpu.memref_squeeze %scatter3A_234 : memref<1x32x512xf32, #tpu.memory_space<vmem>> -> memref<32x512xf32, #tpu.memory_space<vmem>>
        tpu.vector_store_idx %scatter3A_235[%and3A_224, %add3A_170], %gather3A_230 : memref<32x512xf32, #tpu.memory_space<vmem>>[vector<16xi32>, vector<16xi32>], vector<16xf32>,
        %add3A_236 = arith.constant 4 : i32
        %add3A_237 = vector.broadcast %add3A_236 : i32 to vector<16xi32>
        %add3A_238 = arith.addi %iota3A, %add3A_237 : vector<16xi32>
        %and3A_239 = arith.constant 31 : i32
        %and3A_240 = vector.broadcast %and3A_239 : i32 to vector<16xi32>
        %and3A_241 = arith.andi %add3A_238, %and3A_240 : vector<16xi32>
        %gather3A_242 = arith.constant 1 : i32
        %gather3A_243 = arith.constant 0 : i32
        %gather3A_244 = arith.constant 0 : i32
        %gather3A_245 = tpu.memref_slice %arg7[%gather3A_242, %gather3A_243, %gather3A_244] : memref<2x512x32xf32, #tpu.memory_space<vmem>> -> memref<1x512x32xf32, #tpu.memory_space<vmem>>
        %gather3A_246 = tpu.memref_squeeze %gather3A_245 : memref<1x512x32xf32, #tpu.memory_space<vmem>> -> memref<512x32xf32, #tpu.memory_space<vmem>>
        %gather3A_247 = tpu.vector_load_idx %gather3A_246[%add3A_170, %and3A_241] : memref<512x32xf32, #tpu.memory_space<vmem>>[vector<16xi32>, vector<16xi32>], vector<16xf32>,
        %scatter3A_248 = arith.constant 1 : i32
        %scatter3A_249 = arith.constant 0 : i32
        %scatter3A_250 = arith.constant 0 : i32
        %scatter3A_251 = tpu.memref_slice %arg8[%scatter3A_248, %scatter3A_249, %scatter3A_250] : memref<2x32x512xf32, #tpu.memory_space<vmem>> -> memref<1x32x512xf32, #tpu.memory_space<vmem>>
        %scatter3A_252 = tpu.memref_squeeze %scatter3A_251 : memref<1x32x512xf32, #tpu.memory_space<vmem>> -> memref<32x512xf32, #tpu.memory_space<vmem>>
        tpu.vector_store_idx %scatter3A_252[%and3A_241, %add3A_170], %gather3A_247 : memref<32x512xf32, #tpu.memory_space<vmem>>[vector<16xi32>, vector<16xi32>], vector<16xf32>,
        %add3A_253 = arith.constant 5 : i32
        %add3A_254 = vector.broadcast %add3A_253 : i32 to vector<16xi32>
        %add3A_255 = arith.addi %iota3A, %add3A_254 : vector<16xi32>
        %and3A_256 = arith.constant 31 : i32
        %and3A_257 = vector.broadcast %and3A_256 : i32 to vector<16xi32>
        %and3A_258 = arith.andi %add3A_255, %and3A_257 : vector<16xi32>
        %gather3A_259 = arith.constant 1 : i32
        %gather3A_260 = arith.constant 0 : i32
        %gather3A_261 = arith.constant 0 : i32
        %gather3A_262 = tpu.memref_slice %arg7[%gather3A_259, %gather3A_260, %gather3A_261] : memref<2x512x32xf32, #tpu.memory_space<vmem>> -> memref<1x512x32xf32, #tpu.memory_space<vmem>>
        %gather3A_263 = tpu.memref_squeeze %gather3A_262 : memref<1x512x32xf32, #tpu.memory_space<vmem>> -> memref<512x32xf32, #tpu.memory_space<vmem>>
        %gather3A_264 = tpu.vector_load_idx %gather3A_263[%add3A_170, %and3A_258] : memref<512x32xf32, #tpu.memory_space<vmem>>[vector<16xi32>, vector<16xi32>], vector<16xf32>,
        %scatter3A_265 = arith.constant 1 : i32
        %scatter3A_266 = arith.constant 0 : i32
        %scatter3A_267 = arith.constant 0 : i32
        %scatter3A_268 = tpu.memref_slice %arg8[%scatter3A_265, %scatter3A_266, %scatter3A_267] : memref<2x32x512xf32, #tpu.memory_space<vmem>> -> memref<1x32x512xf32, #tpu.memory_space<vmem>>
        %scatter3A_269 = tpu.memref_squeeze %scatter3A_268 : memref<1x32x512xf32, #tpu.memory_space<vmem>> -> memref<32x512xf32, #tpu.memory_space<vmem>>
        tpu.vector_store_idx %scatter3A_269[%and3A_258, %add3A_170], %gather3A_264 : memref<32x512xf32, #tpu.memory_space<vmem>>[vector<16xi32>, vector<16xi32>], vector<16xf32>,
        %add3A_270 = arith.constant 6 : i32
        %add3A_271 = vector.broadcast %add3A_270 : i32 to vector<16xi32>
        %add3A_272 = arith.addi %iota3A, %add3A_271 : vector<16xi32>
        %and3A_273 = arith.constant 31 : i32
        %and3A_274 = vector.broadcast %and3A_273 : i32 to vector<16xi32>
        %and3A_275 = arith.andi %add3A_272, %and3A_274 : vector<16xi32>
        %gather3A_276 = arith.constant 1 : i32
        %gather3A_277 = arith.constant 0 : i32
        %gather3A_278 = arith.constant 0 : i32
        %gather3A_279 = tpu.memref_slice %arg7[%gather3A_276, %gather3A_277, %gather3A_278] : memref<2x512x32xf32, #tpu.memory_space<vmem>> -> memref<1x512x32xf32, #tpu.memory_space<vmem>>
        %gather3A_280 = tpu.memref_squeeze %gather3A_279 : memref<1x512x32xf32, #tpu.memory_space<vmem>> -> memref<512x32xf32, #tpu.memory_space<vmem>>
        %gather3A_281 = tpu.vector_load_idx %gather3A_280[%add3A_170, %and3A_275] : memref<512x32xf32, #tpu.memory_space<vmem>>[vector<16xi32>, vector<16xi32>], vector<16xf32>,
        %scatter3A_282 = arith.constant 1 : i32
        %scatter3A_283 = arith.constant 0 : i32
        %scatter3A_284 = arith.constant 0 : i32
        %scatter3A_285 = tpu.memref_slice %arg8[%scatter3A_282, %scatter3A_283, %scatter3A_284] : memref<2x32x512xf32, #tpu.memory_space<vmem>> -> memref<1x32x512xf32, #tpu.memory_space<vmem>>
        %scatter3A_286 = tpu.memref_squeeze %scatter3A_285 : memref<1x32x512xf32, #tpu.memory_space<vmem>> -> memref<32x512xf32, #tpu.memory_space<vmem>>
        tpu.vector_store_idx %scatter3A_286[%and3A_275, %add3A_170], %gather3A_281 : memref<32x512xf32, #tpu.memory_space<vmem>>[vector<16xi32>, vector<16xi32>], vector<16xf32>,
        %add3A_287 = arith.constant 7 : i32
        %add3A_288 = vector.broadcast %add3A_287 : i32 to vector<16xi32>
        %add3A_289 = arith.addi %iota3A, %add3A_288 : vector<16xi32>
        %and3A_290 = arith.constant 31 : i32
        %and3A_291 = vector.broadcast %and3A_290 : i32 to vector<16xi32>
        %and3A_292 = arith.andi %add3A_289, %and3A_291 : vector<16xi32>
        %gather3A_293 = arith.constant 1 : i32
        %gather3A_294 = arith.constant 0 : i32
        %gather3A_295 = arith.constant 0 : i32
        %gather3A_296 = tpu.memref_slice %arg7[%gather3A_293, %gather3A_294, %gather3A_295] : memref<2x512x32xf32, #tpu.memory_space<vmem>> -> memref<1x512x32xf32, #tpu.memory_space<vmem>>
        %gather3A_297 = tpu.memref_squeeze %gather3A_296 : memref<1x512x32xf32, #tpu.memory_space<vmem>> -> memref<512x32xf32, #tpu.memory_space<vmem>>
        %gather3A_298 = tpu.vector_load_idx %gather3A_297[%add3A_170, %and3A_292] : memref<512x32xf32, #tpu.memory_space<vmem>>[vector<16xi32>, vector<16xi32>], vector<16xf32>,
        %scatter3A_299 = arith.constant 1 : i32
        %scatter3A_300 = arith.constant 0 : i32
        %scatter3A_301 = arith.constant 0 : i32
        %scatter3A_302 = tpu.memref_slice %arg8[%scatter3A_299, %scatter3A_300, %scatter3A_301] : memref<2x32x512xf32, #tpu.memory_space<vmem>> -> memref<1x32x512xf32, #tpu.memory_space<vmem>>
        %scatter3A_303 = tpu.memref_squeeze %scatter3A_302 : memref<1x32x512xf32, #tpu.memory_space<vmem>> -> memref<32x512xf32, #tpu.memory_space<vmem>>
        tpu.vector_store_idx %scatter3A_303[%and3A_292, %add3A_170], %gather3A_298 : memref<32x512xf32, #tpu.memory_space<vmem>>[vector<16xi32>, vector<16xi32>], vector<16xf32>,
        %add3A_304 = arith.constant 8 : i32
        %add3A_305 = vector.broadcast %add3A_304 : i32 to vector<16xi32>
        %add3A_306 = arith.addi %iota3A, %add3A_305 : vector<16xi32>
        %and3A_307 = arith.constant 31 : i32
        %and3A_308 = vector.broadcast %and3A_307 : i32 to vector<16xi32>
        %and3A_309 = arith.andi %add3A_306, %and3A_308 : vector<16xi32>
        %gather3A_310 = arith.constant 1 : i32
        %gather3A_311 = arith.constant 0 : i32
        %gather3A_312 = arith.constant 0 : i32
        %gather3A_313 = tpu.memref_slice %arg7[%gather3A_310, %gather3A_311, %gather3A_312] : memref<2x512x32xf32, #tpu.memory_space<vmem>> -> memref<1x512x32xf32, #tpu.memory_space<vmem>>
        %gather3A_314 = tpu.memref_squeeze %gather3A_313 : memref<1x512x32xf32, #tpu.memory_space<vmem>> -> memref<512x32xf32, #tpu.memory_space<vmem>>
        %gather3A_315 = tpu.vector_load_idx %gather3A_314[%add3A_170, %and3A_309] : memref<512x32xf32, #tpu.memory_space<vmem>>[vector<16xi32>, vector<16xi32>], vector<16xf32>,
        %scatter3A_316 = arith.constant 1 : i32
        %scatter3A_317 = arith.constant 0 : i32
        %scatter3A_318 = arith.constant 0 : i32
        %scatter3A_319 = tpu.memref_slice %arg8[%scatter3A_316, %scatter3A_317, %scatter3A_318] : memref<2x32x512xf32, #tpu.memory_space<vmem>> -> memref<1x32x512xf32, #tpu.memory_space<vmem>>
        %scatter3A_320 = tpu.memref_squeeze %scatter3A_319 : memref<1x32x512xf32, #tpu.memory_space<vmem>> -> memref<32x512xf32, #tpu.memory_space<vmem>>
        tpu.vector_store_idx %scatter3A_320[%and3A_309, %add3A_170], %gather3A_315 : memref<32x512xf32, #tpu.memory_space<vmem>>[vector<16xi32>, vector<16xi32>], vector<16xf32>,
        %add3A_321 = arith.constant 9 : i32
        %add3A_322 = vector.broadcast %add3A_321 : i32 to vector<16xi32>
        %add3A_323 = arith.addi %iota3A, %add3A_322 : vector<16xi32>
        %and3A_324 = arith.constant 31 : i32
        %and3A_325 = vector.broadcast %and3A_324 : i32 to vector<16xi32>
        %and3A_326 = arith.andi %add3A_323, %and3A_325 : vector<16xi32>
        %gather3A_327 = arith.constant 1 : i32
        %gather3A_328 = arith.constant 0 : i32
        %gather3A_329 = arith.constant 0 : i32
        %gather3A_330 = tpu.memref_slice %arg7[%gather3A_327, %gather3A_328, %gather3A_329] : memref<2x512x32xf32, #tpu.memory_space<vmem>> -> memref<1x512x32xf32, #tpu.memory_space<vmem>>
        %gather3A_331 = tpu.memref_squeeze %gather3A_330 : memref<1x512x32xf32, #tpu.memory_space<vmem>> -> memref<512x32xf32, #tpu.memory_space<vmem>>
        %gather3A_332 = tpu.vector_load_idx %gather3A_331[%add3A_170, %and3A_326] : memref<512x32xf32, #tpu.memory_space<vmem>>[vector<16xi32>, vector<16xi32>], vector<16xf32>,
        %scatter3A_333 = arith.constant 1 : i32
        %scatter3A_334 = arith.constant 0 : i32
        %scatter3A_335 = arith.constant 0 : i32
        %scatter3A_336 = tpu.memref_slice %arg8[%scatter3A_333, %scatter3A_334, %scatter3A_335] : memref<2x32x512xf32, #tpu.memory_space<vmem>> -> memref<1x32x512xf32, #tpu.memory_space<vmem>>
        %scatter3A_337 = tpu.memref_squeeze %scatter3A_336 : memref<1x32x512xf32, #tpu.memory_space<vmem>> -> memref<32x512xf32, #tpu.memory_space<vmem>>
        tpu.vector_store_idx %scatter3A_337[%and3A_326, %add3A_170], %gather3A_332 : memref<32x512xf32, #tpu.memory_space<vmem>>[vector<16xi32>, vector<16xi32>], vector<16xf32>,
        %add3A_338 = arith.constant 10 : i32
        %add3A_339 = vector.broadcast %add3A_338 : i32 to vector<16xi32>
        %add3A_340 = arith.addi %iota3A, %add3A_339 : vector<16xi32>
        %and3A_341 = arith.constant 31 : i32
        %and3A_342 = vector.broadcast %and3A_341 : i32 to vector<16xi32>
        %and3A_343 = arith.andi %add3A_340, %and3A_342 : vector<16xi32>
        %gather3A_344 = arith.constant 1 : i32
        %gather3A_345 = arith.constant 0 : i32
        %gather3A_346 = arith.constant 0 : i32
        %gather3A_347 = tpu.memref_slice %arg7[%gather3A_344, %gather3A_345, %gather3A_346] : memref<2x512x32xf32, #tpu.memory_space<vmem>> -> memref<1x512x32xf32, #tpu.memory_space<vmem>>
        %gather3A_348 = tpu.memref_squeeze %gather3A_347 : memref<1x512x32xf32, #tpu.memory_space<vmem>> -> memref<512x32xf32, #tpu.memory_space<vmem>>
        %gather3A_349 = tpu.vector_load_idx %gather3A_348[%add3A_170, %and3A_343] : memref<512x32xf32, #tpu.memory_space<vmem>>[vector<16xi32>, vector<16xi32>], vector<16xf32>,
        %scatter3A_350 = arith.constant 1 : i32
        %scatter3A_351 = arith.constant 0 : i32
        %scatter3A_352 = arith.constant 0 : i32
        %scatter3A_353 = tpu.memref_slice %arg8[%scatter3A_350, %scatter3A_351, %scatter3A_352] : memref<2x32x512xf32, #tpu.memory_space<vmem>> -> memref<1x32x512xf32, #tpu.memory_space<vmem>>
        %scatter3A_354 = tpu.memref_squeeze %scatter3A_353 : memref<1x32x512xf32, #tpu.memory_space<vmem>> -> memref<32x512xf32, #tpu.memory_space<vmem>>
        tpu.vector_store_idx %scatter3A_354[%and3A_343, %add3A_170], %gather3A_349 : memref<32x512xf32, #tpu.memory_space<vmem>>[vector<16xi32>, vector<16xi32>], vector<16xf32>,
        %add3A_355 = arith.constant 11 : i32
        %add3A_356 = vector.broadcast %add3A_355 : i32 to vector<16xi32>
        %add3A_357 = arith.addi %iota3A, %add3A_356 : vector<16xi32>
        %and3A_358 = arith.constant 31 : i32
        %and3A_359 = vector.broadcast %and3A_358 : i32 to vector<16xi32>
        %and3A_360 = arith.andi %add3A_357, %and3A_359 : vector<16xi32>
        %gather3A_361 = arith.constant 1 : i32
        %gather3A_362 = arith.constant 0 : i32
        %gather3A_363 = arith.constant 0 : i32
        %gather3A_364 = tpu.memref_slice %arg7[%gather3A_361, %gather3A_362, %gather3A_363] : memref<2x512x32xf32, #tpu.memory_space<vmem>> -> memref<1x512x32xf32, #tpu.memory_space<vmem>>
        %gather3A_365 = tpu.memref_squeeze %gather3A_364 : memref<1x512x32xf32, #tpu.memory_space<vmem>> -> memref<512x32xf32, #tpu.memory_space<vmem>>
        %gather3A_366 = tpu.vector_load_idx %gather3A_365[%add3A_170, %and3A_360] : memref<512x32xf32, #tpu.memory_space<vmem>>[vector<16xi32>, vector<16xi32>], vector<16xf32>,
        %scatter3A_367 = arith.constant 1 : i32
        %scatter3A_368 = arith.constant 0 : i32
        %scatter3A_369 = arith.constant 0 : i32
        %scatter3A_370 = tpu.memref_slice %arg8[%scatter3A_367, %scatter3A_368, %scatter3A_369] : memref<2x32x512xf32, #tpu.memory_space<vmem>> -> memref<1x32x512xf32, #tpu.memory_space<vmem>>
        %scatter3A_371 = tpu.memref_squeeze %scatter3A_370 : memref<1x32x512xf32, #tpu.memory_space<vmem>> -> memref<32x512xf32, #tpu.memory_space<vmem>>
        tpu.vector_store_idx %scatter3A_371[%and3A_360, %add3A_170], %gather3A_366 : memref<32x512xf32, #tpu.memory_space<vmem>>[vector<16xi32>, vector<16xi32>], vector<16xf32>,
        %add3A_372 = arith.constant 12 : i32
        %add3A_373 = vector.broadcast %add3A_372 : i32 to vector<16xi32>
        %add3A_374 = arith.addi %iota3A, %add3A_373 : vector<16xi32>
        %and3A_375 = arith.constant 31 : i32
        %and3A_376 = vector.broadcast %and3A_375 : i32 to vector<16xi32>
        %and3A_377 = arith.andi %add3A_374, %and3A_376 : vector<16xi32>
        %gather3A_378 = arith.constant 1 : i32
        %gather3A_379 = arith.constant 0 : i32
        %gather3A_380 = arith.constant 0 : i32
        %gather3A_381 = tpu.memref_slice %arg7[%gather3A_378, %gather3A_379, %gather3A_380] : memref<2x512x32xf32, #tpu.memory_space<vmem>> -> memref<1x512x32xf32, #tpu.memory_space<vmem>>
        %gather3A_382 = tpu.memref_squeeze %gather3A_381 : memref<1x512x32xf32, #tpu.memory_space<vmem>> -> memref<512x32xf32, #tpu.memory_space<vmem>>
        %gather3A_383 = tpu.vector_load_idx %gather3A_382[%add3A_170, %and3A_377] : memref<512x32xf32, #tpu.memory_space<vmem>>[vector<16xi32>, vector<16xi32>], vector<16xf32>,
        %scatter3A_384 = arith.constant 1 : i32
        %scatter3A_385 = arith.constant 0 : i32
        %scatter3A_386 = arith.constant 0 : i32
        %scatter3A_387 = tpu.memref_slice %arg8[%scatter3A_384, %scatter3A_385, %scatter3A_386] : memref<2x32x512xf32, #tpu.memory_space<vmem>> -> memref<1x32x512xf32, #tpu.memory_space<vmem>>
        %scatter3A_388 = tpu.memref_squeeze %scatter3A_387 : memref<1x32x512xf32, #tpu.memory_space<vmem>> -> memref<32x512xf32, #tpu.memory_space<vmem>>
        tpu.vector_store_idx %scatter3A_388[%and3A_377, %add3A_170], %gather3A_383 : memref<32x512xf32, #tpu.memory_space<vmem>>[vector<16xi32>, vector<16xi32>], vector<16xf32>,
        %add3A_389 = arith.constant 13 : i32
        %add3A_390 = vector.broadcast %add3A_389 : i32 to vector<16xi32>
        %add3A_391 = arith.addi %iota3A, %add3A_390 : vector<16xi32>
        %and3A_392 = arith.constant 31 : i32
        %and3A_393 = vector.broadcast %and3A_392 : i32 to vector<16xi32>
        %and3A_394 = arith.andi %add3A_391, %and3A_393 : vector<16xi32>
        %gather3A_395 = arith.constant 1 : i32
        %gather3A_396 = arith.constant 0 : i32
        %gather3A_397 = arith.constant 0 : i32
        %gather3A_398 = tpu.memref_slice %arg7[%gather3A_395, %gather3A_396, %gather3A_397] : memref<2x512x32xf32, #tpu.memory_space<vmem>> -> memref<1x512x32xf32, #tpu.memory_space<vmem>>
        %gather3A_399 = tpu.memref_squeeze %gather3A_398 : memref<1x512x32xf32, #tpu.memory_space<vmem>> -> memref<512x32xf32, #tpu.memory_space<vmem>>
        %gather3A_400 = tpu.vector_load_idx %gather3A_399[%add3A_170, %and3A_394] : memref<512x32xf32, #tpu.memory_space<vmem>>[vector<16xi32>, vector<16xi32>], vector<16xf32>,
        %scatter3A_401 = arith.constant 1 : i32
        %scatter3A_402 = arith.constant 0 : i32
        %scatter3A_403 = arith.constant 0 : i32
        %scatter3A_404 = tpu.memref_slice %arg8[%scatter3A_401, %scatter3A_402, %scatter3A_403] : memref<2x32x512xf32, #tpu.memory_space<vmem>> -> memref<1x32x512xf32, #tpu.memory_space<vmem>>
        %scatter3A_405 = tpu.memref_squeeze %scatter3A_404 : memref<1x32x512xf32, #tpu.memory_space<vmem>> -> memref<32x512xf32, #tpu.memory_space<vmem>>
        tpu.vector_store_idx %scatter3A_405[%and3A_394, %add3A_170], %gather3A_400 : memref<32x512xf32, #tpu.memory_space<vmem>>[vector<16xi32>, vector<16xi32>], vector<16xf32>,
        %add3A_406 = arith.constant 14 : i32
        %add3A_407 = vector.broadcast %add3A_406 : i32 to vector<16xi32>
        %add3A_408 = arith.addi %iota3A, %add3A_407 : vector<16xi32>
        %and3A_409 = arith.constant 31 : i32
        %and3A_410 = vector.broadcast %and3A_409 : i32 to vector<16xi32>
        %and3A_411 = arith.andi %add3A_408, %and3A_410 : vector<16xi32>
        %gather3A_412 = arith.constant 1 : i32
        %gather3A_413 = arith.constant 0 : i32
        %gather3A_414 = arith.constant 0 : i32
        %gather3A_415 = tpu.memref_slice %arg7[%gather3A_412, %gather3A_413, %gather3A_414] : memref<2x512x32xf32, #tpu.memory_space<vmem>> -> memref<1x512x32xf32, #tpu.memory_space<vmem>>
        %gather3A_416 = tpu.memref_squeeze %gather3A_415 : memref<1x512x32xf32, #tpu.memory_space<vmem>> -> memref<512x32xf32, #tpu.memory_space<vmem>>
        %gather3A_417 = tpu.vector_load_idx %gather3A_416[%add3A_170, %and3A_411] : memref<512x32xf32, #tpu.memory_space<vmem>>[vector<16xi32>, vector<16xi32>], vector<16xf32>,
        %scatter3A_418 = arith.constant 1 : i32
        %scatter3A_419 = arith.constant 0 : i32
        %scatter3A_420 = arith.constant 0 : i32
        %scatter3A_421 = tpu.memref_slice %arg8[%scatter3A_418, %scatter3A_419, %scatter3A_420] : memref<2x32x512xf32, #tpu.memory_space<vmem>> -> memref<1x32x512xf32, #tpu.memory_space<vmem>>
        %scatter3A_422 = tpu.memref_squeeze %scatter3A_421 : memref<1x32x512xf32, #tpu.memory_space<vmem>> -> memref<32x512xf32, #tpu.memory_space<vmem>>
        tpu.vector_store_idx %scatter3A_422[%and3A_411, %add3A_170], %gather3A_417 : memref<32x512xf32, #tpu.memory_space<vmem>>[vector<16xi32>, vector<16xi32>], vector<16xf32>,
        %add3A_423 = arith.constant 15 : i32
        %add3A_424 = vector.broadcast %add3A_423 : i32 to vector<16xi32>
        %add3A_425 = arith.addi %iota3A, %add3A_424 : vector<16xi32>
        %and3A_426 = arith.constant 31 : i32
        %and3A_427 = vector.broadcast %and3A_426 : i32 to vector<16xi32>
        %and3A_428 = arith.andi %add3A_425, %and3A_427 : vector<16xi32>
        %gather3A_429 = arith.constant 1 : i32
        %gather3A_430 = arith.constant 0 : i32
        %gather3A_431 = arith.constant 0 : i32
        %gather3A_432 = tpu.memref_slice %arg7[%gather3A_429, %gather3A_430, %gather3A_431] : memref<2x512x32xf32, #tpu.memory_space<vmem>> -> memref<1x512x32xf32, #tpu.memory_space<vmem>>
        %gather3A_433 = tpu.memref_squeeze %gather3A_432 : memref<1x512x32xf32, #tpu.memory_space<vmem>> -> memref<512x32xf32, #tpu.memory_space<vmem>>
        %gather3A_434 = tpu.vector_load_idx %gather3A_433[%add3A_170, %and3A_428] : memref<512x32xf32, #tpu.memory_space<vmem>>[vector<16xi32>, vector<16xi32>], vector<16xf32>,
        %scatter3A_435 = arith.constant 1 : i32
        %scatter3A_436 = arith.constant 0 : i32
        %scatter3A_437 = arith.constant 0 : i32
        %scatter3A_438 = tpu.memref_slice %arg8[%scatter3A_435, %scatter3A_436, %scatter3A_437] : memref<2x32x512xf32, #tpu.memory_space<vmem>> -> memref<1x32x512xf32, #tpu.memory_space<vmem>>
        %scatter3A_439 = tpu.memref_squeeze %scatter3A_438 : memref<1x32x512xf32, #tpu.memory_space<vmem>> -> memref<32x512xf32, #tpu.memory_space<vmem>>
        tpu.vector_store_idx %scatter3A_439[%and3A_428, %add3A_170], %gather3A_434 : memref<32x512xf32, #tpu.memory_space<vmem>>[vector<16xi32>, vector<16xi32>], vector<16xf32>,
        %add3A_440 = arith.constant 16 : i32
        %add3A_441 = vector.broadcast %add3A_440 : i32 to vector<16xi32>
        %add3A_442 = arith.addi %iota3A, %add3A_441 : vector<16xi32>
        %and3A_443 = arith.constant 31 : i32
        %and3A_444 = vector.broadcast %and3A_443 : i32 to vector<16xi32>
        %and3A_445 = arith.andi %add3A_442, %and3A_444 : vector<16xi32>
        %gather3A_446 = arith.constant 1 : i32
        %gather3A_447 = arith.constant 0 : i32
        %gather3A_448 = arith.constant 0 : i32
        %gather3A_449 = tpu.memref_slice %arg7[%gather3A_446, %gather3A_447, %gather3A_448] : memref<2x512x32xf32, #tpu.memory_space<vmem>> -> memref<1x512x32xf32, #tpu.memory_space<vmem>>
        %gather3A_450 = tpu.memref_squeeze %gather3A_449 : memref<1x512x32xf32, #tpu.memory_space<vmem>> -> memref<512x32xf32, #tpu.memory_space<vmem>>
        %gather3A_451 = tpu.vector_load_idx %gather3A_450[%add3A_170, %and3A_445] : memref<512x32xf32, #tpu.memory_space<vmem>>[vector<16xi32>, vector<16xi32>], vector<16xf32>,
        %scatter3A_452 = arith.constant 1 : i32
        %scatter3A_453 = arith.constant 0 : i32
        %scatter3A_454 = arith.constant 0 : i32
        %scatter3A_455 = tpu.memref_slice %arg8[%scatter3A_452, %scatter3A_453, %scatter3A_454] : memref<2x32x512xf32, #tpu.memory_space<vmem>> -> memref<1x32x512xf32, #tpu.memory_space<vmem>>
        %scatter3A_456 = tpu.memref_squeeze %scatter3A_455 : memref<1x32x512xf32, #tpu.memory_space<vmem>> -> memref<32x512xf32, #tpu.memory_space<vmem>>
        tpu.vector_store_idx %scatter3A_456[%and3A_445, %add3A_170], %gather3A_451 : memref<32x512xf32, #tpu.memory_space<vmem>>[vector<16xi32>, vector<16xi32>], vector<16xf32>,
        %add3A_457 = arith.constant 17 : i32
        %add3A_458 = vector.broadcast %add3A_457 : i32 to vector<16xi32>
        %add3A_459 = arith.addi %iota3A, %add3A_458 : vector<16xi32>
        %and3A_460 = arith.constant 31 : i32
        %and3A_461 = vector.broadcast %and3A_460 : i32 to vector<16xi32>
        %and3A_462 = arith.andi %add3A_459, %and3A_461 : vector<16xi32>
        %gather3A_463 = arith.constant 1 : i32
        %gather3A_464 = arith.constant 0 : i32
        %gather3A_465 = arith.constant 0 : i32
        %gather3A_466 = tpu.memref_slice %arg7[%gather3A_463, %gather3A_464, %gather3A_465] : memref<2x512x32xf32, #tpu.memory_space<vmem>> -> memref<1x512x32xf32, #tpu.memory_space<vmem>>
        %gather3A_467 = tpu.memref_squeeze %gather3A_466 : memref<1x512x32xf32, #tpu.memory_space<vmem>> -> memref<512x32xf32, #tpu.memory_space<vmem>>
        %gather3A_468 = tpu.vector_load_idx %gather3A_467[%add3A_170, %and3A_462] : memref<512x32xf32, #tpu.memory_space<vmem>>[vector<16xi32>, vector<16xi32>], vector<16xf32>,
        %scatter3A_469 = arith.constant 1 : i32
        %scatter3A_470 = arith.constant 0 : i32
        %scatter3A_471 = arith.constant 0 : i32
        %scatter3A_472 = tpu.memref_slice %arg8[%scatter3A_469, %scatter3A_470, %scatter3A_471] : memref<2x32x512xf32, #tpu.memory_space<vmem>> -> memref<1x32x512xf32, #tpu.memory_space<vmem>>
        %scatter3A_473 = tpu.memref_squeeze %scatter3A_472 : memref<1x32x512xf32, #tpu.memory_space<vmem>> -> memref<32x512xf32, #tpu.memory_space<vmem>>
        tpu.vector_store_idx %scatter3A_473[%and3A_462, %add3A_170], %gather3A_468 : memref<32x512xf32, #tpu.memory_space<vmem>>[vector<16xi32>, vector<16xi32>], vector<16xf32>,
        %add3A_474 = arith.constant 18 : i32
        %add3A_475 = vector.broadcast %add3A_474 : i32 to vector<16xi32>
        %add3A_476 = arith.addi %iota3A, %add3A_475 : vector<16xi32>
        %and3A_477 = arith.constant 31 : i32
        %and3A_478 = vector.broadcast %and3A_477 : i32 to vector<16xi32>
        %and3A_479 = arith.andi %add3A_476, %and3A_478 : vector<16xi32>
        %gather3A_480 = arith.constant 1 : i32
        %gather3A_481 = arith.constant 0 : i32
        %gather3A_482 = arith.constant 0 : i32
        %gather3A_483 = tpu.memref_slice %arg7[%gather3A_480, %gather3A_481, %gather3A_482] : memref<2x512x32xf32, #tpu.memory_space<vmem>> -> memref<1x512x32xf32, #tpu.memory_space<vmem>>
        %gather3A_484 = tpu.memref_squeeze %gather3A_483 : memref<1x512x32xf32, #tpu.memory_space<vmem>> -> memref<512x32xf32, #tpu.memory_space<vmem>>
        %gather3A_485 = tpu.vector_load_idx %gather3A_484[%add3A_170, %and3A_479] : memref<512x32xf32, #tpu.memory_space<vmem>>[vector<16xi32>, vector<16xi32>], vector<16xf32>,
        %scatter3A_486 = arith.constant 1 : i32
        %scatter3A_487 = arith.constant 0 : i32
        %scatter3A_488 = arith.constant 0 : i32
        %scatter3A_489 = tpu.memref_slice %arg8[%scatter3A_486, %scatter3A_487, %scatter3A_488] : memref<2x32x512xf32, #tpu.memory_space<vmem>> -> memref<1x32x512xf32, #tpu.memory_space<vmem>>
        %scatter3A_490 = tpu.memref_squeeze %scatter3A_489 : memref<1x32x512xf32, #tpu.memory_space<vmem>> -> memref<32x512xf32, #tpu.memory_space<vmem>>
        tpu.vector_store_idx %scatter3A_490[%and3A_479, %add3A_170], %gather3A_485 : memref<32x512xf32, #tpu.memory_space<vmem>>[vector<16xi32>, vector<16xi32>], vector<16xf32>,
        %add3A_491 = arith.constant 19 : i32
        %add3A_492 = vector.broadcast %add3A_491 : i32 to vector<16xi32>
        %add3A_493 = arith.addi %iota3A, %add3A_492 : vector<16xi32>
        %and3A_494 = arith.constant 31 : i32
        %and3A_495 = vector.broadcast %and3A_494 : i32 to vector<16xi32>
        %and3A_496 = arith.andi %add3A_493, %and3A_495 : vector<16xi32>
        %gather3A_497 = arith.constant 1 : i32
        %gather3A_498 = arith.constant 0 : i32
        %gather3A_499 = arith.constant 0 : i32
        %gather3A_500 = tpu.memref_slice %arg7[%gather3A_497, %gather3A_498, %gather3A_499] : memref<2x512x32xf32, #tpu.memory_space<vmem>> -> memref<1x512x32xf32, #tpu.memory_space<vmem>>
        %gather3A_501 = tpu.memref_squeeze %gather3A_500 : memref<1x512x32xf32, #tpu.memory_space<vmem>> -> memref<512x32xf32, #tpu.memory_space<vmem>>
        %gather3A_502 = tpu.vector_load_idx %gather3A_501[%add3A_170, %and3A_496] : memref<512x32xf32, #tpu.memory_space<vmem>>[vector<16xi32>, vector<16xi32>], vector<16xf32>,
        %scatter3A_503 = arith.constant 1 : i32
        %scatter3A_504 = arith.constant 0 : i32
        %scatter3A_505 = arith.constant 0 : i32
        %scatter3A_506 = tpu.memref_slice %arg8[%scatter3A_503, %scatter3A_504, %scatter3A_505] : memref<2x32x512xf32, #tpu.memory_space<vmem>> -> memref<1x32x512xf32, #tpu.memory_space<vmem>>
        %scatter3A_507 = tpu.memref_squeeze %scatter3A_506 : memref<1x32x512xf32, #tpu.memory_space<vmem>> -> memref<32x512xf32, #tpu.memory_space<vmem>>
        tpu.vector_store_idx %scatter3A_507[%and3A_496, %add3A_170], %gather3A_502 : memref<32x512xf32, #tpu.memory_space<vmem>>[vector<16xi32>, vector<16xi32>], vector<16xf32>,
        %add3A_508 = arith.constant 20 : i32
        %add3A_509 = vector.broadcast %add3A_508 : i32 to vector<16xi32>
        %add3A_510 = arith.addi %iota3A, %add3A_509 : vector<16xi32>
        %and3A_511 = arith.constant 31 : i32
        %and3A_512 = vector.broadcast %and3A_511 : i32 to vector<16xi32>
        %and3A_513 = arith.andi %add3A_510, %and3A_512 : vector<16xi32>
        %gather3A_514 = arith.constant 1 : i32
        %gather3A_515 = arith.constant 0 : i32
        %gather3A_516 = arith.constant 0 : i32
        %gather3A_517 = tpu.memref_slice %arg7[%gather3A_514, %gather3A_515, %gather3A_516] : memref<2x512x32xf32, #tpu.memory_space<vmem>> -> memref<1x512x32xf32, #tpu.memory_space<vmem>>
        %gather3A_518 = tpu.memref_squeeze %gather3A_517 : memref<1x512x32xf32, #tpu.memory_space<vmem>> -> memref<512x32xf32, #tpu.memory_space<vmem>>
        %gather3A_519 = tpu.vector_load_idx %gather3A_518[%add3A_170, %and3A_513] : memref<512x32xf32, #tpu.memory_space<vmem>>[vector<16xi32>, vector<16xi32>], vector<16xf32>,
        %scatter3A_520 = arith.constant 1 : i32
        %scatter3A_521 = arith.constant 0 : i32
        %scatter3A_522 = arith.constant 0 : i32
        %scatter3A_523 = tpu.memref_slice %arg8[%scatter3A_520, %scatter3A_521, %scatter3A_522] : memref<2x32x512xf32, #tpu.memory_space<vmem>> -> memref<1x32x512xf32, #tpu.memory_space<vmem>>
        %scatter3A_524 = tpu.memref_squeeze %scatter3A_523 : memref<1x32x512xf32, #tpu.memory_space<vmem>> -> memref<32x512xf32, #tpu.memory_space<vmem>>
        tpu.vector_store_idx %scatter3A_524[%and3A_513, %add3A_170], %gather3A_519 : memref<32x512xf32, #tpu.memory_space<vmem>>[vector<16xi32>, vector<16xi32>], vector<16xf32>,
        %add3A_525 = arith.constant 21 : i32
        %add3A_526 = vector.broadcast %add3A_525 : i32 to vector<16xi32>
        %add3A_527 = arith.addi %iota3A, %add3A_526 : vector<16xi32>
        %and3A_528 = arith.constant 31 : i32
        %and3A_529 = vector.broadcast %and3A_528 : i32 to vector<16xi32>
        %and3A_530 = arith.andi %add3A_527, %and3A_529 : vector<16xi32>
        %gather3A_531 = arith.constant 1 : i32
        %gather3A_532 = arith.constant 0 : i32
        %gather3A_533 = arith.constant 0 : i32
        %gather3A_534 = tpu.memref_slice %arg7[%gather3A_531, %gather3A_532, %gather3A_533] : memref<2x512x32xf32, #tpu.memory_space<vmem>> -> memref<1x512x32xf32, #tpu.memory_space<vmem>>
        %gather3A_535 = tpu.memref_squeeze %gather3A_534 : memref<1x512x32xf32, #tpu.memory_space<vmem>> -> memref<512x32xf32, #tpu.memory_space<vmem>>
        %gather3A_536 = tpu.vector_load_idx %gather3A_535[%add3A_170, %and3A_530] : memref<512x32xf32, #tpu.memory_space<vmem>>[vector<16xi32>, vector<16xi32>], vector<16xf32>,
        %scatter3A_537 = arith.constant 1 : i32
        %scatter3A_538 = arith.constant 0 : i32
        %scatter3A_539 = arith.constant 0 : i32
        %scatter3A_540 = tpu.memref_slice %arg8[%scatter3A_537, %scatter3A_538, %scatter3A_539] : memref<2x32x512xf32, #tpu.memory_space<vmem>> -> memref<1x32x512xf32, #tpu.memory_space<vmem>>
        %scatter3A_541 = tpu.memref_squeeze %scatter3A_540 : memref<1x32x512xf32, #tpu.memory_space<vmem>> -> memref<32x512xf32, #tpu.memory_space<vmem>>
        tpu.vector_store_idx %scatter3A_541[%and3A_530, %add3A_170], %gather3A_536 : memref<32x512xf32, #tpu.memory_space<vmem>>[vector<16xi32>, vector<16xi32>], vector<16xf32>,
        %add3A_542 = arith.constant 22 : i32
        %add3A_543 = vector.broadcast %add3A_542 : i32 to vector<16xi32>
        %add3A_544 = arith.addi %iota3A, %add3A_543 : vector<16xi32>
        %and3A_545 = arith.constant 31 : i32
        %and3A_546 = vector.broadcast %and3A_545 : i32 to vector<16xi32>
        %and3A_547 = arith.andi %add3A_544, %and3A_546 : vector<16xi32>
        %gather3A_548 = arith.constant 1 : i32
        %gather3A_549 = arith.constant 0 : i32
        %gather3A_550 = arith.constant 0 : i32
        %gather3A_551 = tpu.memref_slice %arg7[%gather3A_548, %gather3A_549, %gather3A_550] : memref<2x512x32xf32, #tpu.memory_space<vmem>> -> memref<1x512x32xf32, #tpu.memory_space<vmem>>
        %gather3A_552 = tpu.memref_squeeze %gather3A_551 : memref<1x512x32xf32, #tpu.memory_space<vmem>> -> memref<512x32xf32, #tpu.memory_space<vmem>>
        %gather3A_553 = tpu.vector_load_idx %gather3A_552[%add3A_170, %and3A_547] : memref<512x32xf32, #tpu.memory_space<vmem>>[vector<16xi32>, vector<16xi32>], vector<16xf32>,
        %scatter3A_554 = arith.constant 1 : i32
        %scatter3A_555 = arith.constant 0 : i32
        %scatter3A_556 = arith.constant 0 : i32
        %scatter3A_557 = tpu.memref_slice %arg8[%scatter3A_554, %scatter3A_555, %scatter3A_556] : memref<2x32x512xf32, #tpu.memory_space<vmem>> -> memref<1x32x512xf32, #tpu.memory_space<vmem>>
        %scatter3A_558 = tpu.memref_squeeze %scatter3A_557 : memref<1x32x512xf32, #tpu.memory_space<vmem>> -> memref<32x512xf32, #tpu.memory_space<vmem>>
        tpu.vector_store_idx %scatter3A_558[%and3A_547, %add3A_170], %gather3A_553 : memref<32x512xf32, #tpu.memory_space<vmem>>[vector<16xi32>, vector<16xi32>], vector<16xf32>,
        %add3A_559 = arith.constant 23 : i32
        %add3A_560 = vector.broadcast %add3A_559 : i32 to vector<16xi32>
        %add3A_561 = arith.addi %iota3A, %add3A_560 : vector<16xi32>
        %and3A_562 = arith.constant 31 : i32
        %and3A_563 = vector.broadcast %and3A_562 : i32 to vector<16xi32>
        %and3A_564 = arith.andi %add3A_561, %and3A_563 : vector<16xi32>
        %gather3A_565 = arith.constant 1 : i32
        %gather3A_566 = arith.constant 0 : i32
        %gather3A_567 = arith.constant 0 : i32
        %gather3A_568 = tpu.memref_slice %arg7[%gather3A_565, %gather3A_566, %gather3A_567] : memref<2x512x32xf32, #tpu.memory_space<vmem>> -> memref<1x512x32xf32, #tpu.memory_space<vmem>>
        %gather3A_569 = tpu.memref_squeeze %gather3A_568 : memref<1x512x32xf32, #tpu.memory_space<vmem>> -> memref<512x32xf32, #tpu.memory_space<vmem>>
        %gather3A_570 = tpu.vector_load_idx %gather3A_569[%add3A_170, %and3A_564] : memref<512x32xf32, #tpu.memory_space<vmem>>[vector<16xi32>, vector<16xi32>], vector<16xf32>,
        %scatter3A_571 = arith.constant 1 : i32
        %scatter3A_572 = arith.constant 0 : i32
        %scatter3A_573 = arith.constant 0 : i32
        %scatter3A_574 = tpu.memref_slice %arg8[%scatter3A_571, %scatter3A_572, %scatter3A_573] : memref<2x32x512xf32, #tpu.memory_space<vmem>> -> memref<1x32x512xf32, #tpu.memory_space<vmem>>
        %scatter3A_575 = tpu.memref_squeeze %scatter3A_574 : memref<1x32x512xf32, #tpu.memory_space<vmem>> -> memref<32x512xf32, #tpu.memory_space<vmem>>
        tpu.vector_store_idx %scatter3A_575[%and3A_564, %add3A_170], %gather3A_570 : memref<32x512xf32, #tpu.memory_space<vmem>>[vector<16xi32>, vector<16xi32>], vector<16xf32>,
        %add3A_576 = arith.constant 24 : i32
        %add3A_577 = vector.broadcast %add3A_576 : i32 to vector<16xi32>
        %add3A_578 = arith.addi %iota3A, %add3A_577 : vector<16xi32>
        %and3A_579 = arith.constant 31 : i32
        %and3A_580 = vector.broadcast %and3A_579 : i32 to vector<16xi32>
        %and3A_581 = arith.andi %add3A_578, %and3A_580 : vector<16xi32>
        %gather3A_582 = arith.constant 1 : i32
        %gather3A_583 = arith.constant 0 : i32
        %gather3A_584 = arith.constant 0 : i32
        %gather3A_585 = tpu.memref_slice %arg7[%gather3A_582, %gather3A_583, %gather3A_584] : memref<2x512x32xf32, #tpu.memory_space<vmem>> -> memref<1x512x32xf32, #tpu.memory_space<vmem>>
        %gather3A_586 = tpu.memref_squeeze %gather3A_585 : memref<1x512x32xf32, #tpu.memory_space<vmem>> -> memref<512x32xf32, #tpu.memory_space<vmem>>
        %gather3A_587 = tpu.vector_load_idx %gather3A_586[%add3A_170, %and3A_581] : memref<512x32xf32, #tpu.memory_space<vmem>>[vector<16xi32>, vector<16xi32>], vector<16xf32>,
        %scatter3A_588 = arith.constant 1 : i32
        %scatter3A_589 = arith.constant 0 : i32
        %scatter3A_590 = arith.constant 0 : i32
        %scatter3A_591 = tpu.memref_slice %arg8[%scatter3A_588, %scatter3A_589, %scatter3A_590] : memref<2x32x512xf32, #tpu.memory_space<vmem>> -> memref<1x32x512xf32, #tpu.memory_space<vmem>>
        %scatter3A_592 = tpu.memref_squeeze %scatter3A_591 : memref<1x32x512xf32, #tpu.memory_space<vmem>> -> memref<32x512xf32, #tpu.memory_space<vmem>>
        tpu.vector_store_idx %scatter3A_592[%and3A_581, %add3A_170], %gather3A_587 : memref<32x512xf32, #tpu.memory_space<vmem>>[vector<16xi32>, vector<16xi32>], vector<16xf32>,
        %add3A_593 = arith.constant 25 : i32
        %add3A_594 = vector.broadcast %add3A_593 : i32 to vector<16xi32>
        %add3A_595 = arith.addi %iota3A, %add3A_594 : vector<16xi32>
        %and3A_596 = arith.constant 31 : i32
        %and3A_597 = vector.broadcast %and3A_596 : i32 to vector<16xi32>
        %and3A_598 = arith.andi %add3A_595, %and3A_597 : vector<16xi32>
        %gather3A_599 = arith.constant 1 : i32
        %gather3A_600 = arith.constant 0 : i32
        %gather3A_601 = arith.constant 0 : i32
        %gather3A_602 = tpu.memref_slice %arg7[%gather3A_599, %gather3A_600, %gather3A_601] : memref<2x512x32xf32, #tpu.memory_space<vmem>> -> memref<1x512x32xf32, #tpu.memory_space<vmem>>
        %gather3A_603 = tpu.memref_squeeze %gather3A_602 : memref<1x512x32xf32, #tpu.memory_space<vmem>> -> memref<512x32xf32, #tpu.memory_space<vmem>>
        %gather3A_604 = tpu.vector_load_idx %gather3A_603[%add3A_170, %and3A_598] : memref<512x32xf32, #tpu.memory_space<vmem>>[vector<16xi32>, vector<16xi32>], vector<16xf32>,
        %scatter3A_605 = arith.constant 1 : i32
        %scatter3A_606 = arith.constant 0 : i32
        %scatter3A_607 = arith.constant 0 : i32
        %scatter3A_608 = tpu.memref_slice %arg8[%scatter3A_605, %scatter3A_606, %scatter3A_607] : memref<2x32x512xf32, #tpu.memory_space<vmem>> -> memref<1x32x512xf32, #tpu.memory_space<vmem>>
        %scatter3A_609 = tpu.memref_squeeze %scatter3A_608 : memref<1x32x512xf32, #tpu.memory_space<vmem>> -> memref<32x512xf32, #tpu.memory_space<vmem>>
        tpu.vector_store_idx %scatter3A_609[%and3A_598, %add3A_170], %gather3A_604 : memref<32x512xf32, #tpu.memory_space<vmem>>[vector<16xi32>, vector<16xi32>], vector<16xf32>,
        %add3A_610 = arith.constant 26 : i32
        %add3A_611 = vector.broadcast %add3A_610 : i32 to vector<16xi32>
        %add3A_612 = arith.addi %iota3A, %add3A_611 : vector<16xi32>
        %and3A_613 = arith.constant 31 : i32
        %and3A_614 = vector.broadcast %and3A_613 : i32 to vector<16xi32>
        %and3A_615 = arith.andi %add3A_612, %and3A_614 : vector<16xi32>
        %gather3A_616 = arith.constant 1 : i32
        %gather3A_617 = arith.constant 0 : i32
        %gather3A_618 = arith.constant 0 : i32
        %gather3A_619 = tpu.memref_slice %arg7[%gather3A_616, %gather3A_617, %gather3A_618] : memref<2x512x32xf32, #tpu.memory_space<vmem>> -> memref<1x512x32xf32, #tpu.memory_space<vmem>>
        %gather3A_620 = tpu.memref_squeeze %gather3A_619 : memref<1x512x32xf32, #tpu.memory_space<vmem>> -> memref<512x32xf32, #tpu.memory_space<vmem>>
        %gather3A_621 = tpu.vector_load_idx %gather3A_620[%add3A_170, %and3A_615] : memref<512x32xf32, #tpu.memory_space<vmem>>[vector<16xi32>, vector<16xi32>], vector<16xf32>,
        %scatter3A_622 = arith.constant 1 : i32
        %scatter3A_623 = arith.constant 0 : i32
        %scatter3A_624 = arith.constant 0 : i32
        %scatter3A_625 = tpu.memref_slice %arg8[%scatter3A_622, %scatter3A_623, %scatter3A_624] : memref<2x32x512xf32, #tpu.memory_space<vmem>> -> memref<1x32x512xf32, #tpu.memory_space<vmem>>
        %scatter3A_626 = tpu.memref_squeeze %scatter3A_625 : memref<1x32x512xf32, #tpu.memory_space<vmem>> -> memref<32x512xf32, #tpu.memory_space<vmem>>
        tpu.vector_store_idx %scatter3A_626[%and3A_615, %add3A_170], %gather3A_621 : memref<32x512xf32, #tpu.memory_space<vmem>>[vector<16xi32>, vector<16xi32>], vector<16xf32>,
        %add3A_627 = arith.constant 27 : i32
        %add3A_628 = vector.broadcast %add3A_627 : i32 to vector<16xi32>
        %add3A_629 = arith.addi %iota3A, %add3A_628 : vector<16xi32>
        %and3A_630 = arith.constant 31 : i32
        %and3A_631 = vector.broadcast %and3A_630 : i32 to vector<16xi32>
        %and3A_632 = arith.andi %add3A_629, %and3A_631 : vector<16xi32>
        %gather3A_633 = arith.constant 1 : i32
        %gather3A_634 = arith.constant 0 : i32
        %gather3A_635 = arith.constant 0 : i32
        %gather3A_636 = tpu.memref_slice %arg7[%gather3A_633, %gather3A_634, %gather3A_635] : memref<2x512x32xf32, #tpu.memory_space<vmem>> -> memref<1x512x32xf32, #tpu.memory_space<vmem>>
        %gather3A_637 = tpu.memref_squeeze %gather3A_636 : memref<1x512x32xf32, #tpu.memory_space<vmem>> -> memref<512x32xf32, #tpu.memory_space<vmem>>
        %gather3A_638 = tpu.vector_load_idx %gather3A_637[%add3A_170, %and3A_632] : memref<512x32xf32, #tpu.memory_space<vmem>>[vector<16xi32>, vector<16xi32>], vector<16xf32>,
        %scatter3A_639 = arith.constant 1 : i32
        %scatter3A_640 = arith.constant 0 : i32
        %scatter3A_641 = arith.constant 0 : i32
        %scatter3A_642 = tpu.memref_slice %arg8[%scatter3A_639, %scatter3A_640, %scatter3A_641] : memref<2x32x512xf32, #tpu.memory_space<vmem>> -> memref<1x32x512xf32, #tpu.memory_space<vmem>>
        %scatter3A_643 = tpu.memref_squeeze %scatter3A_642 : memref<1x32x512xf32, #tpu.memory_space<vmem>> -> memref<32x512xf32, #tpu.memory_space<vmem>>
        tpu.vector_store_idx %scatter3A_643[%and3A_632, %add3A_170], %gather3A_638 : memref<32x512xf32, #tpu.memory_space<vmem>>[vector<16xi32>, vector<16xi32>], vector<16xf32>,
        %add3A_644 = arith.constant 28 : i32
        %add3A_645 = vector.broadcast %add3A_644 : i32 to vector<16xi32>
        %add3A_646 = arith.addi %iota3A, %add3A_645 : vector<16xi32>
        %and3A_647 = arith.constant 31 : i32
        %and3A_648 = vector.broadcast %and3A_647 : i32 to vector<16xi32>
        %and3A_649 = arith.andi %add3A_646, %and3A_648 : vector<16xi32>
        %gather3A_650 = arith.constant 1 : i32
        %gather3A_651 = arith.constant 0 : i32
        %gather3A_652 = arith.constant 0 : i32
        %gather3A_653 = tpu.memref_slice %arg7[%gather3A_650, %gather3A_651, %gather3A_652] : memref<2x512x32xf32, #tpu.memory_space<vmem>> -> memref<1x512x32xf32, #tpu.memory_space<vmem>>
        %gather3A_654 = tpu.memref_squeeze %gather3A_653 : memref<1x512x32xf32, #tpu.memory_space<vmem>> -> memref<512x32xf32, #tpu.memory_space<vmem>>
        %gather3A_655 = tpu.vector_load_idx %gather3A_654[%add3A_170, %and3A_649] : memref<512x32xf32, #tpu.memory_space<vmem>>[vector<16xi32>, vector<16xi32>], vector<16xf32>,
        %scatter3A_656 = arith.constant 1 : i32
        %scatter3A_657 = arith.constant 0 : i32
        %scatter3A_658 = arith.constant 0 : i32
        %scatter3A_659 = tpu.memref_slice %arg8[%scatter3A_656, %scatter3A_657, %scatter3A_658] : memref<2x32x512xf32, #tpu.memory_space<vmem>> -> memref<1x32x512xf32, #tpu.memory_space<vmem>>
        %scatter3A_660 = tpu.memref_squeeze %scatter3A_659 : memref<1x32x512xf32, #tpu.memory_space<vmem>> -> memref<32x512xf32, #tpu.memory_space<vmem>>
        tpu.vector_store_idx %scatter3A_660[%and3A_649, %add3A_170], %gather3A_655 : memref<32x512xf32, #tpu.memory_space<vmem>>[vector<16xi32>, vector<16xi32>], vector<16xf32>,
        %add3A_661 = arith.constant 29 : i32
        %add3A_662 = vector.broadcast %add3A_661 : i32 to vector<16xi32>
        %add3A_663 = arith.addi %iota3A, %add3A_662 : vector<16xi32>
        %and3A_664 = arith.constant 31 : i32
        %and3A_665 = vector.broadcast %and3A_664 : i32 to vector<16xi32>
        %and3A_666 = arith.andi %add3A_663, %and3A_665 : vector<16xi32>
        %gather3A_667 = arith.constant 1 : i32
        %gather3A_668 = arith.constant 0 : i32
        %gather3A_669 = arith.constant 0 : i32
        %gather3A_670 = tpu.memref_slice %arg7[%gather3A_667, %gather3A_668, %gather3A_669] : memref<2x512x32xf32, #tpu.memory_space<vmem>> -> memref<1x512x32xf32, #tpu.memory_space<vmem>>
        %gather3A_671 = tpu.memref_squeeze %gather3A_670 : memref<1x512x32xf32, #tpu.memory_space<vmem>> -> memref<512x32xf32, #tpu.memory_space<vmem>>
        %gather3A_672 = tpu.vector_load_idx %gather3A_671[%add3A_170, %and3A_666] : memref<512x32xf32, #tpu.memory_space<vmem>>[vector<16xi32>, vector<16xi32>], vector<16xf32>,
        %scatter3A_673 = arith.constant 1 : i32
        %scatter3A_674 = arith.constant 0 : i32
        %scatter3A_675 = arith.constant 0 : i32
        %scatter3A_676 = tpu.memref_slice %arg8[%scatter3A_673, %scatter3A_674, %scatter3A_675] : memref<2x32x512xf32, #tpu.memory_space<vmem>> -> memref<1x32x512xf32, #tpu.memory_space<vmem>>
        %scatter3A_677 = tpu.memref_squeeze %scatter3A_676 : memref<1x32x512xf32, #tpu.memory_space<vmem>> -> memref<32x512xf32, #tpu.memory_space<vmem>>
        tpu.vector_store_idx %scatter3A_677[%and3A_666, %add3A_170], %gather3A_672 : memref<32x512xf32, #tpu.memory_space<vmem>>[vector<16xi32>, vector<16xi32>], vector<16xf32>,
        %add3A_678 = arith.constant 30 : i32
        %add3A_679 = vector.broadcast %add3A_678 : i32 to vector<16xi32>
        %add3A_680 = arith.addi %iota3A, %add3A_679 : vector<16xi32>
        %and3A_681 = arith.constant 31 : i32
        %and3A_682 = vector.broadcast %and3A_681 : i32 to vector<16xi32>
        %and3A_683 = arith.andi %add3A_680, %and3A_682 : vector<16xi32>
        %gather3A_684 = arith.constant 1 : i32
        %gather3A_685 = arith.constant 0 : i32
        %gather3A_686 = arith.constant 0 : i32
        %gather3A_687 = tpu.memref_slice %arg7[%gather3A_684, %gather3A_685, %gather3A_686] : memref<2x512x32xf32, #tpu.memory_space<vmem>> -> memref<1x512x32xf32, #tpu.memory_space<vmem>>
        %gather3A_688 = tpu.memref_squeeze %gather3A_687 : memref<1x512x32xf32, #tpu.memory_space<vmem>> -> memref<512x32xf32, #tpu.memory_space<vmem>>
        %gather3A_689 = tpu.vector_load_idx %gather3A_688[%add3A_170, %and3A_683] : memref<512x32xf32, #tpu.memory_space<vmem>>[vector<16xi32>, vector<16xi32>], vector<16xf32>,
        %scatter3A_690 = arith.constant 1 : i32
        %scatter3A_691 = arith.constant 0 : i32
        %scatter3A_692 = arith.constant 0 : i32
        %scatter3A_693 = tpu.memref_slice %arg8[%scatter3A_690, %scatter3A_691, %scatter3A_692] : memref<2x32x512xf32, #tpu.memory_space<vmem>> -> memref<1x32x512xf32, #tpu.memory_space<vmem>>
        %scatter3A_694 = tpu.memref_squeeze %scatter3A_693 : memref<1x32x512xf32, #tpu.memory_space<vmem>> -> memref<32x512xf32, #tpu.memory_space<vmem>>
        tpu.vector_store_idx %scatter3A_694[%and3A_683, %add3A_170], %gather3A_689 : memref<32x512xf32, #tpu.memory_space<vmem>>[vector<16xi32>, vector<16xi32>], vector<16xf32>,
        %add3A_695 = arith.constant 31 : i32
        %add3A_696 = vector.broadcast %add3A_695 : i32 to vector<16xi32>
        %add3A_697 = arith.addi %iota3A, %add3A_696 : vector<16xi32>
        %and3A_698 = arith.constant 31 : i32
        %and3A_699 = vector.broadcast %and3A_698 : i32 to vector<16xi32>
        %and3A_700 = arith.andi %add3A_697, %and3A_699 : vector<16xi32>
        %gather3A_701 = arith.constant 1 : i32
        %gather3A_702 = arith.constant 0 : i32
        %gather3A_703 = arith.constant 0 : i32
        %gather3A_704 = tpu.memref_slice %arg7[%gather3A_701, %gather3A_702, %gather3A_703] : memref<2x512x32xf32, #tpu.memory_space<vmem>> -> memref<1x512x32xf32, #tpu.memory_space<vmem>>
        %gather3A_705 = tpu.memref_squeeze %gather3A_704 : memref<1x512x32xf32, #tpu.memory_space<vmem>> -> memref<512x32xf32, #tpu.memory_space<vmem>>
        %gather3A_706 = tpu.vector_load_idx %gather3A_705[%add3A_170, %and3A_700] : memref<512x32xf32, #tpu.memory_space<vmem>>[vector<16xi32>, vector<16xi32>], vector<16xf32>,
        %scatter3A_707 = arith.constant 1 : i32
        %scatter3A_708 = arith.constant 0 : i32
        %scatter3A_709 = arith.constant 0 : i32
        %scatter3A_710 = tpu.memref_slice %arg8[%scatter3A_707, %scatter3A_708, %scatter3A_709] : memref<2x32x512xf32, #tpu.memory_space<vmem>> -> memref<1x32x512xf32, #tpu.memory_space<vmem>>
        %scatter3A_711 = tpu.memref_squeeze %scatter3A_710 : memref<1x32x512xf32, #tpu.memory_space<vmem>> -> memref<32x512xf32, #tpu.memory_space<vmem>>
        tpu.vector_store_idx %scatter3A_711[%and3A_700, %add3A_170], %gather3A_706 : memref<32x512xf32, #tpu.memory_space<vmem>>[vector<16xi32>, vector<16xi32>], vector<16xf32>,
      }
      %scan3A_147 = arith.constant 32 : i32
      %dma_start3A_148 = arith.constant 1 : i32
      %dma_start3A_149 = arith.constant 1 : i32
      %dma_start3A_150 = arith.constant 0 : i32
      %dma_start3A_151 = arith.constant 0 : i32
      %dma_start3A_152 = tpu.memref_slice %arg8[%dma_start3A_148, %dma_start3A_150, %dma_start3A_151] : memref<2x32x512xf32, #tpu.memory_space<vmem>> -> memref<1x32x512xf32, #tpu.memory_space<vmem>>
      %dma_start3A_153 = tpu.memref_squeeze %dma_start3A_152 : memref<1x32x512xf32, #tpu.memory_space<vmem>> -> memref<32x512xf32, #tpu.memory_space<vmem>>
      %dma_start3A_154 = arith.constant 0 : i32
      %dma_start3A_155 = tpu.memref_slice %arg4[%add3A_117, %dma_start3A_154, %mul3A_2] : memref<50x32x16384xf32, #tpu.memory_space<hbm>> -> memref<1x32x512xf32, #tpu.memory_space<hbm>>
      %dma_start3A_156 = tpu.memref_squeeze %dma_start3A_155 : memref<1x32x512xf32, #tpu.memory_space<hbm>> -> memref<32x512xf32, #tpu.memory_space<hbm>>
      %dma_start3A_157 = tpu.memref_slice %arg10[%dma_start3A_149] : memref<2x!tpu.dma_semaphore, #tpu.memory_space<semaphore_mem>> -> memref<1x!tpu.dma_semaphore, #tpu.memory_space<semaphore_mem>>
      %dma_start3A_158 = tpu.memref_squeeze %dma_start3A_157 : memref<1x!tpu.dma_semaphore, #tpu.memory_space<semaphore_mem>> -> memref<!tpu.dma_semaphore, #tpu.memory_space<semaphore_mem>>
      %dma_start3A_159 = arith.constant 0 : i32
      %dma_start3A_160 = tpu.memref_slice %arg4[%add3A_117, %dma_start3A_159, %mul3A_2] : memref<50x32x16384xf32, #tpu.memory_space<hbm>> -> memref<1x32x512xf32, #tpu.memory_space<hbm>>
      %dma_start3A_161 = tpu.memref_squeeze %dma_start3A_160 : memref<1x32x512xf32, #tpu.memory_space<hbm>> -> memref<32x512xf32, #tpu.memory_space<hbm>>
      %dma_start3A_162 = arith.constant 0 : i32
      %dma_start3A_163 = arith.constant 0 : i32
      %dma_start3A_164 = tpu.memref_slice %arg8[%dma_start3A_148, %dma_start3A_162, %dma_start3A_163] : memref<2x32x512xf32, #tpu.memory_space<vmem>> -> memref<1x32x512xf32, #tpu.memory_space<vmem>>
      %dma_start3A_165 = tpu.memref_squeeze %dma_start3A_164 : memref<1x32x512xf32, #tpu.memory_space<vmem>> -> memref<32x512xf32, #tpu.memory_space<vmem>>
      tpu.enqueue_dma source(%dma_start3A_165 : memref<32x512xf32, #tpu.memory_space<vmem>>) target(%dma_start3A_161 : memref<32x512xf32, #tpu.memory_space<hbm>>) target_semaphore(%dma_start3A_158 : memref<!tpu.dma_semaphore, #tpu.memory_space<semaphore_mem>>)
    }
    %scan3A_27 = arith.constant 25 : i32
    %dma_wait3A = arith.constant 0 : i32
    %dma_wait3A_28 = arith.constant 48 : i32
    %dma_wait3A_29 = arith.constant 0 : i32
    %dma_wait3A_30 = arith.constant 0 : i32
    %dma_wait3A_31 = arith.constant 0 : i32
    %dma_wait3A_32 = tpu.memref_slice %arg8[%dma_wait3A, %dma_wait3A_30, %dma_wait3A_31] : memref<2x32x512xf32, #tpu.memory_space<vmem>> -> memref<1x32x512xf32, #tpu.memory_space<vmem>>
    %dma_wait3A_33 = tpu.memref_squeeze %dma_wait3A_32 : memref<1x32x512xf32, #tpu.memory_space<vmem>> -> memref<32x512xf32, #tpu.memory_space<vmem>>
    %dma_wait3A_34 = arith.constant 0 : i32
    %dma_wait3A_35 = tpu.memref_slice %arg4[%dma_wait3A_28, %dma_wait3A_34, %mul3A_2] : memref<50x32x16384xf32, #tpu.memory_space<hbm>> -> memref<1x32x512xf32, #tpu.memory_space<hbm>>
    %dma_wait3A_36 = tpu.memref_squeeze %dma_wait3A_35 : memref<1x32x512xf32, #tpu.memory_space<hbm>> -> memref<32x512xf32, #tpu.memory_space<hbm>>
    %dma_wait3A_37 = tpu.memref_slice %arg10[%dma_wait3A_29] : memref<2x!tpu.dma_semaphore, #tpu.memory_space<semaphore_mem>> -> memref<1x!tpu.dma_semaphore, #tpu.memory_space<semaphore_mem>>
    %dma_wait3A_38 = tpu.memref_squeeze %dma_wait3A_37 : memref<1x!tpu.dma_semaphore, #tpu.memory_space<semaphore_mem>> -> memref<!tpu.dma_semaphore, #tpu.memory_space<semaphore_mem>>
    %dma_wait3A_39 = arith.constant 0 : i32
    %dma_wait3A_40 = tpu.memref_slice %arg4[%dma_wait3A_28, %dma_wait3A_39, %mul3A_2] : memref<50x32x16384xf32, #tpu.memory_space<hbm>> -> memref<1x32x512xf32, #tpu.memory_space<hbm>>
    %dma_wait3A_41 = tpu.memref_squeeze %dma_wait3A_40 : memref<1x32x512xf32, #tpu.memory_space<hbm>> -> memref<32x512xf32, #tpu.memory_space<hbm>>
    %dma_wait3A_42 = arith.constant 0 : i32
    %dma_wait3A_43 = arith.constant 0 : i32
    %dma_wait3A_44 = tpu.memref_slice %arg8[%dma_wait3A, %dma_wait3A_42, %dma_wait3A_43] : memref<2x32x512xf32, #tpu.memory_space<vmem>> -> memref<1x32x512xf32, #tpu.memory_space<vmem>>
    %dma_wait3A_45 = tpu.memref_squeeze %dma_wait3A_44 : memref<1x32x512xf32, #tpu.memory_space<vmem>> -> memref<32x512xf32, #tpu.memory_space<vmem>>
    tpu.wait_dma2 semaphore(%dma_wait3A_38 : memref<!tpu.dma_semaphore, #tpu.memory_space<semaphore_mem>>) src(%dma_wait3A_45 : memref<32x512xf32, #tpu.memory_space<vmem>>) dst(%dma_wait3A_41 : memref<32x512xf32, #tpu.memory_space<hbm>>)
    %dma_wait3A_46 = arith.constant 1 : i32
    %dma_wait3A_47 = arith.constant 49 : i32
    %dma_wait3A_48 = arith.constant 1 : i32
    %dma_wait3A_49 = arith.constant 0 : i32
    %dma_wait3A_50 = arith.constant 0 : i32
    %dma_wait3A_51 = tpu.memref_slice %arg8[%dma_wait3A_46, %dma_wait3A_49, %dma_wait3A_50] : memref<2x32x512xf32, #tpu.memory_space<vmem>> -> memref<1x32x512xf32, #tpu.memory_space<vmem>>
    %dma_wait3A_52 = tpu.memref_squeeze %dma_wait3A_51 : memref<1x32x512xf32, #tpu.memory_space<vmem>> -> memref<32x512xf32, #tpu.memory_space<vmem>>
    %dma_wait3A_53 = arith.constant 0 : i32
    %dma_wait3A_54 = tpu.memref_slice %arg4[%dma_wait3A_47, %dma_wait3A_53, %mul3A_2] : memref<50x32x16384xf32, #tpu.memory_space<hbm>> -> memref<1x32x512xf32, #tpu.memory_space<hbm>>
    %dma_wait3A_55 = tpu.memref_squeeze %dma_wait3A_54 : memref<1x32x512xf32, #tpu.memory_space<hbm>> -> memref<32x512xf32, #tpu.memory_space<hbm>>
    %dma_wait3A_56 = tpu.memref_slice %arg10[%dma_wait3A_48] : memref<2x!tpu.dma_semaphore, #tpu.memory_space<semaphore_mem>> -> memref<1x!tpu.dma_semaphore, #tpu.memory_space<semaphore_mem>>
    %dma_wait3A_57 = tpu.memref_squeeze %dma_wait3A_56 : memref<1x!tpu.dma_semaphore, #tpu.memory_space<semaphore_mem>> -> memref<!tpu.dma_semaphore, #tpu.memory_space<semaphore_mem>>
    %dma_wait3A_58 = arith.constant 0 : i32
    %dma_wait3A_59 = tpu.memref_slice %arg4[%dma_wait3A_47, %dma_wait3A_58, %mul3A_2] : memref<50x32x16384xf32, #tpu.memory_space<hbm>> -> memref<1x32x512xf32, #tpu.memory_space<hbm>>
    %dma_wait3A_60 = tpu.memref_squeeze %dma_wait3A_59 : memref<1x32x512xf32, #tpu.memory_space<hbm>> -> memref<32x512xf32, #tpu.memory_space<hbm>>
    %dma_wait3A_61 = arith.constant 0 : i32
    %dma_wait3A_62 = arith.constant 0 : i32
    %dma_wait3A_63 = tpu.memref_slice %arg8[%dma_wait3A_46, %dma_wait3A_61, %dma_wait3A_62] : memref<2x32x512xf32, #tpu.memory_space<vmem>> -> memref<1x32x512xf32, #tpu.memory_space<vmem>>
    %dma_wait3A_64 = tpu.memref_squeeze %dma_wait3A_63 : memref<1x32x512xf32, #tpu.memory_space<vmem>> -> memref<32x512xf32, #tpu.memory_space<vmem>>
    tpu.wait_dma2 semaphore(%dma_wait3A_57 : memref<!tpu.dma_semaphore, #tpu.memory_space<semaphore_mem>>) src(%dma_wait3A_64 : memref<32x512xf32, #tpu.memory_space<vmem>>) dst(%dma_wait3A_60 : memref<32x512xf32, #tpu.memory_space<hbm>>)
    return
  }
}

</mosaic_0001>

<sc_bundles>
// kernel: kernel.3.cloned.1.call-start
scs
__scs_entry_jumppad:
0x0: {  	(pc) =	sbr.rel $0x88, $3  }
0x1: {  	(tag) =	ssettag $0x0;
	lr =	simm.s32 $0x1  }
0x2: {  	[smem:$0x3F9F] =	sst lr;
	_ =	strace $0xD0000000  }
0x3: {  	_ = 	snop  }
0x4: {  	_ = 	snop  }
0x5: {  	_ = 	snop  }
0x6: {  	_ = 	snop  }
0x7: {  	_ = 	snop  }
__scs_overlays_trampoline_lowered:
0x8: {  	[smem:$0x3FAE] =	sst s0  }
0x9: {  	[smem:$0x3FAF] =	sst s1  }
0xa: {  	[smem:$0x3FB0] =	sst s2  }
0xb: {  	[smem:$0x3FB1] =	sst s3  }
0xc: {  	[smem:$0x3FB2] =	sst s4  }
0xd: {  	[smem:$0x3FB3] =	sst s5  }
0xe: {  	[smem:$0x3FB4] =	sst s6  }
0xf: {  	[smem:$0x3FB5] =	sst s7  }
0x10: {  	[smem:$0x3FB6] =	sst s8  }
0x11: {  	[smem:$0x3FB7] =	sst s9;
	s0 =	simm.s32 @!p0 $0x0  }
0x12: {  	s1 =	sld [smem:$0x3F9D];
	s0 =	simm.s32 @p0 $0x1  }
0x13: {  	[smem:$0x3FB8] =	sst s0;
	s0 =	simm.s32 @!p1 $0x0  }
0x14: {  	s2 =	sld [smem:$0x3F9C];
	s0 =	simm.s32 @p1 $0x1  }
0x15: {  	[smem:$0x3FB9] =	sst s0;
	s0 =	simm.s32 @!p2 $0x0  }
0x16: {  	s3 =	sld [smem:$0x3FDB];
	s0 =	simm.s32 @p2 $0x1  }
0x17: {  	s4 =	simm.s32 $0x1BF5;
	[smem:$0x3FBB] =	sst s0  }
0x18: {  	s0 =	sld [smem:$0x3F9E];
	_ =	swait.ge [sflag:s4], $0x0  }
0x19: {  	s7 =	sld [smem:$0x3F9F]  }
0x1a: {  	s8 =	sadd.s32 $0xFFFFE003, lr  }
0x1b: {  	s9 =	sadd.s32 $0xFFFFFEF7, lr;
	s5 =	simm.s32 $0xFFFFFFFF;
	p2 =	slt.u32 s8, $0xFFFFF086  }
0x1c: {  	p1 =	slt.u32 s9, $0xF7A;
	s5 =	simm.s32 @!p2 $0x0  }
0x1d: {  	s5 =	simm.s32 @p1 $0x1;
	p0 =	seq.s32 s7, s2  }
0x1e: {  	s7 =	smul.u32 @!p0 $0xF7A, s2;
	p2 =	seq.s32 @!p0 s5, $0x0  }
0x1f: {  	s9 =	smul.u32 $0xF7A, s1;
	s8 =	simm.s32 @!p0 $0x1BF5;
	p2 =	por !p2, p0  }
0x20: {  	[sflag:s8] =	ssyncset.s32 @!p0 $0xFFFFF086;
	s6 =	sadd.s32 @!p0 s3, s7;
	s7 =	simm.s32 @!p0 $0x108  }
0x21: {  	s3 =	sadd.s32 s3, s9;
	s6 =	sadd.s32 @!p0 $0x88, s6;
	s7 =	simm.s32 @p2 $0x1082  }
0x22: {  	[simem:s7], [sflag:s8] =	dma.local @!p0 [hbm:s6], $0xF7A  }
0x23: {  	s9 =	sor.u32 $0xD0000000, s2;
	s6 =	simm.s32 $0x108;
	_ =	swait.ge @!p0 [sflag:s8], $0x0  }
0x24: {  	s3 =	sadd.s32 $0x88, s3;
	s6 =	simm.s32 @!p1 $0x1082;
	[sflag:s4] =	ssyncset.s32 $0xFFFFF086  }
0x25: {  	[simem:s6], [sflag:s4] =	dma.local [hbm:s3], $0xF7A  }
0x26: {  	[smem:$0x3F9F] =	sst s1;
	(tag) =	ssettag s2;
	_ =	strace s9  }
0x27: {  	s1 =	sld [smem:$0x3FAF]  }
0x28: {  	s2 =	sld [smem:$0x3FB0]  }
0x29: {  	s4 =	sld [smem:$0x3FB2]  }
0x2a: {  	p0 =	seq.s32 s5, $0x0;
	s5 =	sld [smem:$0x3FB3]  }
0x2b: {  	s6 =	sld [smem:$0x3FB4]  }
0x2c: {  	s7 =	sld [smem:$0x3FB5]  }
0x2d: {  	s3 =	simm.s32 $0x108;
	s8 =	sld [smem:$0x3FB6]  }
0x2e: {  	s3 =	simm.s32 @!p0 $0x1082;
	s9 =	sld [smem:$0x3FB7]  }
0x2f: {  	lr =	sadd.s32 s0, s3;
	s0 =	sld [smem:$0x3FAE]  }
0x30: {  	s3 =	sld [smem:$0x3FB1]  }
0x31: {  	[smem:$0x3FBA] =	sst s10  }
0x32: {  	s10 =	sld [smem:$0x3FB8];
	_ =	sdelay $0x3  }
0x33: {  	p0 =	seq.s32 s10, $0x1;
	s10 =	sld [smem:$0x3FBA];
	_ =	sdelay $0x3  }
0x34: {  	[smem:$0x3FBA] =	sst s10  }
0x35: {  	s10 =	sld [smem:$0x3FB9];
	_ =	sdelay $0x3  }
0x36: {  	p1 =	seq.s32 s10, $0x1;
	s10 =	sld [smem:$0x3FBA];
	_ =	sdelay $0x3  }
0x37: {  	[smem:$0x3FBA] =	sst s10  }
0x38: {  	s10 =	sld [smem:$0x3FBB]  }
0x39: {  	_ = 	snop;
	(pc) =	sbr.ind lr, $3  }
0x3a: {  	_ = 	snop  }
0x3b: {  	_ = 	snop  }
0x3c: {  	p2 =	seq.s32 s10, $0x1;
	s10 =	sld [smem:$0x3FBA]  }
0x3d: {  	_ =	shalt  }
0x3e: {  	_ =	shalt  }
0x3f: {  	_ =	shalt  }
0x40: {  	_ =	shalt  }
0x41: {  	_ =	shalt  }
0x42: {  	_ =	shalt  }
0x43: {  	_ =	shalt  }
0x44: {  	_ =	shalt  }
0x45: {  	_ =	shalt  }
0x46: {  	_ =	shalt  }
0x47: {  	_ =	shalt  }
0x48: {  	_ =	shalt  }
0x49: {  	_ =	shalt  }
0x4a: {  	_ =	shalt  }
0x4b: {  	_ =	shalt  }
0x4c: {  	_ =	shalt  }
0x4d: {  	_ =	shalt  }
0x4e: {  	_ =	shalt  }
0x4f: {  	_ =	shalt  }
0x50: {  	_ =	shalt  }
0x51: {  	_ =	shalt  }
0x52: {  	_ =	shalt  }
0x53: {  	_ =	shalt  }
0x54: {  	_ =	shalt  }
0x55: {  	_ =	shalt  }
0x56: {  	_ =	shalt  }
0x57: {  	_ =	shalt  }
0x58: {  	_ =	shalt  }
0x59: {  	_ =	shalt  }
0x5a: {  	_ =	shalt  }
0x5b: {  	_ =	shalt  }
0x5c: {  	_ =	shalt  }
0x5d: {  	_ =	shalt  }
0x5e: {  	_ =	shalt  }
0x5f: {  	_ =	shalt  }
0x60: {  	_ =	shalt  }
0x61: {  	_ =	shalt  }
0x62: {  	_ =	shalt  }
0x63: {  	_ =	shalt  }
0x64: {  	_ =	shalt  }
0x65: {  	_ =	shalt  }
0x66: {  	_ =	shalt  }
0x67: {  	_ =	shalt  }
0x68: {  	_ =	shalt  }
0x69: {  	_ =	shalt  }
0x6a: {  	_ =	shalt  }
0x6b: {  	_ =	shalt  }
0x6c: {  	_ =	shalt  }
0x6d: {  	_ =	shalt  }
0x6e: {  	_ =	shalt  }
0x6f: {  	_ =	shalt  }
0x70: {  	_ =	shalt  }
0x71: {  	_ =	shalt  }
0x72: {  	_ =	shalt  }
0x73: {  	_ =	shalt  }
0x74: {  	_ =	shalt  }
0x75: {  	_ =	shalt  }
0x76: {  	_ =	shalt  }
0x77: {  	_ =	shalt  }
0x78: {  	_ =	shalt  }
0x79: {  	_ =	shalt  }
0x7a: {  	_ =	shalt  }
0x7b: {  	_ =	shalt  }
0x7c: {  	_ =	shalt  }
0x7d: {  	_ =	shalt  }
0x7e: {  	_ =	shalt  }
0x7f: {  	_ =	shalt  }
0x80: {  	_ =	shalt  }
0x81: {  	_ =	shalt  }
0x82: {  	_ =	shalt  }
0x83: {  	_ =	shalt  }
0x84: {  	_ =	shalt  }
0x85: {  	_ =	shalt  }
0x86: {  	_ =	shalt  }
0x87: {  	_ =	shalt  }
.Lfunc_end0:
.L_simem_size_0:
called_computation_lowered:
.L_overlay_start_0:
0x88: {  	s2 =	sld [smem:$0x3FD9]  }
0x89: {  	s3 =	sld [smem:$0x3FFE];
	_ =	sdelay $0x1  }
0x8a: {  	s1 =	srdreg.scid  }
0x8b: {  	s0 =	sand.u32 $0x1, s1  }
0x8c: {  	s17 =	sshll.u32 s0, $0xA;
	s2 =	sadd.s32 s3, s2  }
0x8d: {  	s2 =	sadd.s32 s2, s17  }
0x8e: {  	[smem:$0x3FC6] =	sst s2  }
0x8f: {  	_ = 	snop  }
0x90: {  	s2 =	sld [smem:$0x3FD0];
	(tm) =	ssettm $0x1  }
0x91: {  	s18 =	sld [smem:$0x3FFB];
	_ =	sdelay $0x3  }
0x92: {  	_ =	strace s18  }
0x93: {  	s3 =	sld [smem:$0x3FFC];
	_ =	sdelay $0x3  }
0x94: {  	_ =	strace s3  }
0x95: {  	s3 =	sld [smem:$0x3FFD];
	_ =	sdelay $0x3  }
0x96: {  	_ =	strace s3  }
0x97: {  	_ =	strace $0x8FFFFFFF  }
0x98: {  	s19 =	sld [smem:$0x3FDB];
	_ =	sdelay $0x1  }
0x99: {  	s4 =	simm.s32 $_scs_section_size  }
0x9a: {  	s5 =	simm.s32 $_size__tile_overlayer_lowered;
	s6 =	simm.s32 $_tile_overlayer_lowered  }
0x9b: {  	s22 =	simm.s32 $0x1BFF;
	s21 =	sshll.u32 s6, $0x1;
	s3 =	sadd.s32 s4, s19  }
0x9c: {  	s7 =	simm.s32 $0x0;
	s20 =	sshll.u32 s5, $0x1;
	s5 =	sadd.s32 s21, s3  }
0x9d: {  	[timem:s7], [sflag:s22] =	dma.local [hbm:s5], s20  }
0x9e: {  	_ =	swait.ge [sflag:s22], s20  }
0x9f: {  	s4 =	ssub.s32 $0x0, s20;
	[sflag:s22] =	ssyncset.done $0x0  }
0xa0: {  	[sflag:s22] =	ssyncadd.s32 s4;
	_ =	sdelay $0x1  }
0xa1: {  	s23 =	simm.s32 $0x1B8B  }
0xa2: {  	_ =	swait.ge [sflag:s23], $0x1  }
0xa3: {  	[sflag:s23] =	ssyncset.done $0x0  }
0xa4: {  	s25 =	simm.s32 $0x1B8E;
	s24 =	sld [smem:$0x3FFE];
	[sflag:s23] =	ssyncadd.s32 $0xFFFFFFFF  }
0xa5: {  	s26 =	simm.s32 $execute0_lowered;
	[smem:$0x3FD2] =	sst s25  }
0xa6: {  	s5 =	sshll.u32 s26, $0x1;
	_ =	strace $0x80000046;
	[dreg:$0x1] =	wrdreg $0xFFFFFFFF  }
0xa7: {  	s28 =	simm.s32 $_size_execute0_lowered;
	s3 =	sadd.s32 s3, s5;
	[dreg:$0x0] =	wrdreg $0x0  }
0xa8: {  	s5 =	sshll.u32 s28, $0x1;
	[dreg:$0x2] =	wrdreg s3  }
0xa9: {  	[dreg:$0x3] =	wrdreg s5  }
0xaa: {  	[dreg:$0x4] =	wrdreg $0xC0  }
0xab: {  	_ =	task [dreg:s7], $0x5FFFF  }
0xac: {  	[dreg:$0x1] =	wrdreg $0xFFFFFFFF  }
0xad: {  	[dreg:$0x0] =	wrdreg $0x60  }
0xae: {  	[dreg:$0x2] =	wrdreg s24  }
0xaf: {  	[dreg:$0x3] =	wrdreg s2  }
0xb0: {  	[dreg:$0x4] =	wrdreg $0x9  }
0xb1: {  	_ =	task.clear_ibuf [dreg:s7], $0x5FFFF;
	_ =	strace $0x90000046  }
0xb2: {  	s29 =	simm.s32 $0x9;
	_ =	strace $0x80000048  }
0xb3: {  	_ =	swait.ge [sflag:s29], $0x1  }
0xb4: {  	[sflag:s29] =	ssyncadd.s32 $0xFFFFFFFF  }
0xb5: {  	_ =	strace $0x90000048  }
0xb6: {  	_ =	sfence  }
0xb7: {  	s30 =	sld [smem:$0x0];
	_ =	sdelay $0x2  }
0xb8: {  	s31 =	sshll.u32 s1, $0xD;
	s1 =	sshrl.u32 s1, $0x2  }
0xb9: {  	s3 =	sand.u32 $0x4000, s31;
	s1 =	sadd.s32 s1, s30  }
0xba: {  	s0 =	sor.u32 s3, s0;
	s1 =	sshll.u32 s1, $0x11  }
0xbb: {  	s0 =	sor.u32 s1, s0  }
0xbc: {  	s0 =	sadd.s32 $0x8F2B, s0  }
0xbd: {  	[sflag:s0] =	ssyncadd.remote.s32 $0x1  }
0xbe: {  	_ =	sfence.sel $0xFFFF  }
0xbf: {  	[dreg:$0x0] =	wrdreg $0xFFFFFFFF;
	(pc) =	sbr.abs _section_cstart, $3  }
0xc0: {  	[dreg:$0x1] =	wrdreg $0xFFFFFFFF  }
0xc1: {  	_ =	task.clear_ibuf [dreg:s7], $0x2FFFF;
	_ =	strace $0x9FFFFFFF  }
0xc2: {  	(tm) =	ssettm $0x7FFFFFFF  }
0xc3: {  	_ =	shalt  }
tec
execute0_lowered:
.L_overlay_start_1:
0x0: {  	(tag) =	ssettag $0x1  }
0x1: {  	v0 =	vimm.s32 $0x14131211  }
0x2: {  	v1 =	vimm.s32 $0x18171615;
	v2 =	vimm.s32 $0x1C1B1A19;
	v3 =	vimm.s32 $0x1F1E1D  }
0x3: {  	vm0 =	vcmask $0x1F10;
	v4 =	vimm.s32 $0x15141312;
	v5 =	vimm.s32 $0x1D1C1B1A  }
0x4: {  	v6 =	vimm.s32 $0x1001F1E;
	v7 =	vimm.s32 $0x16151413;
	v8 =	vimm.s32 $0x1A191817  }
0x5: {  	v9 =	vimm.s32 $0x1E1D1C1B;
	v10 =	vimm.s32 $0x201001F;
	v11 =	vimm.s32 $0x3020100  }
0x6: {  	v12 =	vimm.s32 $0x1F1E1D1C;
	v53 =	vimm.s32 $0x17161514;
	v13 =	vimm.s32 $0x5040302  }
0x7: {  	v14 =	vimm.s32 $0x6050403;
	v15 =	vimm.s32 $0x32107654;
	vm12 =	vcmask $0x2F10  }
0x8: {  	vm1 =	vcmask $0x3F30;
	vm13 =	vcmask $0x300;
	v20 =	vimm.s32 $0x1E07  }
0x9: {  	v21 =	vimm.s32 $0x2007;
	v22 =	vimm.s32 $0x2207;
	v23 =	vimm.s32 $0x2407  }
0xa: {  	v24 =	vimm.s32 $0x3607;
	v25 =	vimm.s32 $0x3807;
	v26 =	vimm.s32 $0x3A07  }
0xb: {  	v27 =	vimm.s32 $0x3C07;
	v28 =	vimm.s32 $0x1607;
	v29 =	vimm.s32 $0x1807  }
0xc: {  	v30 =	vimm.s32 $0x1A07;
	v31 =	vimm.s32 $0x1C07;
	vm14 =	vcmask $0x704  }
0xd: {  	vm15 =	vcmask $0xB08;
	vm4 =	vcmask $0xF0C;
	vm5 =	vcmask $0x1310  }
0xe: {  	vm6 =	vcmask $0x1714;
	vm7 =	vcmask $0x1B18;
	vm8 =	vcmask $0x1F1C  }
0xf: {  	vm9 =	vcmask $0x2320;
	vm10 =	vcmask $0x2724;
	vm11 =	vcmask $0x2B28  }
0x10: {  	v0 =	vunpack.c.0.s8.s32 v0;
	v1 =	vunpack.c.0.s8.s32 v1;
	v2 =	vunpack.c.0.s8.s32 v2  }
0x11: {  	v3 =	vunpack.c.0.s8.s32 v3;
	v50 =	vunpack.c.0.s8.s32 v4;
	v4 =	vimm.s32 $0x19181716  }
0x12: {  	v5 =	vunpack.c.0.s8.s32 v5;
	v6 =	vunpack.c.0.s8.s32 v6;
	v7 =	vunpack.c.0.s8.s32 v7  }
0x13: {  	v8 =	vunpack.c.0.s8.s32 v8;
	v9 =	vunpack.c.0.s8.s32 v9;
	v10 =	vunpack.c.0.s8.s32 v10  }
0x14: {  	v11 =	vunpack.c.0.s8.s32 v11;
	v12 =	vunpack.c.0.s8.s32 v12;
	v13 =	vunpack.c.0.s8.s32 v13  }
0x15: {  	v54 =	vunpack.c.0.s8.s32 v14;
	v55 =	vunpack.c.l.s4.s8 v15;
	v14 =	vimm.s32 $0x43218765  }
0x16: {  	v15 =	vimm.s32 $0xB0A0908;
	v28 =	vsel vm13, $0x3800, v28;
	v29 =	vsel vm13, $0x3A00, v29  }
0x17: {  	v30 =	vsel vm13, $0x3C00, v30;
	v31 =	vsel vm13, $0x3E00, v31;
	v4 =	vunpack.c.0.s8.s32 v4  }
0x18: {  	v28 =	vsel vm14, $0x3A01, v28;
	v29 =	vsel vm14, $0x3C01, v29;
	v30 =	vsel vm14, $0x3E01, v30  }
0x19: {  	v31 =	vsel vm14, $0x1, v31;
	v0 =	vsel vm0, v1, v0;
	v58 =	vsel vm0, v3, v2  }
0x1a: {  	v59 =	vsel vm0, v6, v5;
	v51 =	vsel vm0, v8, v7;
	v62 =	vsel vm0, v10, v9  }
0x1b: {  	v52 =	vsel vm0, v11, v12;
	v7 =	vimm.s32 $0x1B1A1918;
	v11 =	vimm.s32 $0x4030201  }
0x1c: {  	v1 =	vsel vm0, v2, v1;
	v56 =	vsel vm0, v13, v6;
	v57 =	vunpack.c.0.s8.s32 v55  }
0x1d: {  	v63 =	vsel vm0, v9, v8;
	v2 =	vunpack.c.0.s8.s32 v15;
	v8 =	vimm.s32 $0xE0D0C0B  }
0x1e: {  	v9 =	vimm.s32 $0x3007;
	v15 =	vsel vm13, $0x1E00, v27;
	v27 =	vimm.s32 $0x1407  }
0x1f: {  	v28 =	vsel vm15, $0x3C02, v28;
	v29 =	vsel vm15, $0x3E02, v29;
	v30 =	vsel vm15, $0x2, v30  }
0x20: {  	v31 =	vsel vm15, $0x202, v31;
	[tilespmem:$0x1FF80] =	vst v0;
	v0 =	vsel vm0, v4, v50;
	v7 =	vunpack.c.0.s8.s32 v7  }
0x21: {  	v11 =	vunpack.c.0.s8.s32 v11;
	[tilespmem:$0x1FF30] =	vst v1;
	v61 =	vsel vm0, v5, v4;
	v1 =	vunpack.c.l.s4.s8 v14  }
0x22: {  	v4 =	vimm.s32 $0x54329876;
	v5 =	vimm.s32 $0x6543A987;
	v8 =	vunpack.c.0.s8.s32 v8  }
0x23: {  	v9 =	vsel vm13, $0x1200, v9;
	v14 =	vsel vm13, $0x1C00, v26;
	v26 =	vimm.s32 $0x1207  }
0x24: {  	v27 =	vsel vm13, $0x3600, v27;
	v15 =	vsel vm14, $0x2001, v15;
	v28 =	vsel vm4, $0x3E03, v28  }
0x25: {  	v29 =	vsel vm4, $0x3, v29;
	v30 =	vsel vm4, $0x203, v30;
	v31 =	vsel vm4, $0x403, v31  }
0x26: {  	[tilespmem:$0x1FFA0] =	vst v0;
	v0 =	vunpack.c.0.s8.s32 v53;
	v4 =	vunpack.c.l.s4.s8 v4;
	v5 =	vunpack.c.l.s4.s8 v5  }
0x27: {  	v26 =	vsel vm13, $0x3400, v26;
	v9 =	vsel vm14, $0x1401, v9;
	v14 =	vsel vm14, $0x1E01, v14  }
0x28: {  	v27 =	vsel vm14, $0x3801, v27;
	v15 =	vsel vm15, $0x2202, v15;
	v28 =	vsel vm5, $0x4, v28  }
0x29: {  	v29 =	vsel vm5, $0x204, v29;
	v30 =	vsel vm5, $0x404, v30;
	v31 =	vsel vm5, $0x604, v31  }
0x2a: {  	v11 =	vsel vm0, v11, v3;
	v13 =	vsel vm0, v12, v7;
	v1 =	vunpack.c.0.s8.s32 v1  }
0x2b: {  	v26 =	vsel vm14, $0x3601, v26;
	v9 =	vsel vm15, $0x1602, v9;
	v14 =	vsel vm15, $0x2002, v14  }
0x2c: {  	v27 =	vsel vm15, $0x3A02, v27;
	v15 =	vsel vm4, $0x2403, v15;
	v28 =	vsel vm6, $0x205, v28  }
0x2d: {  	v29 =	vsel vm6, $0x405, v29;
	v30 =	vsel vm6, $0x605, v30;
	v31 =	vsel vm6, $0x805, v31  }
0x2e: {  	v60 =	vsel vm0, v7, v0;
	v0 =	vsel vm0, v54, v10;
	v7 =	vimm.s32 $0xC0B0A09  }
0x2f: {  	[tilespmem:$0x1FF20] =	vst v11;
	v4 =	vunpack.c.0.s8.s32 v4;
	v5 =	vunpack.c.0.s8.s32 v5;
	v11 =	vimm.s32 $0x3407  }
0x30: {  	[tilespmem:$0x1FF70] =	vst v13;
	v13 =	vsel vm13, $0x1A00, v25;
	v25 =	vimm.s32 $0x1007;
	v26 =	vsel vm15, $0x3802, v26  }
0x31: {  	v9 =	vsel vm4, $0x1803, v9;
	v14 =	vsel vm4, $0x2203, v14;
	v27 =	vsel vm4, $0x3C03, v27  }
0x32: {  	v15 =	vsel vm5, $0x2604, v15;
	v28 =	vsel vm7, $0x406, v28;
	v29 =	vsel vm7, $0x606, v29  }
0x33: {  	v30 =	vsel vm7, $0x806, v30;
	v31 =	vsel vm7, $0xA06, v31;
	[tilespmem:$0x1FF50] =	vst v0;
	v0 =	vand.u32 $0xF, v57  }
0x34: {  	v1 =	vand.u32 $0xF, v1;
	v16 =	vunpack.c.0.s8.s32 v7;
	v7 =	vimm.s32 $0xD0C0B0A  }
0x35: {  	v11 =	vsel vm13, $0x1600, v11;
	v25 =	vsel vm13, $0x3200, v25;
	v13 =	vsel vm14, $0x1C01, v13  }
0x36: {  	v26 =	vsel vm4, $0x3A03, v26;
	v9 =	vsel vm5, $0x1A04, v9;
	v14 =	vsel vm5, $0x2404, v14  }
0x37: {  	v27 =	vsel vm5, $0x3E04, v27;
	v15 =	vsel vm6, $0x2805, v15;
	v28 =	vsel vm8, $0x607, v28  }
0x38: {  	v29 =	vsel vm8, $0x807, v29;
	v30 =	vsel vm8, $0xA07, v30;
	v31 =	vsel vm8, $0xC07, v31  }
0x39: {  	v0 =	vsel vm12, v0, v12;
	v1 =	vsel vm12, v1, v3;
	v4 =	vand.u32 $0xF, v4  }
0x3a: {  	v7 =	vunpack.c.0.s8.s32 v7;
	v5 =	vand.u32 $0xF, v5;
	v3 =	vsel vm13, $0x600, v23  }
0x3b: {  	v12 =	vsel vm13, $0x1800, v24;
	v23 =	vimm.s32 $0xC07;
	v24 =	vimm.s32 $0xE07  }
0x3c: {  	v11 =	vsel vm14, $0x1801, v11;
	v25 =	vsel vm14, $0x3401, v25;
	v13 =	vsel vm15, $0x1E02, v13  }
0x3d: {  	v26 =	vsel vm5, $0x3C04, v26;
	v9 =	vsel vm6, $0x1C05, v9;
	v14 =	vsel vm6, $0x2605, v14  }
0x3e: {  	v27 =	vsel vm6, $0x5, v27;
	v15 =	vsel vm7, $0x2A06, v15;
	v28 =	vsel vm9, $0x800, v28  }
0x3f: {  	v29 =	vsel vm9, $0xA00, v29;
	v30 =	vsel vm9, $0xC00, v30;
	v31 =	vsel vm9, $0xE00, v31  }
0x40: {  	v4 =	vsel vm12, v4, v6;
	v5 =	vsel vm12, v5, v10;
	v33 =	vsel vm1, v2, v0  }
0x41: {  	v17 =	vsel vm1, v16, v1;
	v0 =	vsel vm13, $0x0, v20;
	v1 =	vsel vm13, $0x200, v21  }
0x42: {  	v2 =	vsel vm13, $0x400, v22;
	v6 =	vimm.s32 $0x2A07;
	v10 =	vimm.s32 $0x3207  }
0x43: {  	v16 =	vimm.s32 $0x3E07;
	v20 =	vimm.s32 $0x607;
	v21 =	vimm.s32 $0x807  }
0x44: {  	v22 =	vimm.s32 $0xA07;
	v23 =	vsel vm13, $0x2E00, v23;
	v24 =	vsel vm13, $0x3000, v24  }
0x45: {  	v3 =	vsel vm14, $0x801, v3;
	v12 =	vsel vm14, $0x1A01, v12;
	v11 =	vsel vm15, $0x1A02, v11  }
0x46: {  	v25 =	vsel vm15, $0x3602, v25;
	v13 =	vsel vm4, $0x2003, v13;
	v26 =	vsel vm6, $0x3E05, v26  }
0x47: {  	v9 =	vsel vm7, $0x1E06, v9;
	v14 =	vsel vm7, $0x2806, v14;
	v27 =	vsel vm7, $0x206, v27  }
0x48: {  	v15 =	vsel vm8, $0x2C07, v15;
	v28 =	vsel vm10, $0xA01, v28;
	v29 =	vsel vm10, $0xC01, v29  }
0x49: {  	v30 =	vsel vm10, $0xE01, v30;
	v31 =	vsel vm10, $0x1001, v31;
	vm12 =	vcmask $0x2F2C  }
0x4a: {  	v18 =	vsel vm1, v7, v4;
	v19 =	vsel vm1, v8, v5;
	v4 =	vimm.s32 $0x2607  }
0x4b: {  	v5 =	vimm.s32 $0x2807;
	v7 =	vimm.s32 $0x2C07;
	v6 =	vsel vm13, $0xC00, v6  }
0x4c: {  	v8 =	vimm.s32 $0x2E07;
	v10 =	vsel vm13, $0x1400, v10;
	v16 =	vsel vm13, $0x2000, v16  }
0x4d: {  	[tilespmem:$0x1FCE0] =	vst v17;
	v17 =	vimm.s32 $0x7;
	v20 =	vsel vm13, $0x2800, v20;
	v21 =	vsel vm13, $0x2A00, v21  }
0x4e: {  	v22 =	vsel vm13, $0x2C00, v22;
	v0 =	vsel vm14, $0x201, v0;
	v1 =	vsel vm14, $0x401, v1  }
0x4f: {  	v2 =	vsel vm14, $0x601, v2;
	v23 =	vsel vm14, $0x3001, v23;
	v24 =	vsel vm14, $0x3201, v24  }
0x50: {  	v3 =	vsel vm15, $0xA02, v3;
	v12 =	vsel vm15, $0x1C02, v12;
	v11 =	vsel vm4, $0x1C03, v11  }
0x51: {  	v25 =	vsel vm4, $0x3803, v25;
	v13 =	vsel vm5, $0x2204, v13;
	v26 =	vsel vm7, $0x6, v26  }
0x52: {  	v9 =	vsel vm8, $0x2007, v9;
	v14 =	vsel vm8, $0x2A07, v14;
	v27 =	vsel vm8, $0x407, v27  }
0x53: {  	v15 =	vsel vm9, $0x2E00, v15;
	v28 =	vsel vm11, $0xC02, v28;
	v29 =	vsel vm11, $0xE02, v29  }
0x54: {  	v30 =	vsel vm11, $0x1002, v30;
	v31 =	vsel vm11, $0x1202, v31;
	v4 =	vsel vm13, $0x800, v4  }
0x55: {  	[tilespmem:$0x1FCF0] =	vst v18;
	v5 =	vsel vm13, $0xA00, v5;
	v7 =	vsel vm13, $0xE00, v7;
	v8 =	vsel vm13, $0x1000, v8  }
0x56: {  	[tilespmem:$0x1FD00] =	vst v19;
	v17 =	vsel vm13, $0x2200, v17;
	v18 =	vimm.s32 $0x207;
	v19 =	vimm.s32 $0x407  }
0x57: {  	v6 =	vsel vm14, $0xE01, v6;
	v10 =	vsel vm14, $0x1601, v10;
	v16 =	vsel vm14, $0x2201, v16  }
0x58: {  	v20 =	vsel vm14, $0x2A01, v20;
	v21 =	vsel vm14, $0x2C01, v21;
	v22 =	vsel vm14, $0x2E01, v22  }
0x59: {  	v0 =	vsel vm15, $0x402, v0;
	v1 =	vsel vm15, $0x602, v1;
	v2 =	vsel vm15, $0x802, v2  }
0x5a: {  	v23 =	vsel vm15, $0x3202, v23;
	v24 =	vsel vm15, $0x3402, v24;
	v3 =	vsel vm4, $0xC03, v3  }
0x5b: {  	v12 =	vsel vm4, $0x1E03, v12;
	v11 =	vsel vm5, $0x1E04, v11;
	v25 =	vsel vm5, $0x3A04, v25  }
0x5c: {  	v13 =	vsel vm6, $0x2405, v13;
	v26 =	vsel vm8, $0x207, v26;
	v9 =	vsel vm9, $0x2200, v9  }
0x5d: {  	v14 =	vsel vm9, $0x2C00, v14;
	v27 =	vsel vm9, $0x600, v27;
	v15 =	vsel vm10, $0x3001, v15  }
0x5e: {  	v28 =	vsel vm12, $0xE03, v28;
	v29 =	vsel vm12, $0x1003, v29;
	v30 =	vsel vm12, $0x1203, v30  }
0x5f: {  	v31 =	vsel vm12, $0x1403, v31;
	v18 =	vsel vm13, $0x2400, v18;
	v19 =	vsel vm13, $0x2600, v19  }
0x60: {  	v4 =	vsel vm14, $0xA01, v4;
	v5 =	vsel vm14, $0xC01, v5;
	v7 =	vsel vm14, $0x1001, v7  }
0x61: {  	v8 =	vsel vm14, $0x1201, v8;
	v17 =	vsel vm14, $0x2401, v17;
	v6 =	vsel vm15, $0x1002, v6  }
0x62: {  	v10 =	vsel vm15, $0x1802, v10;
	v16 =	vsel vm15, $0x2402, v16;
	v20 =	vsel vm15, $0x2C02, v20  }
0x63: {  	v21 =	vsel vm15, $0x2E02, v21;
	v22 =	vsel vm15, $0x3002, v22;
	v0 =	vsel vm4, $0x603, v0  }
0x64: {  	v1 =	vsel vm4, $0x803, v1;
	v2 =	vsel vm4, $0xA03, v2;
	v23 =	vsel vm4, $0x3403, v23  }
0x65: {  	v24 =	vsel vm4, $0x3603, v24;
	v3 =	vsel vm5, $0xE04, v3;
	v12 =	vsel vm5, $0x2004, v12  }
0x66: {  	v11 =	vsel vm6, $0x2005, v11;
	v25 =	vsel vm6, $0x3C05, v25;
	v13 =	vsel vm7, $0x2606, v13  }
0x67: {  	v26 =	vsel vm9, $0x400, v26;
	v9 =	vsel vm10, $0x2401, v9;
	v14 =	vsel vm10, $0x2E01, v14  }
0x68: {  	v27 =	vsel vm10, $0x801, v27;
	v15 =	vsel vm11, $0x3202, v15;
	vm13 =	vcmask $0x3330  }
0x69: {  	v18 =	vsel vm14, $0x2601, v18;
	v19 =	vsel vm14, $0x2801, v19;
	v4 =	vsel vm15, $0xC02, v4  }
0x6a: {  	v5 =	vsel vm15, $0xE02, v5;
	v7 =	vsel vm15, $0x1202, v7;
	v8 =	vsel vm15, $0x1402, v8  }
0x6b: {  	v17 =	vsel vm15, $0x2602, v17;
	v6 =	vsel vm4, $0x1203, v6;
	v10 =	vsel vm4, $0x1A03, v10  }
0x6c: {  	v16 =	vsel vm4, $0x2603, v16;
	v20 =	vsel vm4, $0x2E03, v20;
	v21 =	vsel vm4, $0x3003, v21  }
0x6d: {  	v22 =	vsel vm4, $0x3203, v22;
	v0 =	vsel vm5, $0x804, v0;
	v1 =	vsel vm5, $0xA04, v1  }
0x6e: {  	v2 =	vsel vm5, $0xC04, v2;
	v23 =	vsel vm5, $0x3604, v23;
	v24 =	vsel vm5, $0x3804, v24  }
0x6f: {  	v3 =	vsel vm6, $0x1005, v3;
	v12 =	vsel vm6, $0x2205, v12;
	v11 =	vsel vm7, $0x2206, v11  }
0x70: {  	v25 =	vsel vm7, $0x3E06, v25;
	v13 =	vsel vm8, $0x2807, v13;
	v26 =	vsel vm10, $0x601, v26  }
0x71: {  	v9 =	vsel vm11, $0x2602, v9;
	v14 =	vsel vm11, $0x3002, v14;
	v27 =	vsel vm11, $0xA02, v27  }
0x72: {  	v15 =	vsel vm12, $0x3403, v15;
	v28 =	vsel vm13, $0x1004, v28;
	v29 =	vsel vm13, $0x1204, v29  }
0x73: {  	v30 =	vsel vm13, $0x1404, v30;
	v31 =	vsel vm13, $0x1604, v31;
	vm14 =	vcmask $0x3734  }
0x74: {  	v18 =	vsel vm15, $0x2802, v18;
	v19 =	vsel vm15, $0x2A02, v19;
	v4 =	vsel vm4, $0xE03, v4  }
0x75: {  	v5 =	vsel vm4, $0x1003, v5;
	v7 =	vsel vm4, $0x1403, v7;
	v8 =	vsel vm4, $0x1603, v8  }
0x76: {  	v17 =	vsel vm4, $0x2803, v17;
	v6 =	vsel vm5, $0x1404, v6;
	v10 =	vsel vm5, $0x1C04, v10  }
0x77: {  	v16 =	vsel vm5, $0x2804, v16;
	v20 =	vsel vm5, $0x3004, v20;
	v21 =	vsel vm5, $0x3204, v21  }
0x78: {  	v22 =	vsel vm5, $0x3404, v22;
	v0 =	vsel vm6, $0xA05, v0;
	v1 =	vsel vm6, $0xC05, v1  }
0x79: {  	v2 =	vsel vm6, $0xE05, v2;
	v23 =	vsel vm6, $0x3805, v23;
	v24 =	vsel vm6, $0x3A05, v24  }
0x7a: {  	v3 =	vsel vm7, $0x1206, v3;
	v12 =	vsel vm7, $0x2406, v12;
	v11 =	vsel vm8, $0x2407, v11  }
0x7b: {  	v25 =	vsel vm8, $0x7, v25;
	v13 =	vsel vm9, $0x2A00, v13;
	v26 =	vsel vm11, $0x802, v26  }
0x7c: {  	v9 =	vsel vm12, $0x2803, v9;
	v14 =	vsel vm12, $0x3203, v14;
	v27 =	vsel vm12, $0xC03, v27  }
0x7d: {  	v15 =	vsel vm13, $0x3604, v15;
	v54 =	vsel vm14, $0x1205, v28;
	v55 =	vsel vm14, $0x1405, v29  }
0x7e: {  	[tilespmem:$0x1FF40] =	vst v56;
	v56 =	vsel vm14, $0x1605, v30;
	v57 =	vsel vm14, $0x1805, v31;
	vm15 =	vcmask $0x3B38  }
0x7f: {  	v18 =	vsel vm4, $0x2A03, v18;
	v19 =	vsel vm4, $0x2C03, v19;
	v4 =	vsel vm5, $0x1004, v4  }
0x80: {  	v5 =	vsel vm5, $0x1204, v5;
	v7 =	vsel vm5, $0x1604, v7;
	v8 =	vsel vm5, $0x1804, v8  }
0x81: {  	v17 =	vsel vm5, $0x2A04, v17;
	v6 =	vsel vm6, $0x1605, v6;
	v10 =	vsel vm6, $0x1E05, v10  }
0x82: {  	v16 =	vsel vm6, $0x2A05, v16;
	v20 =	vsel vm6, $0x3205, v20;
	v21 =	vsel vm6, $0x3405, v21  }
0x83: {  	v22 =	vsel vm6, $0x3605, v22;
	v0 =	vsel vm7, $0xC06, v0;
	v1 =	vsel vm7, $0xE06, v1  }
0x84: {  	v2 =	vsel vm7, $0x1006, v2;
	v23 =	vsel vm7, $0x3A06, v23;
	v24 =	vsel vm7, $0x3C06, v24  }
0x85: {  	v3 =	vsel vm8, $0x1407, v3;
	v12 =	vsel vm8, $0x2607, v12;
	v11 =	vsel vm9, $0x2600, v11  }
0x86: {  	v25 =	vsel vm9, $0x200, v25;
	v13 =	vsel vm10, $0x2C01, v13;
	v26 =	vsel vm12, $0xA03, v26  }
0x87: {  	v9 =	vsel vm13, $0x2A04, v9;
	v14 =	vsel vm13, $0x3404, v14;
	v27 =	vsel vm13, $0xE04, v27  }
0x88: {  	v42 =	vsel vm14, $0x3805, v15;
	v18 =	vsel vm5, $0x2C04, v18;
	v19 =	vsel vm5, $0x2E04, v19  }
0x89: {  	v4 =	vsel vm6, $0x1205, v4;
	v5 =	vsel vm6, $0x1405, v5;
	v7 =	vsel vm6, $0x1805, v7  }
0x8a: {  	v8 =	vsel vm6, $0x1A05, v8;
	v17 =	vsel vm6, $0x2C05, v17;
	v6 =	vsel vm7, $0x1806, v6  }
0x8b: {  	v10 =	vsel vm7, $0x2006, v10;
	v16 =	vsel vm7, $0x2C06, v16;
	v20 =	vsel vm7, $0x3406, v20  }
0x8c: {  	v21 =	vsel vm7, $0x3606, v21;
	v22 =	vsel vm7, $0x3806, v22;
	v0 =	vsel vm8, $0xE07, v0  }
0x8d: {  	v1 =	vsel vm8, $0x1007, v1;
	v2 =	vsel vm8, $0x1207, v2;
	v23 =	vsel vm8, $0x3C07, v23  }
0x8e: {  	v24 =	vsel vm8, $0x3E07, v24;
	v3 =	vsel vm9, $0x1600, v3;
	v12 =	vsel vm9, $0x2800, v12  }
0x8f: {  	v11 =	vsel vm10, $0x2801, v11;
	v25 =	vsel vm10, $0x401, v25;
	v13 =	vsel vm11, $0x2E02, v13  }
0x90: {  	v26 =	vsel vm13, $0xC04, v26;
	v36 =	vsel vm14, $0x2C05, v9;
	v41 =	vsel vm14, $0x3605, v14  }
0x91: {  	v53 =	vsel vm14, $0x1005, v27;
	v42 =	vsel vm15, $0x3A06, v42;
	v18 =	vsel vm6, $0x2E05, v18  }
0x92: {  	v19 =	vsel vm6, $0x3005, v19;
	v4 =	vsel vm7, $0x1406, v4;
	v5 =	vsel vm7, $0x1606, v5  }
0x93: {  	v7 =	vsel vm7, $0x1A06, v7;
	v8 =	vsel vm7, $0x1C06, v8;
	v17 =	vsel vm7, $0x2E06, v17  }
0x94: {  	v6 =	vsel vm8, $0x1A07, v6;
	v10 =	vsel vm8, $0x2207, v10;
	v16 =	vsel vm8, $0x2E07, v16  }
0x95: {  	v20 =	vsel vm8, $0x3607, v20;
	v21 =	vsel vm8, $0x3807, v21;
	v22 =	vsel vm8, $0x3A07, v22  }
0x96: {  	v0 =	vsel vm9, $0x1000, v0;
	v1 =	vsel vm9, $0x1200, v1;
	v2 =	vsel vm9, $0x1400, v2  }
0x97: {  	v23 =	vsel vm9, $0x3E00, v23;
	v24 =	vsel vm9, $0x0, v24;
	v3 =	vsel vm10, $0x1801, v3  }
0x98: {  	v12 =	vsel vm10, $0x2A01, v12;
	v11 =	vsel vm11, $0x2A02, v11;
	v25 =	vsel vm11, $0x602, v25  }
0x99: {  	[tilespmem:$0x1FF10] =	vst v52;
	v13 =	vsel vm12, $0x3003, v13;
	v52 =	vsel vm14, $0xE05, v26;
	v36 =	vsel vm15, $0x2E06, v36  }
0x9a: {  	v41 =	vsel vm15, $0x3806, v41;
	v18 =	vsel vm7, $0x3006, v18;
	v19 =	vsel vm7, $0x3206, v19  }
0x9b: {  	v4 =	vsel vm8, $0x1607, v4;
	v5 =	vsel vm8, $0x1807, v5;
	v7 =	vsel vm8, $0x1C07, v7  }
0x9c: {  	v8 =	vsel vm8, $0x1E07, v8;
	v17 =	vsel vm8, $0x3007, v17;
	v6 =	vsel vm9, $0x1C00, v6  }
0x9d: {  	v10 =	vsel vm9, $0x2400, v10;
	v16 =	vsel vm9, $0x3000, v16;
	v20 =	vsel vm9, $0x3800, v20  }
0x9e: {  	v21 =	vsel vm9, $0x3A00, v21;
	v22 =	vsel vm9, $0x3C00, v22;
	v0 =	vsel vm10, $0x1201, v0  }
0x9f: {  	v1 =	vsel vm10, $0x1401, v1;
	v2 =	vsel vm10, $0x1601, v2;
	v23 =	vsel vm10, $0x1, v23  }
0xa0: {  	v24 =	vsel vm10, $0x201, v24;
	v3 =	vsel vm11, $0x1A02, v3;
	v12 =	vsel vm11, $0x2C02, v12  }
0xa1: {  	v11 =	vsel vm12, $0x2C03, v11;
	v25 =	vsel vm12, $0x803, v25;
	v13 =	vsel vm13, $0x3204, v13  }
0xa2: {  	v18 =	vsel vm8, $0x3207, v18;
	v19 =	vsel vm8, $0x3407, v19;
	v4 =	vsel vm9, $0x1800, v4  }
0xa3: {  	v5 =	vsel vm9, $0x1A00, v5;
	v7 =	vsel vm9, $0x1E00, v7;
	v8 =	vsel vm9, $0x2000, v8  }
0xa4: {  	v17 =	vsel vm9, $0x3200, v17;
	v6 =	vsel vm10, $0x1E01, v6;
	v10 =	vsel vm10, $0x2601, v10  }
0xa5: {  	v16 =	vsel vm10, $0x3201, v16;
	v20 =	vsel vm10, $0x3A01, v20;
	v21 =	vsel vm10, $0x3C01, v21  }
0xa6: {  	v22 =	vsel vm10, $0x3E01, v22;
	v0 =	vsel vm11, $0x1402, v0;
	v1 =	vsel vm11, $0x1602, v1  }
0xa7: {  	v2 =	vsel vm11, $0x1802, v2;
	v23 =	vsel vm11, $0x202, v23;
	v24 =	vsel vm11, $0x402, v24  }
0xa8: {  	v3 =	vsel vm12, $0x1C03, v3;
	v12 =	vsel vm12, $0x2E03, v12;
	v11 =	vsel vm13, $0x2E04, v11  }
0xa9: {  	v25 =	vsel vm13, $0xA04, v25;
	v40 =	vsel vm14, $0x3405, v13;
	v18 =	vsel vm9, $0x3400, v18  }
0xaa: {  	v19 =	vsel vm9, $0x3600, v19;
	v4 =	vsel vm10, $0x1A01, v4;
	v5 =	vsel vm10, $0x1C01, v5  }
0xab: {  	v7 =	vsel vm10, $0x2001, v7;
	v8 =	vsel vm10, $0x2201, v8;
	v17 =	vsel vm10, $0x3401, v17  }
0xac: {  	v6 =	vsel vm11, $0x2002, v6;
	v10 =	vsel vm11, $0x2802, v10;
	v16 =	vsel vm11, $0x3402, v16  }
0xad: {  	v20 =	vsel vm11, $0x3C02, v20;
	v21 =	vsel vm11, $0x3E02, v21;
	v22 =	vsel vm11, $0x2, v22  }
0xae: {  	v0 =	vsel vm12, $0x1603, v0;
	v1 =	vsel vm12, $0x1803, v1;
	v2 =	vsel vm12, $0x1A03, v2  }
0xaf: {  	[tilespmem:$0x1FFD0] =	vst v51;
	v23 =	vsel vm12, $0x403, v23;
	v24 =	vsel vm12, $0x603, v24;
	v3 =	vsel vm13, $0x1E04, v3  }
0xb0: {  	[tilespmem:$0x1FF60] =	vst v63;
	v12 =	vsel vm13, $0x3004, v12;
	v38 =	vsel vm14, $0x3005, v11;
	v51 =	vsel vm14, $0xC05, v25  }
0xb1: {  	[tilespmem:$0x1FE00] =	vst v42;
	v40 =	vsel vm15, $0x3606, v40;
	v25 =	vsel vm15, $0x1A06, v57;
	v18 =	vsel vm10, $0x3601, v18  }
0xb2: {  	[tilespmem:$0x1FDA0] =	vst v36;
	v19 =	vsel vm10, $0x3801, v19;
	v4 =	vsel vm11, $0x1C02, v4;
	v5 =	vsel vm11, $0x1E02, v5  }
0xb3: {  	[tilespmem:$0x1FDF0] =	vst v41;
	v7 =	vsel vm11, $0x2202, v7;
	v8 =	vsel vm11, $0x2402, v8;
	v10 =	vsel vm12, $0x2A03, v10  }
0xb4: {  	v16 =	vsel vm12, $0x3603, v16;
	v20 =	vsel vm12, $0x3E03, v20;
	v21 =	vsel vm12, $0x3, v21;
	[tilespmem:$0x1FDE0] =	vst v40  }
0xb5: {  	v22 =	vsel vm12, $0x203, v22;
	v3 =	vsel vm14, $0x2005, v3;
	v38 =	vsel vm15, $0x3206, v38;
	[tilespmem:$0x1FF00] =	vst v25  }
0xb6: {  	v0 =	vsel vm13, $0x1804, v0;
	v39 =	vsel vm14, $0x3205, v12;
	v30 =	vsel vm15, $0x2206, v3;
	[tilespmem:$0x1FDC0] =	vst v38  }
0xb7: {  	v1 =	vsel vm13, $0x1A04, v1;
	v23 =	vsel vm13, $0x604, v23;
	v39 =	vsel vm15, $0x3406, v39;
	[tilespmem:$0x1FD40] =	vst v30  }
0xb8: {  	v24 =	vsel vm13, $0x804, v24;
	v49 =	vsel vm14, $0x805, v23;
	v23 =	vsel vm15, $0x1606, v55;
	[tilespmem:$0x1FDD0] =	vst v39  }
0xb9: {  	v0 =	vsel vm14, $0x1A05, v0;
	v50 =	vsel vm14, $0xA05, v24;
	v24 =	vsel vm15, $0x1806, v56;
	[tilespmem:$0x1FEE0] =	vst v23  }
0xba: {  	v2 =	vsel vm13, $0x1C04, v2;
	v1 =	vsel vm14, $0x1C05, v1;
	v0 =	vsel vm15, $0x1C06, v0;
	[tilespmem:$0x1FEF0] =	vst v24  }
0xbb: {  	v10 =	vsel vm13, $0x2C04, v10;
	v2 =	vsel vm14, $0x1E05, v2;
	v28 =	vsel vm15, $0x1E06, v1;
	[tilespmem:$0x1FD10] =	vst v0  }
0xbc: {  	v16 =	vsel vm13, $0x3804, v16;
	v20 =	vsel vm13, $0x4, v20;
	v29 =	vsel vm15, $0x2006, v2;
	[tilespmem:$0x1FD20] =	vst v28  }
0xbd: {  	v21 =	vsel vm13, $0x204, v21;
	v47 =	vsel vm14, $0x205, v20;
	v20 =	vsel vm15, $0x1006, v52;
	[tilespmem:$0x1FD30] =	vst v29  }
0xbe: {  	v22 =	vsel vm13, $0x404, v22;
	v63 =	vsel vm14, $0x405, v21;
	v21 =	vsel vm15, $0x1206, v53;
	[tilespmem:$0x1FEB0] =	vst v20  }
0xbf: {  	v37 =	vsel vm14, $0x2E05, v10;
	v48 =	vsel vm14, $0x605, v22;
	v22 =	vsel vm15, $0x1406, v54;
	[tilespmem:$0x1FEC0] =	vst v21  }
0xc0: {  	v17 =	vsel vm11, $0x3602, v17;
	v43 =	vsel vm14, $0x3A05, v16;
	v37 =	vsel vm15, $0x3006, v37;
	[tilespmem:$0x1FED0] =	vst v22  }
0xc1: {  	v4 =	vsel vm12, $0x1E03, v4;
	v5 =	vsel vm12, $0x2003, v5;
	v43 =	vsel vm15, $0x3C06, v43;
	[tilespmem:$0x1FDB0] =	vst v37  }
0xc2: {  	v7 =	vsel vm12, $0x2403, v7;
	v8 =	vsel vm12, $0x2603, v8;
	v14 =	vsel vm15, $0x406, v47;
	[tilespmem:$0x1FE10] =	vst v43  }
0xc3: {  	v17 =	vsel vm12, $0x3803, v17;
	v4 =	vsel vm13, $0x2004, v4;
	v15 =	vsel vm15, $0x606, v63;
	[tilespmem:$0x1FE50] =	vst v14  }
0xc4: {  	v5 =	vsel vm13, $0x2204, v5;
	v17 =	vsel vm13, $0x3A04, v17;
	v16 =	vsel vm15, $0x806, v48;
	[tilespmem:$0x1FE60] =	vst v15  }
0xc5: {  	v4 =	vsel vm14, $0x2205, v4;
	v44 =	vsel vm14, $0x3C05, v17;
	v17 =	vsel vm15, $0xA06, v49;
	[tilespmem:$0x1FE70] =	vst v16  }
0xc6: {  	v7 =	vsel vm13, $0x2604, v7;
	v32 =	vsel vm14, $0x2405, v5;
	v31 =	vsel vm15, $0x2406, v4;
	[tilespmem:$0x1FE80] =	vst v17  }
0xc7: {  	v8 =	vsel vm13, $0x2804, v8;
	v34 =	vsel vm14, $0x2805, v7;
	v32 =	vsel vm15, $0x2606, v32;
	[tilespmem:$0x1FD50] =	vst v31  }
0xc8: {  	v18 =	vsel vm11, $0x3802, v18;
	v35 =	vsel vm14, $0x2A05, v8;
	v34 =	vsel vm15, $0x2A06, v34;
	[tilespmem:$0x1FD60] =	vst v32  }
0xc9: {  	v19 =	vsel vm11, $0x3A02, v19;
	v18 =	vsel vm12, $0x3A03, v18;
	v35 =	vsel vm15, $0x2C06, v35;
	[tilespmem:$0x1FD80] =	vst v34  }
0xca: {  	v19 =	vsel vm12, $0x3C03, v19;
	v18 =	vsel vm13, $0x3C04, v18;
	v44 =	vsel vm15, $0x3E06, v44;
	[tilespmem:$0x1FD90] =	vst v35  }
0xcb: {  	v19 =	vsel vm13, $0x3E04, v19;
	v45 =	vsel vm14, $0x3E05, v18;
	v18 =	vsel vm15, $0xC06, v50;
	[tilespmem:$0x1FE20] =	vst v44  }
0xcc: {  	v6 =	vsel vm12, $0x2203, v6;
	v46 =	vsel vm14, $0x5, v19;
	v19 =	vsel vm15, $0xE06, v51;
	[tilespmem:$0x1FE90] =	vst v18  }
0xcd: {  	v27 =	vld [tilespmem:$0x1FF10];
	v6 =	vsel vm13, $0x2404, v6;
	v12 =	vsel vm15, $0x6, v45;
	[tilespmem:$0x1FEA0] =	vst v19  }
0xce: {  	s5 =	rddreg [dreg:$0x0];
	v5 =	vmov v33;
	v33 =	vsel vm14, $0x2605, v6;
	v13 =	vsel vm15, $0x206, v46;
	[tilespmem:$0x1FE30] =	vst v12  }
0xcf: {  	s6 =	rddreg [dreg:$0x1];
	s1 =	simm.s32 $0x0;
	v33 =	vsel vm15, $0x2806, v33;
	[tilespmem:$0x1FE40] =	vst v13  }
0xd0: {  	[smem:$0x7FF] =	sst s1;
	[tilespmem:$0x1FD70] =	vst v33  }
0xd1: {  	s0 =	rddreg [dreg:$0x2];
	v26 =	vimm.s32 $0x76543210;
	_ =	strace $0x80000047  }
0xd2: {  	v52 =	vcombine.low v60, v27;
	v28 =	vimm.s32 $0x87654321;
	v4 =	vlaneseq.u32;
	v29 =	vld [tilespmem:$0x1FF20]  }
0xd3: {  	v0 =	vunpack.c.l.s4.s8 v26;
	v1 =	vunpack.c.l.s4.s8 v28;
	v41 =	vadd.s32 $0x1, v4;
	v30 =	vld [tilespmem:$0x1FF30]  }
0xd4: {  	v42 =	vadd.s32 $0x2, v4;
	v43 =	vadd.s32 $0x3, v4;
	v34 =	vimm.s32 $0x98765432;
	v31 =	vld [tilespmem:$0x1FF40]  }
0xd5: {  	v44 =	vadd.s32 $0x4, v4;
	v45 =	vadd.s32 $0x5, v4;
	v2 =	vunpack.c.l.s4.s8 v34;
	v6 =	vld [tilespmem:$0x1FF70]  }
0xd6: {  	s3 =	srdreg.scid;
	v46 =	vadd.s32 $0x6, v4;
	v47 =	vadd.s32 $0x7, v4;
	v48 =	vadd.s32 $0x8, v4;
	v37 =	vld [tilespmem:$0x1FF80]  }
0xd7: {  	s2 =	stileid.u32;
	s10 =	simm.s32 $0x5;
	s11 =	simm.s32 $0x6400;
	v49 =	vadd.s32 $0x9, v4;
	v1 =	vunpack.c.0.s8.s32 v1;
	v2 =	vunpack.c.0.s8.s32 v2;
	v38 =	vld [tilespmem:$0x1FFA0]  }
0xd8: {  	s12 =	simm.s32 $0xC800;
	s13 =	simm.s32 $0x10800;
	s14 =	simm.s32 $0x1;
	v50 =	vadd.s32 $0xA, v4;
	v51 =	vadd.s32 $0xB, v4;
	v0 =	vunpack.c.0.s8.s32 v0;
	v63 =	vld [tilespmem:$0x1FFD0]  }
0xd9: {  	s15 =	simm.s32 $0x14800;
	s16 =	simm.s32 $0x2;
	s17 =	simm.s32 $0x18800;
	v35 =	vimm.s32 $0xA9876543;
	v1 =	vand.u32 $0xF, v1;
	v32 =	vld [tilespmem:$0x1FF50];
	v39 =	vand.u32 $0xF, v2  }
0xda: {  	s18 =	simm.s32 $0x3;
	s19 =	simm.s32 $0x4;
	s20 =	simm.s32 $0x0;
	v36 =	vunpack.c.l.s4.s8 v35;
	v33 =	vld [tilespmem:$0x1FF60];
	v60 =	vcombine.low v58, v1;
	v1 =	vcombine.low v59, v39  }
0xdb: {  	s28 =	simm.s32 $0x0;
	s3 =	sand.u32 $0x1, s3;
	s4 =	sshll.u32 s2, $0xA;
	v56 =	vadd.s32 $0xC, v4;
	[tilespmem:$0x1FFF0] =	vst v5;
	v57 =	vcombine.low v6, v0;
	v3 =	vcombine.low v37, v58  }
0xdc: {  	s7 =	ssub.s32 $0x2, s3;
	s8 =	sshll.u32 s3, $0x9;
	s3 =	sadd.s32 $0xF42A00, s5;
	[tilespmem:$0x1FFB0] =	vst v1;
	v0 =	vunpack.c.0.s8.s32 v36;
	v58 =	vcombine.low v38, v59;
	v59 =	vadd.s32 $0xF, v4  }
0xdd: {  	s5 =	sadd.s32 $0x600, s5;
	s9 =	sshrl.u32 s7, $0x1;
	s4 =	sor.u32 s8, s4;
	v40 =	vadd.s32 $0xD, v4;
	v8 =	vor.u32 $0x10, v4;
	v1 =	vcombine.low v63, v62;
	[tilespmem:$0x1FFC0] =	vst v59  }
0xde: {  	s7 =	ssub.s32 s7, s9;
	s8 =	sshrl.u32 s4, $0x3;
	s9 =	simm.s32 $0x4000;
	v53 =	vcombine.low v30, v29;
	v54 =	vcombine.low v61, v31;
	[tilespmem:$0x1FF90] =	vst v3;
	v0 =	vand.u32 $0xF, v0  }
0xdf: {  	s6 =	sadd.s32 s6, s8;
	s7 =	smax.u32 s7, $0x1;
	s8 =	simm.s32 $0x200;
	v55 =	vcombine.low v33, v32;
	v61 =	vadd.s32 $0xE, v4;
	[tilespmem:$0x1FFE0] =	vst v1;
	v7 =	vcombine.low v62, v0  }
.LBB2_1:
0xe0: {  	[tilespmem:s1], [sflag:$0x5] =	stream.strided.gather [hbm4b:s6+s8], $0x6400, s9, s8, $0x38;
	[tilespmem:$0x1C800] =	vst v63  }
0xe1: {  	_ =	swait.ge [sflag:s10], $0x6400  }
0xe2: {  	[sflag:s10] =	ssyncset.done $0x0  }
0xe3: {  	s21 =	simm.s32 $0x0;
	[sflag:s10] =	ssyncadd.s32 $0xFFFF9C00  }
0xe4: {  	v0 =	vld [tilespmem:s21+$0x1F0]  }
0xe5: {  	v1 =	vld [tilespmem:s21+$0x0]  }
0xe6: {  	v2 =	vld [tilespmem:s21+$0x10]  }
0xe7: {  	v3 =	vld [tilespmem:s21+$0x20]  }
0xe8: {  	v4 =	vld [tilespmem:s21+$0x30]  }
0xe9: {  	v5 =	vld [tilespmem:s21+$0x40];
	[tilespmem:s21+$0x65F0] =	vst v0  }
0xea: {  	[tilespmem:s21+$0x6400] =	vst v1;
	v0 =	vld [tilespmem:s21+$0x50]  }
0xeb: {  	[tilespmem:s21+$0x6410] =	vst v2;
	v1 =	vld [tilespmem:s21+$0x60]  }
0xec: {  	[tilespmem:s21+$0x6420] =	vst v3;
	v2 =	vld [tilespmem:s21+$0x70]  }
0xed: {  	[tilespmem:s21+$0x6430] =	vst v4;
	v3 =	vld [tilespmem:s21+$0x80]  }
0xee: {  	[tilespmem:s21+$0x6440] =	vst v5;
	v4 =	vld [tilespmem:s21+$0x90]  }
0xef: {  	v5 =	vld [tilespmem:s21+$0x190];
	[tilespmem:s21+$0x6450] =	vst v0  }
0xf0: {  	v0 =	vld [tilespmem:s21+$0xA0];
	[tilespmem:s21+$0x6460] =	vst v1  }
0xf1: {  	v1 =	vld [tilespmem:s21+$0xB0];
	[tilespmem:s21+$0x6470] =	vst v2  }
0xf2: {  	v2 =	vld [tilespmem:s21+$0xC0];
	[tilespmem:s21+$0x6480] =	vst v3  }
0xf3: {  	v3 =	vld [tilespmem:s21+$0xD0];
	[tilespmem:s21+$0x6490] =	vst v4  }
0xf4: {  	v4 =	vld [tilespmem:s21+$0xE0];
	[tilespmem:s21+$0x6590] =	vst v5  }
0xf5: {  	[tilespmem:s21+$0x64A0] =	vst v0;
	v0 =	vld [tilespmem:s21+$0xF0]  }
0xf6: {  	[tilespmem:s21+$0x64B0] =	vst v1;
	v1 =	vld [tilespmem:s21+$0x100]  }
0xf7: {  	[tilespmem:s21+$0x64C0] =	vst v2;
	v2 =	vld [tilespmem:s21+$0x110]  }
0xf8: {  	[tilespmem:s21+$0x64D0] =	vst v3;
	v3 =	vld [tilespmem:s21+$0x120]  }
0xf9: {  	[tilespmem:s21+$0x64E0] =	vst v4;
	v4 =	vld [tilespmem:s21+$0x130]  }
0xfa: {  	[tilespmem:s21+$0x64F0] =	vst v0;
	v0 =	vld [tilespmem:s21+$0x140]  }
0xfb: {  	[tilespmem:s21+$0x6500] =	vst v1;
	v1 =	vld [tilespmem:s21+$0x150]  }
0xfc: {  	[tilespmem:s21+$0x6510] =	vst v2;
	v2 =	vld [tilespmem:s21+$0x160]  }
0xfd: {  	[tilespmem:s21+$0x6520] =	vst v3;
	v3 =	vld [tilespmem:s21+$0x170]  }
0xfe: {  	[tilespmem:s21+$0x6530] =	vst v4;
	v4 =	vld [tilespmem:s21+$0x180]  }
0xff: {  	[tilespmem:s21+$0x6540] =	vst v0;
	v0 =	vld [tilespmem:s21+$0x1A0]  }
0x100: {  	[tilespmem:s21+$0x6550] =	vst v1;
	v1 =	vld [tilespmem:s21+$0x1B0]  }
0x101: {  	[tilespmem:s21+$0x6560] =	vst v2;
	v2 =	vld [tilespmem:s21+$0x1C0]  }
0x102: {  	[tilespmem:s21+$0x6570] =	vst v3;
	v3 =	vld [tilespmem:s21+$0x1D0]  }
0x103: {  	s23 =	simm.s32 $0x200;
	s22 =	simm.s32 $0x1000;
	[tilespmem:s21+$0x6580] =	vst v4;
	v4 =	vld [tilespmem:s21+$0x1E0]  }
.LBB2_2:
0x104: {  	p0 =	sne.s32 s22, $0x18800;
	v5 =	vld [tilespmem:s23+$0x1F0];
	[tilespmem:s21+$0x65A0] =	vst v0  }
0x105: {  	v0 =	vld [tilespmem:s23+$0x0];
	[tilespmem:s21+$0x65B0] =	vst v1  }
0x106: {  	v1 =	vld [tilespmem:s23+$0x10];
	[tilespmem:s21+$0x65C0] =	vst v2  }
0x107: {  	v2 =	vld [tilespmem:s23+$0x20];
	[tilespmem:s21+$0x65D0] =	vst v3  }
0x108: {  	v3 =	vld [tilespmem:s23+$0x30];
	[tilespmem:s21+$0x65E0] =	vst v4;
	s21 =	smov.u32 s23  }
0x109: {  	v4 =	vld [tilespmem:s21+$0x40];
	[tilespmem:s21+$0x65F0] =	vst v5  }
0x10a: {  	[tilespmem:s21+$0x6400] =	vst v0;
	v0 =	vld [tilespmem:s21+$0x50]  }
0x10b: {  	[tilespmem:s21+$0x6410] =	vst v1;
	v1 =	vld [tilespmem:s21+$0x60]  }
0x10c: {  	[tilespmem:s21+$0x6420] =	vst v2;
	v2 =	vld [tilespmem:s21+$0x70]  }
0x10d: {  	[tilespmem:s21+$0x6430] =	vst v3;
	v3 =	vld [tilespmem:s21+$0x80]  }
0x10e: {  	[tilespmem:s21+$0x6440] =	vst v4;
	v4 =	vld [tilespmem:s21+$0x90]  }
0x10f: {  	[tilespmem:s21+$0x6450] =	vst v0;
	v0 =	vld [tilespmem:s21+$0xA0]  }
0x110: {  	[tilespmem:s21+$0x6460] =	vst v1;
	v1 =	vld [tilespmem:s21+$0xB0]  }
0x111: {  	[tilespmem:s21+$0x6470] =	vst v2;
	v2 =	vld [tilespmem:s21+$0xC0]  }
0x112: {  	[tilespmem:s21+$0x6480] =	vst v3;
	v3 =	vld [tilespmem:s21+$0xD0]  }
0x113: {  	[tilespmem:s21+$0x6490] =	vst v4;
	v4 =	vld [tilespmem:s21+$0xE0]  }
0x114: {  	[tilespmem:s21+$0x64A0] =	vst v0;
	v0 =	vld [tilespmem:s21+$0xF0]  }
0x115: {  	[tilespmem:s21+$0x64B0] =	vst v1;
	v1 =	vld [tilespmem:s21+$0x100]  }
0x116: {  	[tilespmem:s21+$0x64C0] =	vst v2;
	v2 =	vld [tilespmem:s21+$0x110]  }
0x117: {  	[tilespmem:s21+$0x64D0] =	vst v3;
	v3 =	vld [tilespmem:s21+$0x120]  }
0x118: {  	[tilespmem:s21+$0x64E0] =	vst v4;
	v4 =	vld [tilespmem:s21+$0x130]  }
0x119: {  	[tilespmem:s21+$0x64F0] =	vst v0;
	v0 =	vld [tilespmem:s21+$0x140]  }
0x11a: {  	[tilespmem:s21+$0x6500] =	vst v1;
	v1 =	vld [tilespmem:s21+$0x150]  }
0x11b: {  	[tilespmem:s21+$0x6510] =	vst v2;
	v2 =	vld [tilespmem:s21+$0x160]  }
0x11c: {  	[tilespmem:s21+$0x6520] =	vst v3;
	v3 =	vld [tilespmem:s21+$0x170]  }
0x11d: {  	[tilespmem:s21+$0x6530] =	vst v4;
	v4 =	vld [tilespmem:s21+$0x180]  }
0x11e: {  	[tilespmem:s21+$0x6540] =	vst v0;
	v5 =	vld [tilespmem:s21+$0x190]  }
.Ltmp0:
0x11f: {  	[tilespmem:s21+$0x6550] =	vst v1;
	v0 =	vld [tilespmem:s21+$0x1A0];
	(pc) =	sbr.rel @p0 .LBB2_2-.Ltmp0, $4  }
0x120: {  	[tilespmem:s21+$0x6560] =	vst v2;
	v1 =	vld [tilespmem:s21+$0x1B0]  }
0x121: {  	[tilespmem:s21+$0x6570] =	vst v3;
	v2 =	vld [tilespmem:s21+$0x1C0]  }
0x122: {  	[tilespmem:s21+$0x6580] =	vst v4;
	v3 =	vld [tilespmem:s21+$0x1D0]  }
0x123: {  	s23 =	sshra.s32 s22, $0x2;
	s22 =	sadd.s32 $0x800, s22;
	[tilespmem:s21+$0x6590] =	vst v5;
	v4 =	vld [tilespmem:s21+$0x1E0]  }
0x124: {  	v5 =	vld [tilespmem:s23+$0x1F0]  }
0x125: {  	v9 =	vld [tilespmem:$0x1FFF0]  }
0x126: {  	v11 =	vld [tilespmem:$0x1FD30]  }
0x127: {  	v12 =	vld [tilespmem:$0x1FD40]  }
0x128: {  	v13 =	vld [tilespmem:$0x1FD50]  }
0x129: {  	v14 =	vld [tilespmem:$0x1FD60]  }
0x12a: {  	v15 =	vld [tilespmem:$0x1FD70]  }
0x12b: {  	v16 =	vld [tilespmem:$0x1FD80]  }
0x12c: {  	v17 =	vld [tilespmem:$0x1FD90]  }
0x12d: {  	v18 =	vld [tilespmem:$0x1FDA0]  }
0x12e: {  	v19 =	vld [tilespmem:$0x1FDB0]  }
0x12f: {  	v20 =	vld [tilespmem:$0x1FDC0]  }
0x130: {  	v21 =	vld [tilespmem:$0x1FDD0]  }
0x131: {  	v22 =	vld [tilespmem:$0x1FDE0]  }
0x132: {  	v23 =	vld [tilespmem:$0x1FDF0]  }
0x133: {  	v24 =	vld [tilespmem:$0x1FE00]  }
0x134: {  	v25 =	vld [tilespmem:$0x1FE10]  }
0x135: {  	v26 =	vld [tilespmem:$0x1FE20]  }
0x136: {  	v27 =	vld [tilespmem:$0x1FE30]  }
0x137: {  	v28 =	vld [tilespmem:$0x1FE40]  }
0x138: {  	v29 =	vld [tilespmem:$0x1FE50]  }
0x139: {  	v30 =	vld [tilespmem:$0x1FE60]  }
0x13a: {  	v31 =	vld [tilespmem:$0x1FE70]  }
0x13b: {  	[tilespmem:s21+$0x65A0] =	vst v0;
	v6 =	vld [tilespmem:$0x1FFE0]  }
0x13c: {  	v0 =	vld [tilespmem:s23+$0x0];
	[tilespmem:s21+$0x65B0] =	vst v1  }
0x13d: {  	v1 =	vld [tilespmem:s23+$0x10];
	[tilespmem:s21+$0x65C0] =	vst v2  }
0x13e: {  	v2 =	vld [tilespmem:s23+$0x20];
	[tilespmem:s21+$0x65D0] =	vst v3  }
0x13f: {  	v3 =	vld [tilespmem:s23+$0x30];
	[tilespmem:s21+$0x65E0] =	vst v4  }
0x140: {  	v4 =	vld [tilespmem:s23+$0x40]  }
0x141: {  	v38 =	vld [tilespmem:s23+$0x50]  }
0x142: {  	v39 =	vld [tilespmem:s23+$0x60]  }
0x143: {  	v59 =	vld [tilespmem:s23+$0x70]  }
0x144: {  	v62 =	vld [tilespmem:s23+$0xA0]  }
0x145: {  	[tilespmem:s23+$0x65F0] =	vst v5;
	v63 =	vld [tilespmem:s23+$0xB0]  }
0x146: {  	v32 =	vld [tilespmem:s23+$0xC0];
	[tilespmem:s23+$0x6400] =	vst v0  }
0x147: {  	v33 =	vld [tilespmem:s23+$0xF0];
	[tilespmem:s23+$0x6410] =	vst v1  }
0x148: {  	v34 =	vld [tilespmem:s23+$0x100];
	[tilespmem:s23+$0x6420] =	vst v2  }
0x149: {  	v35 =	vld [tilespmem:s23+$0x110];
	[tilespmem:s23+$0x6430] =	vst v3  }
0x14a: {  	v3 =	vld [tilespmem:s23+$0x80];
	[tilespmem:s23+$0x6440] =	vst v4  }
0x14b: {  	v4 =	vld [tilespmem:s23+$0x90];
	[tilespmem:s23+$0x6450] =	vst v38  }
0x14c: {  	v36 =	vld [tilespmem:s23+$0x140];
	[tilespmem:s23+$0x6460] =	vst v39  }
0x14d: {  	v37 =	vld [tilespmem:s23+$0x150];
	[tilespmem:s23+$0x6470] =	vst v59  }
0x14e: {  	v5 =	vld [tilespmem:$0x1FFB0];
	[tilespmem:s23+$0x64A0] =	vst v62  }
0x14f: {  	[tilespmem:s23+$0x6480] =	vst v3;
	v3 =	vld [tilespmem:s23+$0xD0]  }
0x150: {  	[tilespmem:s23+$0x6490] =	vst v4;
	v4 =	vld [tilespmem:s23+$0xE0]  }
0x151: {  	[tilespmem:s23+$0x64B0] =	vst v63;
	v38 =	vld [tilespmem:s23+$0x160]  }
0x152: {  	[tilespmem:s23+$0x64C0] =	vst v32;
	v39 =	vld [tilespmem:s23+$0x190]  }
0x153: {  	[tilespmem:s23+$0x64F0] =	vst v33;
	v59 =	vld [tilespmem:s23+$0x1A0]  }
0x154: {  	[tilespmem:s23+$0x64D0] =	vst v3;
	v3 =	vld [tilespmem:s23+$0x120]  }
0x155: {  	[tilespmem:s23+$0x64E0] =	vst v4;
	v4 =	vld [tilespmem:s23+$0x130]  }
0x156: {  	[tilespmem:s23+$0x6500] =	vst v34;
	v62 =	vld [tilespmem:s23+$0x1B0]  }
0x157: {  	[tilespmem:s23+$0x6510] =	vst v35;
	v63 =	vld [tilespmem:s23+$0x1E0]  }
0x158: {  	[tilespmem:s23+$0x6540] =	vst v36;
	v32 =	vld [tilespmem:$0x1FE80]  }
0x159: {  	[tilespmem:s23+$0x6520] =	vst v3;
	v3 =	vld [tilespmem:s23+$0x170]  }
0x15a: {  	[tilespmem:s23+$0x6530] =	vst v4;
	v4 =	vld [tilespmem:s23+$0x180]  }
0x15b: {  	[tilespmem:s23+$0x6550] =	vst v37;
	v33 =	vld [tilespmem:$0x1FE90]  }
0x15c: {  	v34 =	vld [tilespmem:$0x1FEA0];
	[tilespmem:s23+$0x6560] =	vst v38  }
0x15d: {  	v35 =	vld [tilespmem:$0x1FEB0];
	[tilespmem:s23+$0x6590] =	vst v39  }
0x15e: {  	[tilespmem:s23+$0x6570] =	vst v3;
	v3 =	vld [tilespmem:s23+$0x1C0]  }
0x15f: {  	[tilespmem:s23+$0x6580] =	vst v4;
	v4 =	vld [tilespmem:s23+$0x1D0]  }
0x160: {  	v36 =	vld [tilespmem:$0x1FEC0];
	[tilespmem:s23+$0x65A0] =	vst v59  }
0x161: {  	v37 =	vld [tilespmem:$0x1FED0];
	[tilespmem:s23+$0x65B0] =	vst v62  }
0x162: {  	[tilespmem:s23+$0x65E0] =	vst v63;
	v38 =	vld [tilespmem:$0x1FEE0]  }
0x163: {  	v39 =	vld [tilespmem:$0x1FEF0];
	[tilespmem:s23+$0x65C0] =	vst v3  }
0x164: {  	s22 =	simm.s32 $0x0;
	s21 =	simm.s32 $0x0;
	v59 =	vld [tilespmem:$0x1FF90];
	[tilespmem:s23+$0x65D0] =	vst v4  }
0x165: {  	v10 =	vlaneseq.u32;
	v63 =	vld [tilespmem:$0x1FFC0];
	[tilespmem:s12], [sflag:$0x1] =	stream.indirect.gather [hbm4b:s3+s8], $0x20, s11, s8, $0xb8  }
.LBB2_4:
0x166: {  	s23 =	sshll.u32 s22, $0xA  }
0x167: {  	s23 =	sand.u32 $0x3FFFFC00, s23  }
0x168: {  	s24 =	sadd.s32 $0x6600, s23  }
0x169: {  	[tilespmem:s13], [sflag:$0x2] =	stream.indirect.gather [hbm4b:s3+s8], $0x20, s24, s8, $0xb8;
	[tilespmem:$0x1C800] =	vst v63  }
0x16a: {  	_ =	swait.ge [sflag:s14], $0x4000  }
0x16b: {  	p0 =	seq.s32 s22, $0x0;
	[sflag:s14] =	ssyncset.done $0x0  }
0x16c: {  	v0 =	vor.u32 s21, v10;
	s24 =	simm.s32 @!p0 $0x3;
	[sflag:s14] =	ssyncadd.s32 $0xFFFFC000  }
0x16d: {  	v1 =	vshll.u32 v0, $0x5;
	_ =	swait.ge @!p0 [sflag:s24], $0x4000  }
0x16e: {  	v2 =	vor.u32 v10, v1;
	v3 =	vld [tilespmem:$0x1FD10];
	_ =	sdelay $0x2  }
0x16f: {  	[sflag:s24] =	ssyncset.done @!p0 $0x0  }
0x170: {  	v0 =	vand.u32 $0x1F8, v0;
	[sflag:s24] =	ssyncadd.s32 @!p0 $0xFFFFC000  }
0x171: {  	v2 =	vld.idx.msk [tilespmem:v2+s12+$0x0], $0xffff;
	v3 =	vor.u32 v3, v0;
	_ =	sdelay $0x4  }
0x172: {  	v4 =	vor.u32 v41, v1;
	[tilespmem:v3+s15+$0x0] =	vst.idx.msk $0xffff, v2;
	v3 =	vld [tilespmem:$0x1FD20];
	_ =	sdelay $0x4  }
0x173: {  	v2 =	vld.idx.msk [tilespmem:v4+s12+$0x0], $0xffff;
	v3 =	vor.u32 v3, v0  }
0x174: {  	v4 =	vor.u32 v42, v1;
	_ =	sdelay $0x3  }
0x175: {  	[tilespmem:v3+s15+$0x0] =	vst.idx.msk $0xffff, v2  }
0x176: {  	v3 =	vor.u32 v11, v0;
	v2 =	vld.idx.msk [tilespmem:v4+s12+$0x0], $0xffff  }
0x177: {  	v4 =	vor.u32 v43, v1;
	_ =	sdelay $0x3  }
0x178: {  	[tilespmem:v3+s15+$0x0] =	vst.idx.msk $0xffff, v2  }
0x179: {  	v3 =	vor.u32 v12, v0;
	v2 =	vld.idx.msk [tilespmem:v4+s12+$0x0], $0xffff  }
0x17a: {  	v4 =	vor.u32 v44, v1;
	_ =	sdelay $0x3  }
0x17b: {  	[tilespmem:v3+s15+$0x0] =	vst.idx.msk $0xffff, v2  }
0x17c: {  	v3 =	vor.u32 v13, v0;
	v2 =	vld.idx.msk [tilespmem:v4+s12+$0x0], $0xffff  }
0x17d: {  	v4 =	vor.u32 v45, v1;
	_ =	sdelay $0x3  }
0x17e: {  	[tilespmem:v3+s15+$0x0] =	vst.idx.msk $0xffff, v2  }
0x17f: {  	v3 =	vor.u32 v14, v0;
	v2 =	vld.idx.msk [tilespmem:v4+s12+$0x0], $0xffff  }
0x180: {  	v4 =	vor.u32 v46, v1;
	_ =	sdelay $0x3  }
0x181: {  	[tilespmem:v3+s15+$0x0] =	vst.idx.msk $0xffff, v2  }
0x182: {  	v3 =	vor.u32 v15, v0;
	v2 =	vld.idx.msk [tilespmem:v4+s12+$0x0], $0xffff  }
0x183: {  	v4 =	vor.u32 v47, v1;
	_ =	sdelay $0x3  }
0x184: {  	[tilespmem:v3+s15+$0x0] =	vst.idx.msk $0xffff, v2  }
0x185: {  	v3 =	vor.u32 v16, v0;
	v2 =	vld.idx.msk [tilespmem:v4+s12+$0x0], $0xffff  }
0x186: {  	v4 =	vor.u32 v48, v1;
	_ =	sdelay $0x3  }
0x187: {  	[tilespmem:v3+s15+$0x0] =	vst.idx.msk $0xffff, v2  }
0x188: {  	v3 =	vor.u32 v17, v0;
	v2 =	vld.idx.msk [tilespmem:v4+s12+$0x0], $0xffff  }
0x189: {  	v4 =	vor.u32 v49, v1;
	_ =	sdelay $0x3  }
0x18a: {  	[tilespmem:v3+s15+$0x0] =	vst.idx.msk $0xffff, v2  }
0x18b: {  	v3 =	vor.u32 v18, v0;
	v2 =	vld.idx.msk [tilespmem:v4+s12+$0x0], $0xffff  }
0x18c: {  	v4 =	vor.u32 v50, v1;
	_ =	sdelay $0x3  }
0x18d: {  	[tilespmem:v3+s15+$0x0] =	vst.idx.msk $0xffff, v2  }
0x18e: {  	v3 =	vor.u32 v19, v0;
	v2 =	vld.idx.msk [tilespmem:v4+s12+$0x0], $0xffff  }
0x18f: {  	v4 =	vor.u32 v51, v1;
	_ =	sdelay $0x3  }
0x190: {  	[tilespmem:v3+s15+$0x0] =	vst.idx.msk $0xffff, v2  }
0x191: {  	v3 =	vor.u32 v20, v0;
	v2 =	vld.idx.msk [tilespmem:v4+s12+$0x0], $0xffff  }
0x192: {  	v4 =	vor.u32 v56, v1;
	_ =	sdelay $0x3  }
0x193: {  	[tilespmem:v3+s15+$0x0] =	vst.idx.msk $0xffff, v2  }
0x194: {  	v3 =	vor.u32 v21, v0;
	v2 =	vld.idx.msk [tilespmem:v4+s12+$0x0], $0xffff  }
0x195: {  	v4 =	vor.u32 v40, v1;
	_ =	sdelay $0x3  }
0x196: {  	[tilespmem:v3+s15+$0x0] =	vst.idx.msk $0xffff, v2  }
0x197: {  	v3 =	vor.u32 v22, v0;
	v2 =	vld.idx.msk [tilespmem:v4+s12+$0x0], $0xffff  }
0x198: {  	v4 =	vor.u32 v61, v1;
	_ =	sdelay $0x3  }
0x199: {  	[tilespmem:v3+s15+$0x0] =	vst.idx.msk $0xffff, v2  }
0x19a: {  	v3 =	vor.u32 v23, v0;
	v2 =	vld.idx.msk [tilespmem:v4+s12+$0x0], $0xffff  }
0x19b: {  	v4 =	vor.u32 v63, v1;
	_ =	sdelay $0x3  }
0x19c: {  	[tilespmem:v3+s15+$0x0] =	vst.idx.msk $0xffff, v2  }
0x19d: {  	v3 =	vor.u32 v24, v0;
	v2 =	vld.idx.msk [tilespmem:v4+s12+$0x0], $0xffff  }
0x19e: {  	v4 =	vor.u32 v8, v1;
	_ =	sdelay $0x3  }
0x19f: {  	[tilespmem:v3+s15+$0x0] =	vst.idx.msk $0xffff, v2  }
0x1a0: {  	v3 =	vor.u32 v25, v0;
	v2 =	vld.idx.msk [tilespmem:v4+s12+$0x0], $0xffff  }
0x1a1: {  	v4 =	vor.u32 v59, v1;
	_ =	sdelay $0x3  }
0x1a2: {  	[tilespmem:v3+s15+$0x0] =	vst.idx.msk $0xffff, v2  }
0x1a3: {  	v3 =	vor.u32 v26, v0;
	v2 =	vld.idx.msk [tilespmem:v4+s12+$0x0], $0xffff  }
0x1a4: {  	v4 =	vor.u32 v58, v1;
	_ =	sdelay $0x3  }
0x1a5: {  	[tilespmem:v3+s15+$0x0] =	vst.idx.msk $0xffff, v2  }
0x1a6: {  	v3 =	vor.u32 v27, v0;
	v2 =	vld.idx.msk [tilespmem:v4+s12+$0x0], $0xffff  }
0x1a7: {  	v4 =	vor.u32 v6, v1;
	_ =	sdelay $0x3  }
0x1a8: {  	[tilespmem:v3+s15+$0x0] =	vst.idx.msk $0xffff, v2  }
0x1a9: {  	v3 =	vor.u32 v28, v0;
	v2 =	vld.idx.msk [tilespmem:v4+s12+$0x0], $0xffff  }
0x1aa: {  	v4 =	vor.u32 v52, v1;
	_ =	sdelay $0x3  }
0x1ab: {  	[tilespmem:v3+s15+$0x0] =	vst.idx.msk $0xffff, v2  }
0x1ac: {  	v3 =	vor.u32 v29, v0;
	v2 =	vld.idx.msk [tilespmem:v4+s12+$0x0], $0xffff  }
0x1ad: {  	v4 =	vor.u32 v53, v1;
	_ =	sdelay $0x3  }
0x1ae: {  	[tilespmem:v3+s15+$0x0] =	vst.idx.msk $0xffff, v2  }
0x1af: {  	v3 =	vor.u32 v30, v0;
	v2 =	vld.idx.msk [tilespmem:v4+s12+$0x0], $0xffff  }
0x1b0: {  	v4 =	vor.u32 v54, v1;
	_ =	sdelay $0x3  }
0x1b1: {  	[tilespmem:v3+s15+$0x0] =	vst.idx.msk $0xffff, v2  }
0x1b2: {  	v3 =	vor.u32 v31, v0;
	v2 =	vld.idx.msk [tilespmem:v4+s12+$0x0], $0xffff  }
0x1b3: {  	v4 =	vor.u32 v55, v1;
	_ =	sdelay $0x3  }
0x1b4: {  	[tilespmem:v3+s15+$0x0] =	vst.idx.msk $0xffff, v2  }
0x1b5: {  	v3 =	vor.u32 v32, v0;
	v2 =	vld.idx.msk [tilespmem:v4+s12+$0x0], $0xffff  }
0x1b6: {  	v4 =	vor.u32 v57, v1;
	_ =	sdelay $0x3  }
0x1b7: {  	[tilespmem:v3+s15+$0x0] =	vst.idx.msk $0xffff, v2  }
0x1b8: {  	v3 =	vor.u32 v33, v0;
	v2 =	vld.idx.msk [tilespmem:v4+s12+$0x0], $0xffff  }
0x1b9: {  	v4 =	vor.u32 v60, v1;
	_ =	sdelay $0x3  }
0x1ba: {  	[tilespmem:v3+s15+$0x0] =	vst.idx.msk $0xffff, v2  }
0x1bb: {  	v3 =	vor.u32 v34, v0;
	v2 =	vld.idx.msk [tilespmem:v4+s12+$0x0], $0xffff  }
0x1bc: {  	v4 =	vor.u32 v5, v1;
	_ =	sdelay $0x3  }
0x1bd: {  	[tilespmem:v3+s15+$0x0] =	vst.idx.msk $0xffff, v2  }
0x1be: {  	v3 =	vor.u32 v35, v0;
	v2 =	vld.idx.msk [tilespmem:v4+s12+$0x0], $0xffff  }
0x1bf: {  	v4 =	vor.u32 v7, v1;
	_ =	sdelay $0x3  }
0x1c0: {  	[tilespmem:v3+s15+$0x0] =	vst.idx.msk $0xffff, v2  }
0x1c1: {  	v3 =	vor.u32 v36, v0;
	v2 =	vld.idx.msk [tilespmem:v4+s12+$0x0], $0xffff  }
0x1c2: {  	v4 =	vor.u32 v9, v1;
	_ =	sdelay $0x3  }
0x1c3: {  	[tilespmem:v3+s15+$0x0] =	vst.idx.msk $0xffff, v2  }
0x1c4: {  	v2 =	vld.idx.msk [tilespmem:v4+s12+$0x0], $0xffff  }
0x1c5: {  	v4 =	vld [tilespmem:$0x1FCE0];
	_ =	sdelay $0x3  }
0x1c6: {  	v3 =	vor.u32 v37, v0  }
0x1c7: {  	v4 =	vor.u32 v4, v1;
	_ =	sdelay $0x3  }
0x1c8: {  	[tilespmem:v3+s15+$0x0] =	vst.idx.msk $0xffff, v2  }
0x1c9: {  	v2 =	vld.idx.msk [tilespmem:v4+s12+$0x0], $0xffff  }
0x1ca: {  	v4 =	vld [tilespmem:$0x1FCF0];
	_ =	sdelay $0x3  }
0x1cb: {  	v3 =	vor.u32 v38, v0  }
0x1cc: {  	v4 =	vor.u32 v4, v1;
	_ =	sdelay $0x3  }
0x1cd: {  	[tilespmem:v3+s15+$0x0] =	vst.idx.msk $0xffff, v2  }
0x1ce: {  	v2 =	vld.idx.msk [tilespmem:v4+s12+$0x0], $0xffff  }
0x1cf: {  	v4 =	vld [tilespmem:$0x1FD00];
	_ =	sdelay $0x3  }
0x1d0: {  	v3 =	vor.u32 v39, v0  }
0x1d1: {  	v1 =	vor.u32 v4, v1  }
0x1d2: {  	v62 =	vmov v58;
	v58 =	vmov v40;
	v40 =	vld [tilespmem:$0x1FF00];
	_ =	sdelay $0x2  }
0x1d3: {  	s25 =	simm.s32 $0x10;
	[tilespmem:v3+s15+$0x0] =	vst.idx.msk $0xffff, v2  }
0x1d4: {  	s24 =	sshll.u32 s22, $0x1;
	v2 =	vor.u32 s25, v10;
	s25 =	simm.s32 $0x20;
	v3 =	vld.idx.msk [tilespmem:v1+s12+$0x0], $0xffff  }
.LBB2_5:
0x1d5: {  	v0 =	vor.u32 v40, v0;
	_ =	sdelay $0x3  }
0x1d6: {  	v1 =	vshll.u32 v2, $0x5;
	v4 =	vlaneseq.u32  }
0x1d7: {  	v4 =	vor.u32 v4, v1;
	[tilespmem:v0+s15+$0x0] =	vst.idx.msk $0xffff, v3;
	v0 =	vand.u32 $0x1F8, v2;
	v2 =	vld [tilespmem:$0x1FD10];
	_ =	sdelay $0x4  }
0x1d8: {  	v3 =	vld.idx.msk [tilespmem:v4+s12+$0x0], $0xffff;
	v2 =	vor.u32 v2, v0;
	_ =	sdelay $0x4  }
0x1d9: {  	v4 =	vor.u32 v41, v1;
	[tilespmem:v2+s15+$0x0] =	vst.idx.msk $0xffff, v3;
	v3 =	vld [tilespmem:$0x1FD20];
	_ =	sdelay $0x4  }
0x1da: {  	v2 =	vld.idx.msk [tilespmem:v4+s12+$0x0], $0xffff;
	v3 =	vor.u32 v3, v0  }
0x1db: {  	v4 =	vor.u32 v42, v1;
	_ =	sdelay $0x3  }
0x1dc: {  	[tilespmem:v3+s15+$0x0] =	vst.idx.msk $0xffff, v2  }
0x1dd: {  	v3 =	vor.u32 v11, v0;
	v2 =	vld.idx.msk [tilespmem:v4+s12+$0x0], $0xffff  }
0x1de: {  	v4 =	vor.u32 v43, v1;
	_ =	sdelay $0x3  }
0x1df: {  	[tilespmem:v3+s15+$0x0] =	vst.idx.msk $0xffff, v2  }
0x1e0: {  	v3 =	vor.u32 v12, v0;
	v2 =	vld.idx.msk [tilespmem:v4+s12+$0x0], $0xffff  }
0x1e1: {  	v4 =	vor.u32 v44, v1;
	_ =	sdelay $0x3  }
0x1e2: {  	[tilespmem:v3+s15+$0x0] =	vst.idx.msk $0xffff, v2  }
0x1e3: {  	v3 =	vor.u32 v13, v0;
	v2 =	vld.idx.msk [tilespmem:v4+s12+$0x0], $0xffff  }
0x1e4: {  	v4 =	vor.u32 v45, v1;
	_ =	sdelay $0x3  }
0x1e5: {  	[tilespmem:v3+s15+$0x0] =	vst.idx.msk $0xffff, v2  }
0x1e6: {  	v3 =	vor.u32 v14, v0;
	v2 =	vld.idx.msk [tilespmem:v4+s12+$0x0], $0xffff  }
0x1e7: {  	v4 =	vor.u32 v46, v1;
	_ =	sdelay $0x3  }
0x1e8: {  	[tilespmem:v3+s15+$0x0] =	vst.idx.msk $0xffff, v2  }
0x1e9: {  	v3 =	vor.u32 v15, v0;
	v2 =	vld.idx.msk [tilespmem:v4+s12+$0x0], $0xffff  }
0x1ea: {  	v4 =	vor.u32 v47, v1;
	_ =	sdelay $0x3  }
0x1eb: {  	[tilespmem:v3+s15+$0x0] =	vst.idx.msk $0xffff, v2  }
0x1ec: {  	v3 =	vor.u32 v16, v0;
	v2 =	vld.idx.msk [tilespmem:v4+s12+$0x0], $0xffff  }
0x1ed: {  	v4 =	vor.u32 v48, v1;
	_ =	sdelay $0x3  }
0x1ee: {  	[tilespmem:v3+s15+$0x0] =	vst.idx.msk $0xffff, v2  }
0x1ef: {  	v3 =	vor.u32 v17, v0;
	v2 =	vld.idx.msk [tilespmem:v4+s12+$0x0], $0xffff  }
0x1f0: {  	v4 =	vor.u32 v49, v1;
	_ =	sdelay $0x3  }
0x1f1: {  	[tilespmem:v3+s15+$0x0] =	vst.idx.msk $0xffff, v2  }
0x1f2: {  	v3 =	vor.u32 v18, v0;
	v2 =	vld.idx.msk [tilespmem:v4+s12+$0x0], $0xffff  }
0x1f3: {  	v4 =	vor.u32 v50, v1;
	_ =	sdelay $0x3  }
0x1f4: {  	[tilespmem:v3+s15+$0x0] =	vst.idx.msk $0xffff, v2  }
0x1f5: {  	v3 =	vor.u32 v19, v0;
	v2 =	vld.idx.msk [tilespmem:v4+s12+$0x0], $0xffff  }
0x1f6: {  	v4 =	vor.u32 v51, v1;
	_ =	sdelay $0x3  }
0x1f7: {  	[tilespmem:v3+s15+$0x0] =	vst.idx.msk $0xffff, v2  }
0x1f8: {  	v3 =	vor.u32 v20, v0;
	v2 =	vld.idx.msk [tilespmem:v4+s12+$0x0], $0xffff  }
0x1f9: {  	v4 =	vor.u32 v56, v1;
	_ =	sdelay $0x3  }
0x1fa: {  	[tilespmem:v3+s15+$0x0] =	vst.idx.msk $0xffff, v2  }
0x1fb: {  	v3 =	vor.u32 v21, v0;
	v2 =	vld.idx.msk [tilespmem:v4+s12+$0x0], $0xffff  }
0x1fc: {  	v4 =	vor.u32 v58, v1;
	_ =	sdelay $0x3  }
0x1fd: {  	[tilespmem:v3+s15+$0x0] =	vst.idx.msk $0xffff, v2  }
0x1fe: {  	v3 =	vor.u32 v22, v0;
	v2 =	vld.idx.msk [tilespmem:v4+s12+$0x0], $0xffff  }
0x1ff: {  	v4 =	vor.u32 v61, v1;
	_ =	sdelay $0x3  }
0x200: {  	[tilespmem:v3+s15+$0x0] =	vst.idx.msk $0xffff, v2  }
0x201: {  	v3 =	vor.u32 v23, v0;
	v2 =	vld.idx.msk [tilespmem:v4+s12+$0x0], $0xffff  }
0x202: {  	v4 =	vor.u32 v63, v1;
	_ =	sdelay $0x3  }
0x203: {  	[tilespmem:v3+s15+$0x0] =	vst.idx.msk $0xffff, v2  }
0x204: {  	v3 =	vor.u32 v24, v0;
	v2 =	vld.idx.msk [tilespmem:v4+s12+$0x0], $0xffff  }
0x205: {  	v4 =	vor.u32 v8, v1;
	_ =	sdelay $0x3  }
0x206: {  	[tilespmem:v3+s15+$0x0] =	vst.idx.msk $0xffff, v2  }
0x207: {  	v3 =	vor.u32 v25, v0;
	v2 =	vld.idx.msk [tilespmem:v4+s12+$0x0], $0xffff  }
0x208: {  	v4 =	vor.u32 v59, v1;
	_ =	sdelay $0x3  }
0x209: {  	[tilespmem:v3+s15+$0x0] =	vst.idx.msk $0xffff, v2  }
0x20a: {  	v3 =	vor.u32 v26, v0;
	v2 =	vld.idx.msk [tilespmem:v4+s12+$0x0], $0xffff  }
0x20b: {  	v4 =	vor.u32 v62, v1;
	_ =	sdelay $0x3  }
0x20c: {  	[tilespmem:v3+s15+$0x0] =	vst.idx.msk $0xffff, v2  }
0x20d: {  	v3 =	vor.u32 v27, v0;
	v2 =	vld.idx.msk [tilespmem:v4+s12+$0x0], $0xffff  }
0x20e: {  	v4 =	vor.u32 v6, v1;
	_ =	sdelay $0x3  }
0x20f: {  	[tilespmem:v3+s15+$0x0] =	vst.idx.msk $0xffff, v2  }
0x210: {  	v3 =	vor.u32 v28, v0;
	v2 =	vld.idx.msk [tilespmem:v4+s12+$0x0], $0xffff  }
0x211: {  	v4 =	vor.u32 v52, v1;
	_ =	sdelay $0x3  }
0x212: {  	[tilespmem:v3+s15+$0x0] =	vst.idx.msk $0xffff, v2  }
0x213: {  	v3 =	vor.u32 v29, v0;
	v2 =	vld.idx.msk [tilespmem:v4+s12+$0x0], $0xffff  }
0x214: {  	v4 =	vor.u32 v53, v1;
	_ =	sdelay $0x3  }
0x215: {  	[tilespmem:v3+s15+$0x0] =	vst.idx.msk $0xffff, v2  }
0x216: {  	v3 =	vor.u32 v30, v0;
	v2 =	vld.idx.msk [tilespmem:v4+s12+$0x0], $0xffff  }
0x217: {  	v4 =	vor.u32 v54, v1;
	_ =	sdelay $0x3  }
0x218: {  	[tilespmem:v3+s15+$0x0] =	vst.idx.msk $0xffff, v2  }
0x219: {  	v3 =	vor.u32 v31, v0;
	v2 =	vld.idx.msk [tilespmem:v4+s12+$0x0], $0xffff  }
0x21a: {  	v4 =	vor.u32 v55, v1;
	_ =	sdelay $0x3  }
0x21b: {  	[tilespmem:v3+s15+$0x0] =	vst.idx.msk $0xffff, v2  }
0x21c: {  	v3 =	vor.u32 v32, v0;
	v2 =	vld.idx.msk [tilespmem:v4+s12+$0x0], $0xffff  }
0x21d: {  	v4 =	vor.u32 v57, v1;
	_ =	sdelay $0x3  }
0x21e: {  	[tilespmem:v3+s15+$0x0] =	vst.idx.msk $0xffff, v2  }
0x21f: {  	v3 =	vor.u32 v33, v0;
	v2 =	vld.idx.msk [tilespmem:v4+s12+$0x0], $0xffff  }
0x220: {  	v4 =	vor.u32 v60, v1;
	_ =	sdelay $0x3  }
0x221: {  	[tilespmem:v3+s15+$0x0] =	vst.idx.msk $0xffff, v2  }
0x222: {  	v3 =	vor.u32 v34, v0;
	v2 =	vld.idx.msk [tilespmem:v4+s12+$0x0], $0xffff  }
0x223: {  	v4 =	vor.u32 v5, v1;
	_ =	sdelay $0x3  }
0x224: {  	[tilespmem:v3+s15+$0x0] =	vst.idx.msk $0xffff, v2  }
0x225: {  	v3 =	vor.u32 v35, v0;
	v2 =	vld.idx.msk [tilespmem:v4+s12+$0x0], $0xffff  }
0x226: {  	v4 =	vor.u32 v7, v1;
	_ =	sdelay $0x3  }
0x227: {  	[tilespmem:v3+s15+$0x0] =	vst.idx.msk $0xffff, v2  }
0x228: {  	v3 =	vor.u32 v36, v0;
	v2 =	vld.idx.msk [tilespmem:v4+s12+$0x0], $0xffff  }
0x229: {  	v4 =	vor.u32 v9, v1;
	_ =	sdelay $0x3  }
0x22a: {  	[tilespmem:v3+s15+$0x0] =	vst.idx.msk $0xffff, v2  }
0x22b: {  	v2 =	vld.idx.msk [tilespmem:v4+s12+$0x0], $0xffff  }
0x22c: {  	v4 =	vld [tilespmem:$0x1FCE0];
	_ =	sdelay $0x3  }
0x22d: {  	v3 =	vor.u32 v37, v0  }
0x22e: {  	v4 =	vor.u32 v4, v1;
	_ =	sdelay $0x3  }
0x22f: {  	[tilespmem:v3+s15+$0x0] =	vst.idx.msk $0xffff, v2  }
0x230: {  	v2 =	vld.idx.msk [tilespmem:v4+s12+$0x0], $0xffff  }
0x231: {  	v4 =	vld [tilespmem:$0x1FCF0];
	_ =	sdelay $0x3  }
0x232: {  	v3 =	vor.u32 v38, v0  }
0x233: {  	v4 =	vor.u32 v4, v1  }
0x234: {  	v10 =	vld [tilespmem:$0x1FD00];
	_ =	sdelay $0x2  }
0x235: {  	[tilespmem:v3+s15+$0x0] =	vst.idx.msk $0xffff, v2  }
0x236: {  	v3 =	vor.u32 v39, v0;
	v2 =	vld.idx.msk [tilespmem:v4+s12+$0x0], $0xffff  }
0x237: {  	p1 =	sne.s32 s25, $0x1F0;
	v1 =	vor.u32 v10, v1  }
.Ltmp1:
0x238: {  	_ = 	snop;
	(pc) =	sbr.rel @p1 .LBB2_5-.Ltmp1, $3  }
0x239: {  	_ =	sdelay $0x1  }
0x23a: {  	v4 =	vlaneseq.u32;
	[tilespmem:v3+s15+$0x0] =	vst.idx.msk $0xffff, v2  }
0x23b: {  	v2 =	vor.u32 s25, v4;
	s25 =	sadd.s32 $0x10, s25;
	v3 =	vld.idx.msk [tilespmem:v1+s12+$0x0], $0xffff  }
0x23c: {  	v0 =	vor.u32 v40, v0;
	_ =	sdelay $0x3  }
0x23d: {  	v1 =	vshll.u32 v2, $0x5;
	v4 =	vlaneseq.u32  }
0x23e: {  	v4 =	vor.u32 v4, v1;
	[tilespmem:v0+s15+$0x0] =	vst.idx.msk $0xffff, v3;
	v3 =	vld [tilespmem:$0x1FD10];
	_ =	sdelay $0x3  }
0x23f: {  	v0 =	vand.u32 $0x1F8, v2  }
0x240: {  	v2 =	vld.idx.msk [tilespmem:v4+s12+$0x0], $0xffff;
	v3 =	vor.u32 v3, v0;
	_ =	sdelay $0x4  }
0x241: {  	v4 =	vor.u32 v41, v1;
	[tilespmem:v3+s15+$0x0] =	vst.idx.msk $0xffff, v2;
	v3 =	vld [tilespmem:$0x1FD20];
	_ =	sdelay $0x4  }
0x242: {  	v2 =	vld.idx.msk [tilespmem:v4+s12+$0x0], $0xffff;
	v3 =	vor.u32 v3, v0  }
0x243: {  	v4 =	vor.u32 v42, v1;
	_ =	sdelay $0x3  }
0x244: {  	[tilespmem:v3+s15+$0x0] =	vst.idx.msk $0xffff, v2  }
0x245: {  	v3 =	vor.u32 v11, v0;
	v2 =	vld.idx.msk [tilespmem:v4+s12+$0x0], $0xffff  }
0x246: {  	v4 =	vor.u32 v43, v1;
	_ =	sdelay $0x3  }
0x247: {  	[tilespmem:v3+s15+$0x0] =	vst.idx.msk $0xffff, v2  }
0x248: {  	v3 =	vor.u32 v12, v0;
	v2 =	vld.idx.msk [tilespmem:v4+s12+$0x0], $0xffff  }
0x249: {  	v4 =	vor.u32 v44, v1;
	_ =	sdelay $0x3  }
0x24a: {  	[tilespmem:v3+s15+$0x0] =	vst.idx.msk $0xffff, v2  }
0x24b: {  	v3 =	vor.u32 v13, v0;
	v2 =	vld.idx.msk [tilespmem:v4+s12+$0x0], $0xffff  }
0x24c: {  	v4 =	vor.u32 v45, v1;
	_ =	sdelay $0x3  }
0x24d: {  	[tilespmem:v3+s15+$0x0] =	vst.idx.msk $0xffff, v2  }
0x24e: {  	v3 =	vor.u32 v14, v0;
	v2 =	vld.idx.msk [tilespmem:v4+s12+$0x0], $0xffff  }
0x24f: {  	v4 =	vor.u32 v46, v1;
	_ =	sdelay $0x3  }
0x250: {  	[tilespmem:v3+s15+$0x0] =	vst.idx.msk $0xffff, v2  }
0x251: {  	v3 =	vor.u32 v15, v0;
	v2 =	vld.idx.msk [tilespmem:v4+s12+$0x0], $0xffff  }
0x252: {  	v4 =	vor.u32 v47, v1;
	_ =	sdelay $0x3  }
0x253: {  	[tilespmem:v3+s15+$0x0] =	vst.idx.msk $0xffff, v2  }
0x254: {  	v3 =	vor.u32 v16, v0;
	v2 =	vld.idx.msk [tilespmem:v4+s12+$0x0], $0xffff  }
0x255: {  	v4 =	vor.u32 v48, v1;
	_ =	sdelay $0x3  }
0x256: {  	[tilespmem:v3+s15+$0x0] =	vst.idx.msk $0xffff, v2  }
0x257: {  	v3 =	vor.u32 v17, v0;
	v2 =	vld.idx.msk [tilespmem:v4+s12+$0x0], $0xffff  }
0x258: {  	v4 =	vor.u32 v49, v1;
	_ =	sdelay $0x3  }
0x259: {  	[tilespmem:v3+s15+$0x0] =	vst.idx.msk $0xffff, v2  }
0x25a: {  	v3 =	vor.u32 v18, v0;
	v2 =	vld.idx.msk [tilespmem:v4+s12+$0x0], $0xffff  }
0x25b: {  	v4 =	vor.u32 v50, v1;
	_ =	sdelay $0x3  }
0x25c: {  	[tilespmem:v3+s15+$0x0] =	vst.idx.msk $0xffff, v2  }
0x25d: {  	v3 =	vor.u32 v19, v0;
	v2 =	vld.idx.msk [tilespmem:v4+s12+$0x0], $0xffff  }
0x25e: {  	v4 =	vor.u32 v51, v1;
	_ =	sdelay $0x3  }
0x25f: {  	[tilespmem:v3+s15+$0x0] =	vst.idx.msk $0xffff, v2  }
0x260: {  	v3 =	vor.u32 v20, v0;
	v2 =	vld.idx.msk [tilespmem:v4+s12+$0x0], $0xffff  }
0x261: {  	v4 =	vor.u32 v56, v1;
	_ =	sdelay $0x3  }
0x262: {  	[tilespmem:v3+s15+$0x0] =	vst.idx.msk $0xffff, v2  }
0x263: {  	v3 =	vor.u32 v21, v0;
	v2 =	vld.idx.msk [tilespmem:v4+s12+$0x0], $0xffff  }
0x264: {  	v4 =	vor.u32 v58, v1;
	_ =	sdelay $0x3  }
0x265: {  	[tilespmem:v3+s15+$0x0] =	vst.idx.msk $0xffff, v2  }
0x266: {  	v3 =	vor.u32 v22, v0;
	v2 =	vld.idx.msk [tilespmem:v4+s12+$0x0], $0xffff  }
0x267: {  	v4 =	vor.u32 v61, v1;
	_ =	sdelay $0x3  }
0x268: {  	[tilespmem:v3+s15+$0x0] =	vst.idx.msk $0xffff, v2  }
0x269: {  	v3 =	vor.u32 v23, v0;
	v2 =	vld.idx.msk [tilespmem:v4+s12+$0x0], $0xffff  }
0x26a: {  	v4 =	vor.u32 v63, v1;
	_ =	sdelay $0x3  }
0x26b: {  	[tilespmem:v3+s15+$0x0] =	vst.idx.msk $0xffff, v2  }
0x26c: {  	v3 =	vor.u32 v24, v0;
	v2 =	vld.idx.msk [tilespmem:v4+s12+$0x0], $0xffff  }
0x26d: {  	v4 =	vor.u32 v8, v1;
	_ =	sdelay $0x3  }
0x26e: {  	[tilespmem:v3+s15+$0x0] =	vst.idx.msk $0xffff, v2  }
0x26f: {  	v3 =	vor.u32 v25, v0;
	v2 =	vld.idx.msk [tilespmem:v4+s12+$0x0], $0xffff  }
0x270: {  	v4 =	vor.u32 v59, v1;
	_ =	sdelay $0x3  }
0x271: {  	[tilespmem:v3+s15+$0x0] =	vst.idx.msk $0xffff, v2  }
0x272: {  	v3 =	vor.u32 v26, v0;
	v2 =	vld.idx.msk [tilespmem:v4+s12+$0x0], $0xffff  }
0x273: {  	v4 =	vor.u32 v62, v1;
	_ =	sdelay $0x3  }
0x274: {  	[tilespmem:v3+s15+$0x0] =	vst.idx.msk $0xffff, v2  }
0x275: {  	v3 =	vor.u32 v27, v0;
	v2 =	vld.idx.msk [tilespmem:v4+s12+$0x0], $0xffff  }
0x276: {  	v4 =	vor.u32 v6, v1;
	_ =	sdelay $0x3  }
0x277: {  	[tilespmem:v3+s15+$0x0] =	vst.idx.msk $0xffff, v2  }
0x278: {  	v3 =	vor.u32 v28, v0;
	v2 =	vld.idx.msk [tilespmem:v4+s12+$0x0], $0xffff  }
0x279: {  	v4 =	vor.u32 v52, v1;
	_ =	sdelay $0x3  }
0x27a: {  	[tilespmem:v3+s15+$0x0] =	vst.idx.msk $0xffff, v2  }
0x27b: {  	v3 =	vor.u32 v29, v0;
	v2 =	vld.idx.msk [tilespmem:v4+s12+$0x0], $0xffff  }
0x27c: {  	v4 =	vor.u32 v53, v1;
	_ =	sdelay $0x3  }
0x27d: {  	[tilespmem:v3+s15+$0x0] =	vst.idx.msk $0xffff, v2  }
0x27e: {  	v3 =	vor.u32 v30, v0;
	v2 =	vld.idx.msk [tilespmem:v4+s12+$0x0], $0xffff  }
0x27f: {  	v4 =	vor.u32 v54, v1;
	_ =	sdelay $0x3  }
0x280: {  	[tilespmem:v3+s15+$0x0] =	vst.idx.msk $0xffff, v2  }
0x281: {  	v3 =	vor.u32 v31, v0;
	v2 =	vld.idx.msk [tilespmem:v4+s12+$0x0], $0xffff  }
0x282: {  	v4 =	vor.u32 v55, v1;
	_ =	sdelay $0x3  }
0x283: {  	[tilespmem:v3+s15+$0x0] =	vst.idx.msk $0xffff, v2  }
0x284: {  	v3 =	vor.u32 v32, v0;
	v2 =	vld.idx.msk [tilespmem:v4+s12+$0x0], $0xffff  }
0x285: {  	v4 =	vor.u32 v57, v1;
	_ =	sdelay $0x3  }
0x286: {  	[tilespmem:v3+s15+$0x0] =	vst.idx.msk $0xffff, v2  }
0x287: {  	v3 =	vor.u32 v33, v0;
	v2 =	vld.idx.msk [tilespmem:v4+s12+$0x0], $0xffff  }
0x288: {  	v4 =	vor.u32 v60, v1;
	_ =	sdelay $0x3  }
0x289: {  	[tilespmem:v3+s15+$0x0] =	vst.idx.msk $0xffff, v2  }
0x28a: {  	v3 =	vor.u32 v34, v0;
	v2 =	vld.idx.msk [tilespmem:v4+s12+$0x0], $0xffff  }
0x28b: {  	v4 =	vor.u32 v5, v1;
	_ =	sdelay $0x3  }
0x28c: {  	[tilespmem:v3+s15+$0x0] =	vst.idx.msk $0xffff, v2  }
0x28d: {  	v3 =	vor.u32 v35, v0;
	v2 =	vld.idx.msk [tilespmem:v4+s12+$0x0], $0xffff  }
0x28e: {  	v4 =	vor.u32 v7, v1;
	_ =	sdelay $0x3  }
0x28f: {  	[tilespmem:v3+s15+$0x0] =	vst.idx.msk $0xffff, v2  }
0x290: {  	v3 =	vor.u32 v36, v0;
	v2 =	vld.idx.msk [tilespmem:v4+s12+$0x0], $0xffff  }
0x291: {  	v4 =	vor.u32 v9, v1;
	_ =	sdelay $0x3  }
0x292: {  	[tilespmem:v3+s15+$0x0] =	vst.idx.msk $0xffff, v2  }
0x293: {  	v2 =	vld.idx.msk [tilespmem:v4+s12+$0x0], $0xffff  }
0x294: {  	v4 =	vld [tilespmem:$0x1FCE0];
	_ =	sdelay $0x3  }
0x295: {  	v3 =	vor.u32 v37, v0  }
0x296: {  	v4 =	vor.u32 v4, v1  }
0x297: {  	v10 =	vld [tilespmem:$0x1FCF0];
	_ =	sdelay $0x2  }
0x298: {  	[tilespmem:v3+s15+$0x0] =	vst.idx.msk $0xffff, v2  }
0x299: {  	v3 =	vor.u32 v38, v0;
	v2 =	vld.idx.msk [tilespmem:v4+s12+$0x0], $0xffff  }
0x29a: {  	v4 =	vor.u32 v10, v1;
	_ =	sdelay $0x3  }
0x29b: {  	[tilespmem:v3+s15+$0x0] =	vst.idx.msk $0xffff, v2  }
0x29c: {  	v2 =	vld.idx.msk [tilespmem:v4+s12+$0x0], $0xffff  }
0x29d: {  	v4 =	vld [tilespmem:$0x1FD00];
	_ =	sdelay $0x3  }
0x29e: {  	v3 =	vor.u32 v39, v0  }
0x29f: {  	v1 =	vor.u32 v4, v1;
	_ =	sdelay $0x3  }
0x2a0: {  	[tilespmem:v3+s15+$0x0] =	vst.idx.msk $0xffff, v2  }
0x2a1: {  	v0 =	vor.u32 v40, v0;
	v1 =	vld.idx.msk [tilespmem:v1+s12+$0x0], $0xffff;
	_ =	sdelay $0x1  }
0x2a2: {  	s25 =	sshll.u32 s22, $0x14  }
0x2a3: {  	s25 =	sor.u32 s4, s25  }
0x2a4: {  	s24 =	sor.u32 $0x1, s24;
	s25 =	sshrl.u32 s25, $0x3  }
0x2a5: {  	p1 =	sgt.u32 s24, $0x30;
	s25 =	sadd.s32 s5, s25;
	[tilespmem:v0+s15+$0x0] =	vst.idx.msk $0xffff, v1  }
0x2a6: {  	[hbm4b:s25+s8] =	stream.strided.scatter [tilespmem:s15], [sflag:$0x3], $0x4000, s9, s8, $0x38;
	[tilespmem:$0x1C800] =	vst v63  }
0x2a7: {  	s23 =	sadd.s32 @!p1 $0x6800, s23;
	s26 =	simm.s32 @!p1 $0xC800;
	s25 =	simm.s32 @!p1 $0x200  }
0x2a8: {  	[tilespmem:s26], [sflag:$0x1] =	stream.indirect.gather @!p1 [hbm4b:s3+s25], $0x20, s23, s25, $0xb8;
	[tilespmem:$0x1C800] =	vst v63  }
0x2a9: {  	_ =	swait.ge [sflag:s16], $0x4000  }
0x2aa: {  	v0 =	vlaneseq.u32;
	[sflag:s16] =	ssyncset.done $0x0  }
0x2ab: {  	v0 =	vor.u32 s28, v0;
	s23 =	simm.s32 @!p0 $0x4;
	[sflag:s16] =	ssyncadd.s32 $0xFFFFC000  }
0x2ac: {  	v2 =	vlaneseq.u32;
	v1 =	vshll.u32 v0, $0x5;
	_ =	swait.ge @!p0 [sflag:s23], $0x4000  }
0x2ad: {  	v2 =	vor.u32 v2, v1;
	v3 =	vld [tilespmem:$0x1FD10];
	_ =	sdelay $0x2  }
0x2ae: {  	[sflag:s23] =	ssyncset.done @!p0 $0x0  }
0x2af: {  	v0 =	vand.u32 $0x1F8, v0;
	[sflag:s23] =	ssyncadd.s32 @!p0 $0xFFFFC000  }
0x2b0: {  	v2 =	vld.idx.msk [tilespmem:v2+s13+$0x0], $0xffff;
	v3 =	vor.u32 v3, v0;
	_ =	sdelay $0x4  }
0x2b1: {  	v4 =	vor.u32 v41, v1;
	[tilespmem:v3+s17+$0x0] =	vst.idx.msk $0xffff, v2;
	v3 =	vld [tilespmem:$0x1FD20];
	_ =	sdelay $0x4  }
0x2b2: {  	v2 =	vld.idx.msk [tilespmem:v4+s13+$0x0], $0xffff;
	v3 =	vor.u32 v3, v0  }
0x2b3: {  	v4 =	vor.u32 v42, v1;
	_ =	sdelay $0x3  }
0x2b4: {  	[tilespmem:v3+s17+$0x0] =	vst.idx.msk $0xffff, v2  }
0x2b5: {  	v3 =	vor.u32 v11, v0;
	v2 =	vld.idx.msk [tilespmem:v4+s13+$0x0], $0xffff  }
0x2b6: {  	v4 =	vor.u32 v43, v1;
	_ =	sdelay $0x3  }
0x2b7: {  	[tilespmem:v3+s17+$0x0] =	vst.idx.msk $0xffff, v2  }
0x2b8: {  	v3 =	vor.u32 v12, v0;
	v2 =	vld.idx.msk [tilespmem:v4+s13+$0x0], $0xffff  }
0x2b9: {  	v4 =	vor.u32 v44, v1;
	_ =	sdelay $0x3  }
0x2ba: {  	[tilespmem:v3+s17+$0x0] =	vst.idx.msk $0xffff, v2  }
0x2bb: {  	v3 =	vor.u32 v13, v0;
	v2 =	vld.idx.msk [tilespmem:v4+s13+$0x0], $0xffff  }
0x2bc: {  	v4 =	vor.u32 v45, v1;
	_ =	sdelay $0x3  }
0x2bd: {  	[tilespmem:v3+s17+$0x0] =	vst.idx.msk $0xffff, v2  }
0x2be: {  	v3 =	vor.u32 v14, v0;
	v2 =	vld.idx.msk [tilespmem:v4+s13+$0x0], $0xffff  }
0x2bf: {  	v4 =	vor.u32 v46, v1;
	_ =	sdelay $0x3  }
0x2c0: {  	[tilespmem:v3+s17+$0x0] =	vst.idx.msk $0xffff, v2  }
0x2c1: {  	v3 =	vor.u32 v15, v0;
	v2 =	vld.idx.msk [tilespmem:v4+s13+$0x0], $0xffff  }
0x2c2: {  	v4 =	vor.u32 v47, v1;
	_ =	sdelay $0x3  }
0x2c3: {  	[tilespmem:v3+s17+$0x0] =	vst.idx.msk $0xffff, v2  }
0x2c4: {  	v3 =	vor.u32 v16, v0;
	v2 =	vld.idx.msk [tilespmem:v4+s13+$0x0], $0xffff  }
0x2c5: {  	v4 =	vor.u32 v48, v1;
	_ =	sdelay $0x3  }
0x2c6: {  	[tilespmem:v3+s17+$0x0] =	vst.idx.msk $0xffff, v2  }
0x2c7: {  	v3 =	vor.u32 v17, v0;
	v2 =	vld.idx.msk [tilespmem:v4+s13+$0x0], $0xffff  }
0x2c8: {  	v4 =	vor.u32 v49, v1;
	_ =	sdelay $0x3  }
0x2c9: {  	[tilespmem:v3+s17+$0x0] =	vst.idx.msk $0xffff, v2  }
0x2ca: {  	v3 =	vor.u32 v18, v0;
	v2 =	vld.idx.msk [tilespmem:v4+s13+$0x0], $0xffff  }
0x2cb: {  	v4 =	vor.u32 v50, v1;
	_ =	sdelay $0x3  }
0x2cc: {  	[tilespmem:v3+s17+$0x0] =	vst.idx.msk $0xffff, v2  }
0x2cd: {  	v3 =	vor.u32 v19, v0;
	v2 =	vld.idx.msk [tilespmem:v4+s13+$0x0], $0xffff  }
0x2ce: {  	v4 =	vor.u32 v51, v1;
	_ =	sdelay $0x3  }
0x2cf: {  	[tilespmem:v3+s17+$0x0] =	vst.idx.msk $0xffff, v2  }
0x2d0: {  	v3 =	vor.u32 v20, v0;
	v2 =	vld.idx.msk [tilespmem:v4+s13+$0x0], $0xffff  }
0x2d1: {  	v4 =	vor.u32 v56, v1;
	_ =	sdelay $0x3  }
0x2d2: {  	[tilespmem:v3+s17+$0x0] =	vst.idx.msk $0xffff, v2  }
0x2d3: {  	v3 =	vor.u32 v21, v0;
	v2 =	vld.idx.msk [tilespmem:v4+s13+$0x0], $0xffff  }
0x2d4: {  	v4 =	vor.u32 v58, v1;
	_ =	sdelay $0x3  }
0x2d5: {  	[tilespmem:v3+s17+$0x0] =	vst.idx.msk $0xffff, v2  }
0x2d6: {  	v3 =	vor.u32 v22, v0;
	v2 =	vld.idx.msk [tilespmem:v4+s13+$0x0], $0xffff  }
0x2d7: {  	v4 =	vor.u32 v61, v1;
	_ =	sdelay $0x3  }
0x2d8: {  	[tilespmem:v3+s17+$0x0] =	vst.idx.msk $0xffff, v2  }
0x2d9: {  	v3 =	vor.u32 v23, v0;
	v2 =	vld.idx.msk [tilespmem:v4+s13+$0x0], $0xffff  }
0x2da: {  	v4 =	vor.u32 v63, v1;
	_ =	sdelay $0x3  }
0x2db: {  	[tilespmem:v3+s17+$0x0] =	vst.idx.msk $0xffff, v2  }
0x2dc: {  	v3 =	vor.u32 v24, v0;
	v2 =	vld.idx.msk [tilespmem:v4+s13+$0x0], $0xffff  }
0x2dd: {  	v4 =	vor.u32 v8, v1;
	_ =	sdelay $0x3  }
0x2de: {  	[tilespmem:v3+s17+$0x0] =	vst.idx.msk $0xffff, v2  }
0x2df: {  	v3 =	vor.u32 v25, v0;
	v2 =	vld.idx.msk [tilespmem:v4+s13+$0x0], $0xffff  }
0x2e0: {  	v4 =	vor.u32 v59, v1;
	_ =	sdelay $0x3  }
0x2e1: {  	[tilespmem:v3+s17+$0x0] =	vst.idx.msk $0xffff, v2  }
0x2e2: {  	v3 =	vor.u32 v26, v0;
	v2 =	vld.idx.msk [tilespmem:v4+s13+$0x0], $0xffff  }
0x2e3: {  	v4 =	vor.u32 v62, v1;
	_ =	sdelay $0x3  }
0x2e4: {  	[tilespmem:v3+s17+$0x0] =	vst.idx.msk $0xffff, v2  }
0x2e5: {  	v3 =	vor.u32 v27, v0;
	v2 =	vld.idx.msk [tilespmem:v4+s13+$0x0], $0xffff  }
0x2e6: {  	v4 =	vor.u32 v6, v1;
	_ =	sdelay $0x3  }
0x2e7: {  	[tilespmem:v3+s17+$0x0] =	vst.idx.msk $0xffff, v2  }
0x2e8: {  	v3 =	vor.u32 v28, v0;
	v2 =	vld.idx.msk [tilespmem:v4+s13+$0x0], $0xffff  }
0x2e9: {  	v4 =	vor.u32 v52, v1;
	_ =	sdelay $0x3  }
0x2ea: {  	[tilespmem:v3+s17+$0x0] =	vst.idx.msk $0xffff, v2  }
0x2eb: {  	v3 =	vor.u32 v29, v0;
	v2 =	vld.idx.msk [tilespmem:v4+s13+$0x0], $0xffff  }
0x2ec: {  	v4 =	vor.u32 v53, v1;
	_ =	sdelay $0x3  }
0x2ed: {  	[tilespmem:v3+s17+$0x0] =	vst.idx.msk $0xffff, v2  }
0x2ee: {  	v3 =	vor.u32 v30, v0;
	v2 =	vld.idx.msk [tilespmem:v4+s13+$0x0], $0xffff  }
0x2ef: {  	v4 =	vor.u32 v54, v1;
	_ =	sdelay $0x3  }
0x2f0: {  	[tilespmem:v3+s17+$0x0] =	vst.idx.msk $0xffff, v2  }
0x2f1: {  	v3 =	vor.u32 v31, v0;
	v2 =	vld.idx.msk [tilespmem:v4+s13+$0x0], $0xffff  }
0x2f2: {  	v4 =	vor.u32 v55, v1;
	_ =	sdelay $0x3  }
0x2f3: {  	[tilespmem:v3+s17+$0x0] =	vst.idx.msk $0xffff, v2  }
0x2f4: {  	v3 =	vor.u32 v32, v0;
	v2 =	vld.idx.msk [tilespmem:v4+s13+$0x0], $0xffff  }
0x2f5: {  	v4 =	vor.u32 v57, v1;
	_ =	sdelay $0x3  }
0x2f6: {  	[tilespmem:v3+s17+$0x0] =	vst.idx.msk $0xffff, v2  }
0x2f7: {  	v3 =	vor.u32 v33, v0;
	v2 =	vld.idx.msk [tilespmem:v4+s13+$0x0], $0xffff  }
0x2f8: {  	v4 =	vor.u32 v60, v1;
	_ =	sdelay $0x3  }
0x2f9: {  	[tilespmem:v3+s17+$0x0] =	vst.idx.msk $0xffff, v2  }
0x2fa: {  	v3 =	vor.u32 v34, v0;
	v2 =	vld.idx.msk [tilespmem:v4+s13+$0x0], $0xffff  }
0x2fb: {  	v4 =	vor.u32 v5, v1;
	_ =	sdelay $0x3  }
0x2fc: {  	[tilespmem:v3+s17+$0x0] =	vst.idx.msk $0xffff, v2  }
0x2fd: {  	v3 =	vor.u32 v35, v0;
	v2 =	vld.idx.msk [tilespmem:v4+s13+$0x0], $0xffff  }
0x2fe: {  	v4 =	vor.u32 v7, v1;
	_ =	sdelay $0x3  }
0x2ff: {  	[tilespmem:v3+s17+$0x0] =	vst.idx.msk $0xffff, v2  }
0x300: {  	v3 =	vor.u32 v36, v0;
	v2 =	vld.idx.msk [tilespmem:v4+s13+$0x0], $0xffff  }
0x301: {  	v4 =	vor.u32 v9, v1;
	_ =	sdelay $0x3  }
0x302: {  	[tilespmem:v3+s17+$0x0] =	vst.idx.msk $0xffff, v2  }
0x303: {  	v2 =	vld.idx.msk [tilespmem:v4+s13+$0x0], $0xffff  }
0x304: {  	v4 =	vld [tilespmem:$0x1FCE0];
	_ =	sdelay $0x3  }
0x305: {  	v3 =	vor.u32 v37, v0  }
0x306: {  	v4 =	vor.u32 v4, v1;
	_ =	sdelay $0x3  }
0x307: {  	[tilespmem:v3+s17+$0x0] =	vst.idx.msk $0xffff, v2  }
0x308: {  	v3 =	vor.u32 v38, v0;
	v2 =	vld.idx.msk [tilespmem:v4+s13+$0x0], $0xffff  }
0x309: {  	v4 =	vor.u32 v10, v1  }
0x30a: {  	v10 =	vld [tilespmem:$0x1FD00];
	_ =	sdelay $0x2  }
0x30b: {  	[tilespmem:v3+s17+$0x0] =	vst.idx.msk $0xffff, v2  }
0x30c: {  	v3 =	vor.u32 v39, v0;
	v2 =	vld.idx.msk [tilespmem:v4+s13+$0x0], $0xffff  }
0x30d: {  	v1 =	vor.u32 v10, v1;
	_ =	sdelay $0x3  }
0x30e: {  	s31 =	simm.s32 $0x10;
	v4 =	vlaneseq.u32;
	[tilespmem:v3+s17+$0x0] =	vst.idx.msk $0xffff, v2  }
0x30f: {  	s23 =	simm.s32 $0x20;
	v2 =	vor.u32 s31, v4;
	v3 =	vld.idx.msk [tilespmem:v1+s13+$0x0], $0xffff  }
.LBB2_7:
0x310: {  	v0 =	vor.u32 v40, v0;
	_ =	sdelay $0x3  }
0x311: {  	v1 =	vshll.u32 v2, $0x5;
	v4 =	vlaneseq.u32  }
0x312: {  	v4 =	vor.u32 v4, v1;
	[tilespmem:v0+s17+$0x0] =	vst.idx.msk $0xffff, v3;
	v0 =	vand.u32 $0x1F8, v2;
	v2 =	vld [tilespmem:$0x1FD10];
	_ =	sdelay $0x4  }
0x313: {  	v3 =	vld.idx.msk [tilespmem:v4+s13+$0x0], $0xffff;
	v2 =	vor.u32 v2, v0;
	_ =	sdelay $0x4  }
0x314: {  	v4 =	vor.u32 v41, v1;
	[tilespmem:v2+s17+$0x0] =	vst.idx.msk $0xffff, v3;
	v3 =	vld [tilespmem:$0x1FD20];
	_ =	sdelay $0x4  }
0x315: {  	v2 =	vld.idx.msk [tilespmem:v4+s13+$0x0], $0xffff;
	v3 =	vor.u32 v3, v0  }
0x316: {  	v4 =	vor.u32 v42, v1;
	_ =	sdelay $0x3  }
0x317: {  	[tilespmem:v3+s17+$0x0] =	vst.idx.msk $0xffff, v2  }
0x318: {  	v3 =	vor.u32 v11, v0;
	v2 =	vld.idx.msk [tilespmem:v4+s13+$0x0], $0xffff  }
0x319: {  	v4 =	vor.u32 v43, v1;
	_ =	sdelay $0x3  }
0x31a: {  	[tilespmem:v3+s17+$0x0] =	vst.idx.msk $0xffff, v2  }
0x31b: {  	v3 =	vor.u32 v12, v0;
	v2 =	vld.idx.msk [tilespmem:v4+s13+$0x0], $0xffff  }
0x31c: {  	v4 =	vor.u32 v44, v1;
	_ =	sdelay $0x3  }
0x31d: {  	[tilespmem:v3+s17+$0x0] =	vst.idx.msk $0xffff, v2  }
0x31e: {  	v3 =	vor.u32 v13, v0;
	v2 =	vld.idx.msk [tilespmem:v4+s13+$0x0], $0xffff  }
0x31f: {  	v4 =	vor.u32 v45, v1;
	_ =	sdelay $0x3  }
0x320: {  	[tilespmem:v3+s17+$0x0] =	vst.idx.msk $0xffff, v2  }
0x321: {  	v3 =	vor.u32 v14, v0;
	v2 =	vld.idx.msk [tilespmem:v4+s13+$0x0], $0xffff  }
0x322: {  	v4 =	vor.u32 v46, v1;
	_ =	sdelay $0x3  }
0x323: {  	[tilespmem:v3+s17+$0x0] =	vst.idx.msk $0xffff, v2  }
0x324: {  	v3 =	vor.u32 v15, v0;
	v2 =	vld.idx.msk [tilespmem:v4+s13+$0x0], $0xffff  }
0x325: {  	v4 =	vor.u32 v47, v1;
	_ =	sdelay $0x3  }
0x326: {  	[tilespmem:v3+s17+$0x0] =	vst.idx.msk $0xffff, v2  }
0x327: {  	v3 =	vor.u32 v16, v0;
	v2 =	vld.idx.msk [tilespmem:v4+s13+$0x0], $0xffff  }
0x328: {  	v4 =	vor.u32 v48, v1;
	_ =	sdelay $0x3  }
0x329: {  	[tilespmem:v3+s17+$0x0] =	vst.idx.msk $0xffff, v2  }
0x32a: {  	v3 =	vor.u32 v17, v0;
	v2 =	vld.idx.msk [tilespmem:v4+s13+$0x0], $0xffff  }
0x32b: {  	v4 =	vor.u32 v49, v1;
	_ =	sdelay $0x3  }
0x32c: {  	[tilespmem:v3+s17+$0x0] =	vst.idx.msk $0xffff, v2  }
0x32d: {  	v3 =	vor.u32 v18, v0;
	v2 =	vld.idx.msk [tilespmem:v4+s13+$0x0], $0xffff  }
0x32e: {  	v4 =	vor.u32 v50, v1;
	_ =	sdelay $0x3  }
0x32f: {  	[tilespmem:v3+s17+$0x0] =	vst.idx.msk $0xffff, v2  }
0x330: {  	v3 =	vor.u32 v19, v0;
	v2 =	vld.idx.msk [tilespmem:v4+s13+$0x0], $0xffff  }
0x331: {  	v4 =	vor.u32 v51, v1;
	_ =	sdelay $0x3  }
0x332: {  	[tilespmem:v3+s17+$0x0] =	vst.idx.msk $0xffff, v2  }
0x333: {  	v3 =	vor.u32 v20, v0;
	v2 =	vld.idx.msk [tilespmem:v4+s13+$0x0], $0xffff  }
0x334: {  	v4 =	vor.u32 v56, v1;
	_ =	sdelay $0x3  }
0x335: {  	[tilespmem:v3+s17+$0x0] =	vst.idx.msk $0xffff, v2  }
0x336: {  	v3 =	vor.u32 v21, v0;
	v2 =	vld.idx.msk [tilespmem:v4+s13+$0x0], $0xffff  }
0x337: {  	v4 =	vor.u32 v58, v1;
	_ =	sdelay $0x3  }
0x338: {  	[tilespmem:v3+s17+$0x0] =	vst.idx.msk $0xffff, v2  }
0x339: {  	v3 =	vor.u32 v22, v0;
	v2 =	vld.idx.msk [tilespmem:v4+s13+$0x0], $0xffff  }
0x33a: {  	v4 =	vor.u32 v61, v1;
	_ =	sdelay $0x3  }
0x33b: {  	[tilespmem:v3+s17+$0x0] =	vst.idx.msk $0xffff, v2  }
0x33c: {  	v3 =	vor.u32 v23, v0;
	v2 =	vld.idx.msk [tilespmem:v4+s13+$0x0], $0xffff  }
0x33d: {  	v4 =	vor.u32 v63, v1;
	_ =	sdelay $0x3  }
0x33e: {  	[tilespmem:v3+s17+$0x0] =	vst.idx.msk $0xffff, v2  }
0x33f: {  	v3 =	vor.u32 v24, v0;
	v2 =	vld.idx.msk [tilespmem:v4+s13+$0x0], $0xffff  }
0x340: {  	v4 =	vor.u32 v8, v1;
	_ =	sdelay $0x3  }
0x341: {  	[tilespmem:v3+s17+$0x0] =	vst.idx.msk $0xffff, v2  }
0x342: {  	v3 =	vor.u32 v25, v0;
	v2 =	vld.idx.msk [tilespmem:v4+s13+$0x0], $0xffff  }
0x343: {  	v4 =	vor.u32 v59, v1;
	_ =	sdelay $0x3  }
0x344: {  	[tilespmem:v3+s17+$0x0] =	vst.idx.msk $0xffff, v2  }
0x345: {  	v3 =	vor.u32 v26, v0;
	v2 =	vld.idx.msk [tilespmem:v4+s13+$0x0], $0xffff  }
0x346: {  	v4 =	vor.u32 v62, v1;
	_ =	sdelay $0x3  }
0x347: {  	[tilespmem:v3+s17+$0x0] =	vst.idx.msk $0xffff, v2  }
0x348: {  	v3 =	vor.u32 v27, v0;
	v2 =	vld.idx.msk [tilespmem:v4+s13+$0x0], $0xffff  }
0x349: {  	v4 =	vor.u32 v6, v1;
	_ =	sdelay $0x3  }
0x34a: {  	[tilespmem:v3+s17+$0x0] =	vst.idx.msk $0xffff, v2  }
0x34b: {  	v3 =	vor.u32 v28, v0;
	v2 =	vld.idx.msk [tilespmem:v4+s13+$0x0], $0xffff  }
0x34c: {  	v4 =	vor.u32 v52, v1;
	_ =	sdelay $0x3  }
0x34d: {  	[tilespmem:v3+s17+$0x0] =	vst.idx.msk $0xffff, v2  }
0x34e: {  	v3 =	vor.u32 v29, v0;
	v2 =	vld.idx.msk [tilespmem:v4+s13+$0x0], $0xffff  }
0x34f: {  	v4 =	vor.u32 v53, v1;
	_ =	sdelay $0x3  }
0x350: {  	[tilespmem:v3+s17+$0x0] =	vst.idx.msk $0xffff, v2  }
0x351: {  	v3 =	vor.u32 v30, v0;
	v2 =	vld.idx.msk [tilespmem:v4+s13+$0x0], $0xffff  }
0x352: {  	v4 =	vor.u32 v54, v1;
	_ =	sdelay $0x3  }
0x353: {  	[tilespmem:v3+s17+$0x0] =	vst.idx.msk $0xffff, v2  }
0x354: {  	v3 =	vor.u32 v31, v0;
	v2 =	vld.idx.msk [tilespmem:v4+s13+$0x0], $0xffff  }
0x355: {  	v4 =	vor.u32 v55, v1;
	_ =	sdelay $0x3  }
0x356: {  	[tilespmem:v3+s17+$0x0] =	vst.idx.msk $0xffff, v2  }
0x357: {  	v3 =	vor.u32 v32, v0;
	v2 =	vld.idx.msk [tilespmem:v4+s13+$0x0], $0xffff  }
0x358: {  	v4 =	vor.u32 v57, v1;
	_ =	sdelay $0x3  }
0x359: {  	[tilespmem:v3+s17+$0x0] =	vst.idx.msk $0xffff, v2  }
0x35a: {  	v3 =	vor.u32 v33, v0;
	v2 =	vld.idx.msk [tilespmem:v4+s13+$0x0], $0xffff  }
0x35b: {  	v4 =	vor.u32 v60, v1;
	_ =	sdelay $0x3  }
0x35c: {  	[tilespmem:v3+s17+$0x0] =	vst.idx.msk $0xffff, v2  }
0x35d: {  	v3 =	vor.u32 v34, v0;
	v2 =	vld.idx.msk [tilespmem:v4+s13+$0x0], $0xffff  }
0x35e: {  	v4 =	vor.u32 v5, v1;
	_ =	sdelay $0x3  }
0x35f: {  	[tilespmem:v3+s17+$0x0] =	vst.idx.msk $0xffff, v2  }
0x360: {  	v3 =	vor.u32 v35, v0;
	v2 =	vld.idx.msk [tilespmem:v4+s13+$0x0], $0xffff  }
0x361: {  	v4 =	vor.u32 v7, v1;
	_ =	sdelay $0x3  }
0x362: {  	[tilespmem:v3+s17+$0x0] =	vst.idx.msk $0xffff, v2  }
0x363: {  	v3 =	vor.u32 v36, v0;
	v2 =	vld.idx.msk [tilespmem:v4+s13+$0x0], $0xffff  }
0x364: {  	v4 =	vor.u32 v9, v1;
	_ =	sdelay $0x3  }
0x365: {  	[tilespmem:v3+s17+$0x0] =	vst.idx.msk $0xffff, v2  }
0x366: {  	v2 =	vld.idx.msk [tilespmem:v4+s13+$0x0], $0xffff  }
0x367: {  	v4 =	vld [tilespmem:$0x1FCE0];
	_ =	sdelay $0x3  }
0x368: {  	v3 =	vor.u32 v37, v0  }
0x369: {  	v4 =	vor.u32 v4, v1;
	_ =	sdelay $0x3  }
0x36a: {  	[tilespmem:v3+s17+$0x0] =	vst.idx.msk $0xffff, v2  }
0x36b: {  	v2 =	vld.idx.msk [tilespmem:v4+s13+$0x0], $0xffff  }
0x36c: {  	v4 =	vld [tilespmem:$0x1FCF0];
	_ =	sdelay $0x3  }
0x36d: {  	v3 =	vor.u32 v38, v0  }
0x36e: {  	v4 =	vor.u32 v4, v1  }
0x36f: {  	v10 =	vld [tilespmem:$0x1FD00];
	_ =	sdelay $0x2  }
0x370: {  	[tilespmem:v3+s17+$0x0] =	vst.idx.msk $0xffff, v2  }
0x371: {  	v3 =	vor.u32 v39, v0;
	v2 =	vld.idx.msk [tilespmem:v4+s13+$0x0], $0xffff  }
0x372: {  	p0 =	sne.s32 s23, $0x1F0;
	v1 =	vor.u32 v10, v1  }
.Ltmp2:
0x373: {  	_ = 	snop;
	(pc) =	sbr.rel @p0 .LBB2_7-.Ltmp2, $3  }
0x374: {  	_ =	sdelay $0x1  }
0x375: {  	v4 =	vlaneseq.u32;
	[tilespmem:v3+s17+$0x0] =	vst.idx.msk $0xffff, v2  }
0x376: {  	v2 =	vor.u32 s23, v4;
	s23 =	sadd.s32 $0x10, s23;
	v3 =	vld.idx.msk [tilespmem:v1+s13+$0x0], $0xffff  }
0x377: {  	v0 =	vor.u32 v40, v0;
	_ =	sdelay $0x3  }
0x378: {  	v1 =	vshll.u32 v2, $0x5;
	v10 =	vlaneseq.u32  }
0x379: {  	v4 =	vor.u32 v10, v1;
	[tilespmem:v0+s17+$0x0] =	vst.idx.msk $0xffff, v3;
	v3 =	vld [tilespmem:$0x1FD10];
	_ =	sdelay $0x3  }
0x37a: {  	v0 =	vand.u32 $0x1F8, v2  }
0x37b: {  	v2 =	vld.idx.msk [tilespmem:v4+s13+$0x0], $0xffff;
	v3 =	vor.u32 v3, v0;
	_ =	sdelay $0x4  }
0x37c: {  	v4 =	vor.u32 v41, v1;
	[tilespmem:v3+s17+$0x0] =	vst.idx.msk $0xffff, v2;
	v3 =	vld [tilespmem:$0x1FD20];
	_ =	sdelay $0x4  }
0x37d: {  	v2 =	vld.idx.msk [tilespmem:v4+s13+$0x0], $0xffff;
	v3 =	vor.u32 v3, v0  }
0x37e: {  	v4 =	vor.u32 v42, v1;
	_ =	sdelay $0x3  }
0x37f: {  	[tilespmem:v3+s17+$0x0] =	vst.idx.msk $0xffff, v2  }
0x380: {  	v3 =	vor.u32 v11, v0;
	v2 =	vld.idx.msk [tilespmem:v4+s13+$0x0], $0xffff  }
0x381: {  	v4 =	vor.u32 v43, v1;
	_ =	sdelay $0x3  }
0x382: {  	[tilespmem:v3+s17+$0x0] =	vst.idx.msk $0xffff, v2  }
0x383: {  	v3 =	vor.u32 v12, v0;
	v2 =	vld.idx.msk [tilespmem:v4+s13+$0x0], $0xffff  }
0x384: {  	v4 =	vor.u32 v44, v1;
	_ =	sdelay $0x3  }
0x385: {  	[tilespmem:v3+s17+$0x0] =	vst.idx.msk $0xffff, v2  }
0x386: {  	v3 =	vor.u32 v13, v0;
	v2 =	vld.idx.msk [tilespmem:v4+s13+$0x0], $0xffff  }
0x387: {  	v4 =	vor.u32 v45, v1;
	_ =	sdelay $0x3  }
0x388: {  	[tilespmem:v3+s17+$0x0] =	vst.idx.msk $0xffff, v2  }
0x389: {  	v3 =	vor.u32 v14, v0;
	v2 =	vld.idx.msk [tilespmem:v4+s13+$0x0], $0xffff  }
0x38a: {  	v4 =	vor.u32 v46, v1;
	_ =	sdelay $0x3  }
0x38b: {  	[tilespmem:v3+s17+$0x0] =	vst.idx.msk $0xffff, v2  }
0x38c: {  	v3 =	vor.u32 v15, v0;
	v2 =	vld.idx.msk [tilespmem:v4+s13+$0x0], $0xffff  }
0x38d: {  	v4 =	vor.u32 v47, v1;
	_ =	sdelay $0x3  }
0x38e: {  	[tilespmem:v3+s17+$0x0] =	vst.idx.msk $0xffff, v2  }
0x38f: {  	v3 =	vor.u32 v16, v0;
	v2 =	vld.idx.msk [tilespmem:v4+s13+$0x0], $0xffff  }
0x390: {  	v4 =	vor.u32 v48, v1;
	_ =	sdelay $0x3  }
0x391: {  	[tilespmem:v3+s17+$0x0] =	vst.idx.msk $0xffff, v2  }
0x392: {  	v3 =	vor.u32 v17, v0;
	v2 =	vld.idx.msk [tilespmem:v4+s13+$0x0], $0xffff  }
0x393: {  	v4 =	vor.u32 v49, v1;
	_ =	sdelay $0x3  }
0x394: {  	[tilespmem:v3+s17+$0x0] =	vst.idx.msk $0xffff, v2  }
0x395: {  	v3 =	vor.u32 v18, v0;
	v2 =	vld.idx.msk [tilespmem:v4+s13+$0x0], $0xffff  }
0x396: {  	v4 =	vor.u32 v50, v1;
	_ =	sdelay $0x3  }
0x397: {  	[tilespmem:v3+s17+$0x0] =	vst.idx.msk $0xffff, v2  }
0x398: {  	v3 =	vor.u32 v19, v0;
	v2 =	vld.idx.msk [tilespmem:v4+s13+$0x0], $0xffff  }
0x399: {  	v4 =	vor.u32 v51, v1;
	_ =	sdelay $0x3  }
0x39a: {  	[tilespmem:v3+s17+$0x0] =	vst.idx.msk $0xffff, v2  }
0x39b: {  	v3 =	vor.u32 v20, v0;
	v2 =	vld.idx.msk [tilespmem:v4+s13+$0x0], $0xffff  }
0x39c: {  	v4 =	vor.u32 v56, v1;
	_ =	sdelay $0x3  }
0x39d: {  	[tilespmem:v3+s17+$0x0] =	vst.idx.msk $0xffff, v2  }
0x39e: {  	v3 =	vor.u32 v21, v0;
	v2 =	vld.idx.msk [tilespmem:v4+s13+$0x0], $0xffff  }
0x39f: {  	v4 =	vor.u32 v58, v1;
	_ =	sdelay $0x3  }
0x3a0: {  	[tilespmem:v3+s17+$0x0] =	vst.idx.msk $0xffff, v2  }
0x3a1: {  	v3 =	vor.u32 v22, v0;
	v2 =	vld.idx.msk [tilespmem:v4+s13+$0x0], $0xffff  }
0x3a2: {  	v4 =	vor.u32 v61, v1;
	_ =	sdelay $0x3  }
0x3a3: {  	[tilespmem:v3+s17+$0x0] =	vst.idx.msk $0xffff, v2  }
0x3a4: {  	v3 =	vor.u32 v23, v0;
	v2 =	vld.idx.msk [tilespmem:v4+s13+$0x0], $0xffff  }
0x3a5: {  	v4 =	vor.u32 v63, v1;
	_ =	sdelay $0x3  }
0x3a6: {  	[tilespmem:v3+s17+$0x0] =	vst.idx.msk $0xffff, v2  }
0x3a7: {  	v3 =	vor.u32 v24, v0;
	v2 =	vld.idx.msk [tilespmem:v4+s13+$0x0], $0xffff  }
0x3a8: {  	v4 =	vor.u32 v8, v1;
	_ =	sdelay $0x3  }
0x3a9: {  	[tilespmem:v3+s17+$0x0] =	vst.idx.msk $0xffff, v2  }
0x3aa: {  	v3 =	vor.u32 v25, v0;
	v2 =	vld.idx.msk [tilespmem:v4+s13+$0x0], $0xffff  }
0x3ab: {  	v4 =	vor.u32 v59, v1;
	_ =	sdelay $0x3  }
0x3ac: {  	[tilespmem:v3+s17+$0x0] =	vst.idx.msk $0xffff, v2  }
0x3ad: {  	v3 =	vor.u32 v26, v0;
	v2 =	vld.idx.msk [tilespmem:v4+s13+$0x0], $0xffff  }
0x3ae: {  	v4 =	vor.u32 v62, v1;
	_ =	sdelay $0x3  }
0x3af: {  	[tilespmem:v3+s17+$0x0] =	vst.idx.msk $0xffff, v2  }
0x3b0: {  	v3 =	vor.u32 v27, v0;
	v2 =	vld.idx.msk [tilespmem:v4+s13+$0x0], $0xffff  }
0x3b1: {  	v4 =	vor.u32 v6, v1;
	_ =	sdelay $0x3  }
0x3b2: {  	[tilespmem:v3+s17+$0x0] =	vst.idx.msk $0xffff, v2  }
0x3b3: {  	v3 =	vor.u32 v28, v0;
	v2 =	vld.idx.msk [tilespmem:v4+s13+$0x0], $0xffff  }
0x3b4: {  	v4 =	vor.u32 v52, v1;
	_ =	sdelay $0x3  }
0x3b5: {  	[tilespmem:v3+s17+$0x0] =	vst.idx.msk $0xffff, v2  }
0x3b6: {  	v3 =	vor.u32 v29, v0;
	v2 =	vld.idx.msk [tilespmem:v4+s13+$0x0], $0xffff  }
0x3b7: {  	v4 =	vor.u32 v53, v1;
	_ =	sdelay $0x3  }
0x3b8: {  	[tilespmem:v3+s17+$0x0] =	vst.idx.msk $0xffff, v2  }
0x3b9: {  	v3 =	vor.u32 v30, v0;
	v2 =	vld.idx.msk [tilespmem:v4+s13+$0x0], $0xffff  }
0x3ba: {  	v4 =	vor.u32 v54, v1;
	_ =	sdelay $0x3  }
0x3bb: {  	[tilespmem:v3+s17+$0x0] =	vst.idx.msk $0xffff, v2  }
0x3bc: {  	v3 =	vor.u32 v31, v0;
	v2 =	vld.idx.msk [tilespmem:v4+s13+$0x0], $0xffff  }
0x3bd: {  	v4 =	vor.u32 v55, v1;
	_ =	sdelay $0x3  }
0x3be: {  	[tilespmem:v3+s17+$0x0] =	vst.idx.msk $0xffff, v2  }
0x3bf: {  	v3 =	vor.u32 v32, v0;
	v2 =	vld.idx.msk [tilespmem:v4+s13+$0x0], $0xffff  }
0x3c0: {  	v4 =	vor.u32 v57, v1;
	_ =	sdelay $0x3  }
0x3c1: {  	[tilespmem:v3+s17+$0x0] =	vst.idx.msk $0xffff, v2  }
0x3c2: {  	v3 =	vor.u32 v33, v0;
	v2 =	vld.idx.msk [tilespmem:v4+s13+$0x0], $0xffff  }
0x3c3: {  	v4 =	vor.u32 v60, v1;
	_ =	sdelay $0x3  }
0x3c4: {  	[tilespmem:v3+s17+$0x0] =	vst.idx.msk $0xffff, v2  }
0x3c5: {  	v3 =	vor.u32 v34, v0;
	v2 =	vld.idx.msk [tilespmem:v4+s13+$0x0], $0xffff  }
0x3c6: {  	v4 =	vor.u32 v5, v1;
	_ =	sdelay $0x3  }
0x3c7: {  	[tilespmem:v3+s17+$0x0] =	vst.idx.msk $0xffff, v2  }
0x3c8: {  	v3 =	vor.u32 v35, v0;
	v2 =	vld.idx.msk [tilespmem:v4+s13+$0x0], $0xffff  }
0x3c9: {  	v4 =	vor.u32 v7, v1;
	_ =	sdelay $0x3  }
0x3ca: {  	[tilespmem:v3+s17+$0x0] =	vst.idx.msk $0xffff, v2  }
0x3cb: {  	v3 =	vor.u32 v36, v0;
	v2 =	vld.idx.msk [tilespmem:v4+s13+$0x0], $0xffff  }
0x3cc: {  	v4 =	vor.u32 v9, v1;
	_ =	sdelay $0x3  }
0x3cd: {  	[tilespmem:v3+s17+$0x0] =	vst.idx.msk $0xffff, v2  }
0x3ce: {  	v2 =	vld.idx.msk [tilespmem:v4+s13+$0x0], $0xffff  }
0x3cf: {  	v4 =	vld [tilespmem:$0x1FCE0];
	_ =	sdelay $0x3  }
0x3d0: {  	v3 =	vor.u32 v37, v0  }
0x3d1: {  	v4 =	vor.u32 v4, v1;
	_ =	sdelay $0x3  }
0x3d2: {  	[tilespmem:v3+s17+$0x0] =	vst.idx.msk $0xffff, v2  }
0x3d3: {  	v2 =	vld.idx.msk [tilespmem:v4+s13+$0x0], $0xffff  }
0x3d4: {  	v4 =	vld [tilespmem:$0x1FCF0];
	_ =	sdelay $0x3  }
0x3d5: {  	v3 =	vor.u32 v38, v0  }
0x3d6: {  	v4 =	vor.u32 v4, v1;
	_ =	sdelay $0x3  }
0x3d7: {  	[tilespmem:v3+s17+$0x0] =	vst.idx.msk $0xffff, v2  }
0x3d8: {  	v2 =	vld.idx.msk [tilespmem:v4+s13+$0x0], $0xffff  }
0x3d9: {  	v4 =	vld [tilespmem:$0x1FD00];
	_ =	sdelay $0x3  }
0x3da: {  	v3 =	vor.u32 v39, v0  }
0x3db: {  	v1 =	vor.u32 v4, v1;
	_ =	sdelay $0x3  }
0x3dc: {  	[tilespmem:v3+s17+$0x0] =	vst.idx.msk $0xffff, v2  }
0x3dd: {  	s22 =	sadd.s32 $0x1, s22;
	v0 =	vor.u32 v40, v0;
	v1 =	vld.idx.msk [tilespmem:v1+s13+$0x0], $0xffff  }
0x3de: {  	p0 =	sne.s32 s22, $0x19  }
.Ltmp3:
0x3df: {  	s23 =	sshll.u32 s24, $0x13;
	(pc) =	sbr.rel @p0 .LBB2_4-.Ltmp3, $4  }
0x3e0: {  	s23 =	sor.u32 s4, s23  }
0x3e1: {  	s23 =	sshrl.u32 s23, $0x3  }
0x3e2: {  	s23 =	sadd.s32 s5, s23;
	[tilespmem:v0+s17+$0x0] =	vst.idx.msk $0xffff, v1  }
0x3e3: {  	v40 =	vmov v58;
	v58 =	vmov v62;
	[hbm4b:s23+s8] =	stream.strided.scatter [tilespmem:s17], [sflag:$0x4], $0x4000, s9, s8, $0x38;
	[tilespmem:$0x1C800] =	vst v63  }
0x3e4: {  	s20 =	sadd.s32 $0x1, s20  }
0x3e5: {  	_ =	swait.ge [sflag:s18], $0x4000;
	p0 =	sne.s32 s20, s7  }
.Ltmp4:
0x3e6: {  	[sflag:s18] =	ssyncset.done $0x0;
	(pc) =	sbr.rel @p0 .LBB2_1-.Ltmp4, $4  }
0x3e7: {  	[sflag:s18] =	ssyncadd.s32 $0xFFFFC000  }
0x3e8: {  	_ =	swait.ge [sflag:s19], $0x4000  }
0x3e9: {  	[sflag:s19] =	ssyncset.done $0x0  }
0x3ea: {  	[sflag:s19] =	ssyncadd.s32 $0xFFFFC000  }
0x3eb: {  	_ =	sfence.sel $0x180000  }
0x3ec: {  	[bflag:$0x0] =	sbarrier.arrive $0xFFFF  }
0x3ed: {  	p0 =	sne.s32 s2, $0x0;
	_ =	strace $0x90000047  }
0x3ee: {  	s0 =	sadd.s32 @!p0 $0x100000, s0;
	[bflag:$0x2] =	sbarrier.arrive $0xFFFF  }
0x3ef: {  	[sflag:s0] =	ssyncadd.tile.s32 @!p0 $0x1;
	_ =	shalt  }
.Lfunc_end2:
_tile_overlayer_lowered:
.L_overlay_start_2:
0x3f0: {  	(tag) =	ssettag $0x2  }
0x3f1: {  	s0 =	rddreg [dreg:$0x0];
	s2 =	stileid.u32  }
0x3f2: {  	s1 =	rddreg [dreg:$0x1];
	p0 =	sne.s32 s2, $0x0  }
0x3f3: {  	s3 =	rddreg [dreg:$0x2];
	[bflag:$0x3] =	sbarrier.arrive $0xFFFF;
	s2 =	simm.s32 @!p0 $0x1C05  }
0x3f4: {  	[timem:s3], [sflag:s2] =	dma.local @!p0 [hbm:s0], s1  }
0x3f5: {  	s0 =	simm.s32 @!p0 $0x5  }
0x3f6: {  	_ =	swait.ge @!p0 [sflag:s0], s1  }
0x3f7: {  	s1 =	ssub.s32 @!p0 $0x0, s1;
	[sflag:s0] =	ssyncset.done @!p0 $0x0  }
0x3f8: {  	[sflag:s0] =	ssyncadd.s32 @!p0 s1  }
0x3f9: {  	[bflag:$0x3] =	sbarrier.arrive $0xFFFF  }
0x3fa: {  	_ =	shalt  }

</sc_bundles>
